<compile_context>
chip_gen: v7x
topology: tpu7x:2x2x1
jax: 0.10.2.dev20260603
libtpu: 0.0.44.dev20260713+nightly
codegen_flags: <defaults>
</compile_context>

<pallas_src>
import functools

import jax
import jax.numpy as jnp
from jax import lax
from jax.experimental import pallas as pl
from jax.experimental.pallas import tpu as pltpu
from jax.experimental.pallas import tpu_sc as plsc

_V = 100000
_E = 64
_CTX = 20
_B = 4096

_VPAD = 100096
_VB = 2176
_NV = _VPAD // _VB
_BB = 256
_NB = _B // _BB
_KE = 128

_NW = 32
_CHUNK = 128
_NCHUNK = (_B * _CTX) // (_NW * _CHUNK)
_EP = 128


def _sc_gather(idx3, table):
    mesh = plsc.VectorSubcoreMesh(core_axis_name="c", subcore_axis_name="s")

    @functools.partial(
        pl.kernel,
        mesh=mesh,
        out_type=jax.ShapeDtypeStruct((_B * _CTX, _EP), jnp.float32),
        scratch_types=[
            pltpu.VMEM((_NCHUNK, _CHUNK), jnp.int32),
            pltpu.VMEM((2, _CHUNK, _EP), jnp.float32),
            pltpu.SemaphoreType.DMA,
            pltpu.SemaphoreType.DMA,
        ],
    )
    def gk(idx_hbm, table_hbm, out_hbm, idx_v, rows_v, sem0, sem1):
        wid = lax.axis_index("s") * 2 + lax.axis_index("c")
        base = wid * (_NCHUNK * _CHUNK)
        pltpu.sync_copy(idx_hbm.at[wid], idx_v)
        sems = (sem0, sem1)
        handles = [None, None]
        handles[0] = pltpu.async_copy(table_hbm.at[idx_v.at[0]], rows_v.at[0], sem0)
        for c in range(_NCHUNK):
            nxt = c + 1
            if nxt < _NCHUNK:
                handles[nxt % 2] = pltpu.async_copy(
                    table_hbm.at[idx_v.at[nxt]], rows_v.at[nxt % 2], sems[nxt % 2]
                )
            handles[c % 2].wait()
            pltpu.sync_copy(
                rows_v.at[c % 2], out_hbm.at[pl.ds(base + c * _CHUNK, _CHUNK)]
            )

    return gk(idx3, table)


def _wstat_body(wt_ref, wn_ref, bm_ref, mw_ref, mb_ref):
    j = pl.program_id(0)
    nv = pl.num_programs(0)
    w = wt_ref[0:_E, :].astype(jnp.float32)
    w2 = jnp.sum(w * w, axis=0, keepdims=True)
    bmx = wt_ref[_E : _E + 1, :].astype(jnp.float32)
    blk_w2 = jnp.max(w2)
    blk_b = jnp.max(bmx)

    @pl.when(j == 0)
    def _():
        mw_ref[...] = jnp.full((1, 128), -1e38, jnp.float32)
        mb_ref[...] = jnp.full((1, 128), -1e38, jnp.float32)

    mw = jnp.maximum(mw_ref[...], blk_w2)
    mb = jnp.maximum(mb_ref[...], blk_b)
    mw_ref[...] = mw
    mb_ref[...] = mb

    @pl.when(j == nv - 1)
    def _():
        wn_ref[...] = jnp.sqrt(mw)
        bm_ref[...] = mb


def _sum_body(emb_ref, wn_ref, bm_ref, smd_ref):
    acc = emb_ref[:, 0, :]
    for t in range(1, _CTX):
        acc = acc + emb_ref[:, t, :]
    nrm = jnp.sqrt(jnp.sum(acc * acc, axis=1, keepdims=True))
    mhat = nrm * wn_ref[0, 0] + bm_ref[0, 0] + 1.0
    li = lax.broadcasted_iota(jnp.int32, (_BB, _KE), 1)
    v = jnp.where(li == _E, 1.0, acc)
    v = jnp.where(li == _E + 1, -mhat, v)
    smd_ref[...] = v.astype(jnp.bfloat16)


def _fused_body(smd_ref, wt_ref, lg_ref, lse_ref, s_ref):
    j = pl.program_id(0)
    i = pl.program_id(1)
    nv = pl.num_programs(0)
    r0 = i * _BB
    lg = lax.dot_general(
        smd_ref[...], wt_ref[...], (((1,), (0,)), ((), ())),
        preferred_element_type=jnp.float32,
    )
    lg_ref[...] = lg
    rs = jnp.sum(jnp.exp(lg), axis=1, keepdims=True)

    @pl.when(j == 0)
    def _():
        s_ref[pl.ds(r0, _BB), :] = jnp.zeros((_BB, 1), jnp.float32)

    s_new = s_ref[pl.ds(r0, _BB), :] + rs
    s_ref[pl.ds(r0, _BB), :] = s_new

    @pl.when(j == nv - 1)
    def _():
        lse_ref[...] = jnp.log(s_new)


def _tc_forward(embeds, wt_ext):
    wn, bm = pl.pallas_call(
        _wstat_body,
        grid=(_NV,),
        in_specs=[pl.BlockSpec((_KE, _VB), lambda j: (0, j))],
        out_specs=[
            pl.BlockSpec((1, 128), lambda j: (0, 0)),
            pl.BlockSpec((1, 128), lambda j: (0, 0)),
        ],
        out_shape=[
            jax.ShapeDtypeStruct((1, 128), jnp.float32),
            jax.ShapeDtypeStruct((1, 128), jnp.float32),
        ],
        scratch_shapes=[
            pltpu.VMEM((1, 128), jnp.float32),
            pltpu.VMEM((1, 128), jnp.float32),
        ],
        compiler_params=pltpu.CompilerParams(
            dimension_semantics=("arbitrary",)
        ),
    )(wt_ext)

    smd = pl.pallas_call(
        _sum_body,
        grid=(_NB,),
        in_specs=[
            pl.BlockSpec((_BB, _CTX, _EP), lambda i: (i, 0, 0)),
            pl.BlockSpec((1, 128), lambda i: (0, 0)),
            pl.BlockSpec((1, 128), lambda i: (0, 0)),
        ],
        out_specs=pl.BlockSpec((_BB, _KE), lambda i: (i, 0)),
        out_shape=jax.ShapeDtypeStruct((_B, _KE), jnp.bfloat16),
    )(embeds, wn, bm)

    lg, lse = pl.pallas_call(
        _fused_body,
        grid=(_NV, _NB),
        in_specs=[
            pl.BlockSpec((_BB, _KE), lambda j, i: (i, 0)),
            pl.BlockSpec((_KE, _VB), lambda j, i: (0, j)),
        ],
        out_specs=[
            pl.BlockSpec((_BB, _VB), lambda j, i: (i, j)),
            pl.BlockSpec((_BB, 1), lambda j, i: (i, 0)),
        ],
        out_shape=[
            jax.ShapeDtypeStruct((_B, _VPAD), jnp.float32),
            jax.ShapeDtypeStruct((_B, 1), jnp.float32),
        ],
        scratch_shapes=[pltpu.VMEM((_B, 1), jnp.float32)],
        compiler_params=pltpu.CompilerParams(
            dimension_semantics=("arbitrary", "arbitrary")
        ),
    )(smd, wt_ext)
    return lg, lse


def kernel(inputs, emb_table, W, b):
    idx3 = inputs.reshape(_NW, _NCHUNK, _CHUNK)
    table_p = jnp.zeros((_V, _EP), jnp.float32).at[:, :_E].set(emb_table)
    embeds = _sc_gather(idx3, table_p).reshape(_B, _CTX, _EP)
    b_row = jnp.full((_VPAD,), -1e30, jnp.float32).at[:_V].set(b)
    wt_ext = (
        jnp.zeros((_KE, _VPAD), jnp.float32)
        .at[:_E, :_V].set(W.T)
        .at[_E, :].set(b_row)
        .at[_E + 1, :].set(1.0)
        .astype(jnp.bfloat16)
    )
    lg, lse = _tc_forward(embeds, wt_ext)
    return lg[:, :_V] - lse

# --- scband reference (transcript-rebuilt; emitter-appended) ---
"""Pipeline reference for scband-continuous-bag-of-words-13082470384314 (READ-ONLY COPY).

The authoritative reference and input builder live on the scoring server;
editing this copy changes nothing except your own understanding.
"""

import jax, jax.numpy as jnp
import numpy as np

VOCAB = 100000
EMB = 64
CTX = 20
BATCH = 4096

def setup_inputs(seed: int = 0) -> dict:
    key = jax.random.key(seed)
    k1, k2, k3, k4 = jax.random.split(key, 4)
    inputs = jax.random.randint(k1, (BATCH, CTX), 0, VOCAB, dtype=jnp.int64 if jax.config.jax_enable_x64 else jnp.int32).astype(jnp.int32)
    emb_table = jax.random.normal(k2, (VOCAB, EMB), dtype=jnp.float32) * (1.0 / np.sqrt(EMB))
    W = jax.random.normal(k3, (VOCAB, EMB), dtype=jnp.float32) * (1.0 / np.sqrt(EMB))
    b = jax.random.normal(k4, (VOCAB,), dtype=jnp.float32) * 0.01
    return {"inputs": inputs, "emb_table": emb_table, "W": W, "b": b}

def reference(inputs, emb_table, W, b):
    # embedding lookup: gather rows of the table
    embeds = jnp.take(emb_table, inputs, axis=0)          # [B, CTX, EMB]
    summed = embeds.sum(axis=-2)                          # [B, EMB]
    out = summed @ W.T + b                                # [B, VOCAB]
    log_probs = jax.nn.log_softmax(out, axis=-1)
    return log_probs

if __name__ == "__main__":
    import jax
    _d = setup_inputs()
    print(jax.jit(kernel)(*tuple(_d.values())))

</pallas_src>

<mosaic_0001>
#map = affine_map<(d0, d1) -> (0, 0, 0)>
#map1 = affine_map<(d0, d1) -> (0, 0)>
module attributes {stable_mosaic.version = 14 : i64} {
  func.func @gk(%arg0: i32, %arg1: i32, %arg2: memref<32x20x128xi32, #tpu.memory_space<hbm>>, %arg3: memref<100000x128xf32, #tpu.memory_space<hbm>>, %arg4: memref<81920x128xf32, #tpu.memory_space<hbm>>, %arg5: memref<20x128xi32, #tpu.memory_space<vmem>>, %arg6: memref<2x128x128xf32, #tpu.memory_space<vmem>>, %arg7: memref<!tpu.dma_semaphore, #tpu.memory_space<semaphore_mem>>, %arg8: memref<!tpu.dma_semaphore, #tpu.memory_space<semaphore_mem>>) attributes {dimension_semantics = [#tpu.dimension_semantics<core_parallel>, #tpu.dimension_semantics<subcore_parallel>], iteration_bounds = array<i64: 2, 16>, scalar_prefetch = 0 : i64, scratch_operands = 4 : i64, tpu.core_type = #tpu.core_type<sc_vector_subcore>, window_params = [{transform_indices = #map}, {transform_indices = #map1}, {transform_indices = #map1}]} {
    %mul3A = arith.constant 2 : i32
    %mul3A_0 = arith.muli %arg1, %mul3A : i32
    %add3A = arith.addi %mul3A_0, %arg0 : i32
    %mul3A_1 = arith.constant 2560 : i32
    %mul3A_2 = arith.muli %add3A, %mul3A_1 : i32
    "tpu.region"() ({
      %run_scoped3A_540 = tpu.sem_alloc : memref<!tpu.dma_semaphore, #tpu.memory_space<semaphore_mem>>
      %dma_start3A_541 = arith.constant 0 : i32
      %dma_start3A_542 = arith.constant 0 : i32
      %dma_start3A_543 = tpu.memref_slice %arg2[%add3A, %dma_start3A_541, %dma_start3A_542] : memref<32x20x128xi32, #tpu.memory_space<hbm>> -> memref<1x20x128xi32, #tpu.memory_space<hbm>>
      %dma_start3A_544 = tpu.memref_squeeze %dma_start3A_543 : memref<1x20x128xi32, #tpu.memory_space<hbm>> -> memref<20x128xi32, #tpu.memory_space<hbm>>
      %dma_start3A_545 = arith.constant 0 : i32
      %dma_start3A_546 = arith.constant 0 : i32
      %dma_start3A_547 = tpu.memref_slice %arg2[%add3A, %dma_start3A_545, %dma_start3A_546] : memref<32x20x128xi32, #tpu.memory_space<hbm>> -> memref<1x20x128xi32, #tpu.memory_space<hbm>>
      %dma_start3A_548 = tpu.memref_squeeze %dma_start3A_547 : memref<1x20x128xi32, #tpu.memory_space<hbm>> -> memref<20x128xi32, #tpu.memory_space<hbm>>
      tpu.enqueue_dma source(%dma_start3A_548 : memref<20x128xi32, #tpu.memory_space<hbm>>) target(%arg5 : memref<20x128xi32, #tpu.memory_space<vmem>>) target_semaphore(%run_scoped3A_540 : memref<!tpu.dma_semaphore, #tpu.memory_space<semaphore_mem>>)
      %dma_wait3A_549 = arith.constant 0 : i32
      %dma_wait3A_550 = arith.constant 0 : i32
      %dma_wait3A_551 = tpu.memref_slice %arg2[%add3A, %dma_wait3A_549, %dma_wait3A_550] : memref<32x20x128xi32, #tpu.memory_space<hbm>> -> memref<1x20x128xi32, #tpu.memory_space<hbm>>
      %dma_wait3A_552 = tpu.memref_squeeze %dma_wait3A_551 : memref<1x20x128xi32, #tpu.memory_space<hbm>> -> memref<20x128xi32, #tpu.memory_space<hbm>>
      %dma_wait3A_553 = arith.constant 0 : i32
      %dma_wait3A_554 = arith.constant 0 : i32
      %dma_wait3A_555 = tpu.memref_slice %arg2[%add3A, %dma_wait3A_553, %dma_wait3A_554] : memref<32x20x128xi32, #tpu.memory_space<hbm>> -> memref<1x20x128xi32, #tpu.memory_space<hbm>>
      %dma_wait3A_556 = tpu.memref_squeeze %dma_wait3A_555 : memref<1x20x128xi32, #tpu.memory_space<hbm>> -> memref<20x128xi32, #tpu.memory_space<hbm>>
      tpu.wait_dma2 semaphore(%run_scoped3A_540 : memref<!tpu.dma_semaphore, #tpu.memory_space<semaphore_mem>>) src(%dma_wait3A_556 : memref<20x128xi32, #tpu.memory_space<hbm>>) dst(%arg5 : memref<20x128xi32, #tpu.memory_space<vmem>>)
      tpu.yield
    }) : () -> ()
    %dma_start3A = arith.constant 0 : i32
    %dma_start3A_3 = arith.constant 0 : i32
    %dma_start3A_4 = arith.constant 0 : i32
    %dma_start3A_5 = arith.constant 0 : i32
    %dma_start3A_6 = tpu.memref_slice %arg6[%dma_start3A_3, %dma_start3A_4, %dma_start3A_5] : memref<2x128x128xf32, #tpu.memory_space<vmem>> -> memref<1x128x128xf32, #tpu.memory_space<vmem>>
    %dma_start3A_7 = tpu.memref_squeeze %dma_start3A_6 : memref<1x128x128xf32, #tpu.memory_space<vmem>> -> memref<128x128xf32, #tpu.memory_space<vmem>>
    %dma_start3A_8 = arith.constant 0 : i32
    %dma_start3A_9 = tpu.memref_slice %arg5[%dma_start3A, %dma_start3A_8] : memref<20x128xi32, #tpu.memory_space<vmem>> -> memref<1x128xi32, #tpu.memory_space<vmem>>
    %dma_start3A_10 = tpu.memref_squeeze %dma_start3A_9 : memref<1x128xi32, #tpu.memory_space<vmem>> -> memref<128xi32, #tpu.memory_space<vmem>>
    %dma_start3A_11 = arith.constant 0 : i32
    %dma_start3A_12 = arith.constant 0 : i32
    %dma_start3A_13 = tpu.memref_slice %arg3[%dma_start3A_11, %dma_start3A_12] : memref<100000x128xf32, #tpu.memory_space<hbm>> -> memref<100000x128xf32, #tpu.memory_space<hbm>>
    tpu.enqueue_indirect_dma source(%dma_start3A_13 : memref<100000x128xf32, #tpu.memory_space<hbm>>) target(%dma_start3A_7 : memref<128x128xf32, #tpu.memory_space<vmem>>) offsets(%dma_start3A_10 : memref<128xi32, #tpu.memory_space<vmem>>) semaphore(%arg7 : memref<!tpu.dma_semaphore, #tpu.memory_space<semaphore_mem>>)
    %dma_start3A_14 = arith.constant 1 : i32
    %dma_start3A_15 = arith.constant 1 : i32
    %dma_start3A_16 = arith.constant 0 : i32
    %dma_start3A_17 = arith.constant 0 : i32
    %dma_start3A_18 = tpu.memref_slice %arg6[%dma_start3A_15, %dma_start3A_16, %dma_start3A_17] : memref<2x128x128xf32, #tpu.memory_space<vmem>> -> memref<1x128x128xf32, #tpu.memory_space<vmem>>
    %dma_start3A_19 = tpu.memref_squeeze %dma_start3A_18 : memref<1x128x128xf32, #tpu.memory_space<vmem>> -> memref<128x128xf32, #tpu.memory_space<vmem>>
    %dma_start3A_20 = arith.constant 0 : i32
    %dma_start3A_21 = tpu.memref_slice %arg5[%dma_start3A_14, %dma_start3A_20] : memref<20x128xi32, #tpu.memory_space<vmem>> -> memref<1x128xi32, #tpu.memory_space<vmem>>
    %dma_start3A_22 = tpu.memref_squeeze %dma_start3A_21 : memref<1x128xi32, #tpu.memory_space<vmem>> -> memref<128xi32, #tpu.memory_space<vmem>>
    %dma_start3A_23 = arith.constant 0 : i32
    %dma_start3A_24 = arith.constant 0 : i32
    %dma_start3A_25 = tpu.memref_slice %arg3[%dma_start3A_23, %dma_start3A_24] : memref<100000x128xf32, #tpu.memory_space<hbm>> -> memref<100000x128xf32, #tpu.memory_space<hbm>>
    tpu.enqueue_indirect_dma source(%dma_start3A_25 : memref<100000x128xf32, #tpu.memory_space<hbm>>) target(%dma_start3A_19 : memref<128x128xf32, #tpu.memory_space<vmem>>) offsets(%dma_start3A_22 : memref<128xi32, #tpu.memory_space<vmem>>) semaphore(%arg8 : memref<!tpu.dma_semaphore, #tpu.memory_space<semaphore_mem>>)
    %dma_wait3A = arith.constant 0 : i32
    %dma_wait3A_26 = arith.constant 0 : i32
    %dma_wait3A_27 = arith.constant 0 : i32
    %dma_wait3A_28 = arith.constant 0 : i32
    %dma_wait3A_29 = tpu.memref_slice %arg6[%dma_wait3A_26, %dma_wait3A_27, %dma_wait3A_28] : memref<2x128x128xf32, #tpu.memory_space<vmem>> -> memref<1x128x128xf32, #tpu.memory_space<vmem>>
    %dma_wait3A_30 = tpu.memref_squeeze %dma_wait3A_29 : memref<1x128x128xf32, #tpu.memory_space<vmem>> -> memref<128x128xf32, #tpu.memory_space<vmem>>
    %dma_wait3A_31 = arith.constant 0 : i32
    %dma_wait3A_32 = tpu.memref_slice %arg5[%dma_wait3A, %dma_wait3A_31] : memref<20x128xi32, #tpu.memory_space<vmem>> -> memref<1x128xi32, #tpu.memory_space<vmem>>
    %dma_wait3A_33 = tpu.memref_squeeze %dma_wait3A_32 : memref<1x128xi32, #tpu.memory_space<vmem>> -> memref<128xi32, #tpu.memory_space<vmem>>
    %dma_wait3A_34 = arith.constant 0 : i32
    %dma_wait3A_35 = arith.constant 0 : i32
    %dma_wait3A_36 = tpu.memref_slice %arg3[%dma_wait3A_34, %dma_wait3A_35] : memref<100000x128xf32, #tpu.memory_space<hbm>> -> memref<100000x128xf32, #tpu.memory_space<hbm>>
    tpu.wait_indirect_dma semaphore(%arg7 : memref<!tpu.dma_semaphore, #tpu.memory_space<semaphore_mem>>) src(%dma_wait3A_36 : memref<100000x128xf32, #tpu.memory_space<hbm>>) dst(%dma_wait3A_30 : memref<128x128xf32, #tpu.memory_space<vmem>>)
    %add3A_37 = arith.constant 0 : i32
    %add3A_38 = arith.addi %mul3A_2, %add3A_37 : i32
    %run_scoped3A = arith.constant 0 : i32
    "tpu.region"() ({
      %run_scoped3A_540 = tpu.sem_alloc : memref<!tpu.dma_semaphore, #tpu.memory_space<semaphore_mem>>
      %dma_start3A_541 = arith.constant 0 : i32
      %dma_start3A_542 = arith.constant 0 : i32
      %dma_start3A_543 = tpu.memref_slice %arg6[%run_scoped3A, %dma_start3A_541, %dma_start3A_542] : memref<2x128x128xf32, #tpu.memory_space<vmem>> -> memref<1x128x128xf32, #tpu.memory_space<vmem>>
      %dma_start3A_544 = tpu.memref_squeeze %dma_start3A_543 : memref<1x128x128xf32, #tpu.memory_space<vmem>> -> memref<128x128xf32, #tpu.memory_space<vmem>>
      %dma_start3A_545 = arith.constant 0 : i32
      %dma_start3A_546 = tpu.memref_slice %arg4[%add3A_38, %dma_start3A_545] : memref<81920x128xf32, #tpu.memory_space<hbm>> -> memref<128x128xf32, #tpu.memory_space<hbm>>
      %dma_start3A_547 = arith.constant 0 : i32
      %dma_start3A_548 = tpu.memref_slice %arg4[%add3A_38, %dma_start3A_547] : memref<81920x128xf32, #tpu.memory_space<hbm>> -> memref<128x128xf32, #tpu.memory_space<hbm>>
      %dma_start3A_549 = arith.constant 0 : i32
      %dma_start3A_550 = arith.constant 0 : i32
      %dma_start3A_551 = tpu.memref_slice %arg6[%run_scoped3A, %dma_start3A_549, %dma_start3A_550] : memref<2x128x128xf32, #tpu.memory_space<vmem>> -> memref<1x128x128xf32, #tpu.memory_space<vmem>>
      %dma_start3A_552 = tpu.memref_squeeze %dma_start3A_551 : memref<1x128x128xf32, #tpu.memory_space<vmem>> -> memref<128x128xf32, #tpu.memory_space<vmem>>
      tpu.enqueue_dma source(%dma_start3A_552 : memref<128x128xf32, #tpu.memory_space<vmem>>) target(%dma_start3A_548 : memref<128x128xf32, #tpu.memory_space<hbm>>) target_semaphore(%run_scoped3A_540 : memref<!tpu.dma_semaphore, #tpu.memory_space<semaphore_mem>>)
      %dma_wait3A_553 = arith.constant 0 : i32
      %dma_wait3A_554 = arith.constant 0 : i32
      %dma_wait3A_555 = tpu.memref_slice %arg6[%run_scoped3A, %dma_wait3A_553, %dma_wait3A_554] : memref<2x128x128xf32, #tpu.memory_space<vmem>> -> memref<1x128x128xf32, #tpu.memory_space<vmem>>
      %dma_wait3A_556 = tpu.memref_squeeze %dma_wait3A_555 : memref<1x128x128xf32, #tpu.memory_space<vmem>> -> memref<128x128xf32, #tpu.memory_space<vmem>>
      %dma_wait3A_557 = arith.constant 0 : i32
      %dma_wait3A_558 = tpu.memref_slice %arg4[%add3A_38, %dma_wait3A_557] : memref<81920x128xf32, #tpu.memory_space<hbm>> -> memref<128x128xf32, #tpu.memory_space<hbm>>
      %dma_wait3A_559 = arith.constant 0 : i32
      %dma_wait3A_560 = tpu.memref_slice %arg4[%add3A_38, %dma_wait3A_559] : memref<81920x128xf32, #tpu.memory_space<hbm>> -> memref<128x128xf32, #tpu.memory_space<hbm>>
      %dma_wait3A_561 = arith.constant 0 : i32
      %dma_wait3A_562 = arith.constant 0 : i32
      %dma_wait3A_563 = tpu.memref_slice %arg6[%run_scoped3A, %dma_wait3A_561, %dma_wait3A_562] : memref<2x128x128xf32, #tpu.memory_space<vmem>> -> memref<1x128x128xf32, #tpu.memory_space<vmem>>
      %dma_wait3A_564 = tpu.memref_squeeze %dma_wait3A_563 : memref<1x128x128xf32, #tpu.memory_space<vmem>> -> memref<128x128xf32, #tpu.memory_space<vmem>>
      tpu.wait_dma2 semaphore(%run_scoped3A_540 : memref<!tpu.dma_semaphore, #tpu.memory_space<semaphore_mem>>) src(%dma_wait3A_564 : memref<128x128xf32, #tpu.memory_space<vmem>>) dst(%dma_wait3A_560 : memref<128x128xf32, #tpu.memory_space<hbm>>)
      tpu.yield
    }) : () -> ()
    %dma_start3A_39 = arith.constant 2 : i32
    %dma_start3A_40 = arith.constant 0 : i32
    %dma_start3A_41 = arith.constant 0 : i32
    %dma_start3A_42 = arith.constant 0 : i32
    %dma_start3A_43 = tpu.memref_slice %arg6[%dma_start3A_40, %dma_start3A_41, %dma_start3A_42] : memref<2x128x128xf32, #tpu.memory_space<vmem>> -> memref<1x128x128xf32, #tpu.memory_space<vmem>>
    %dma_start3A_44 = tpu.memref_squeeze %dma_start3A_43 : memref<1x128x128xf32, #tpu.memory_space<vmem>> -> memref<128x128xf32, #tpu.memory_space<vmem>>
    %dma_start3A_45 = arith.constant 0 : i32
    %dma_start3A_46 = tpu.memref_slice %arg5[%dma_start3A_39, %dma_start3A_45] : memref<20x128xi32, #tpu.memory_space<vmem>> -> memref<1x128xi32, #tpu.memory_space<vmem>>
    %dma_start3A_47 = tpu.memref_squeeze %dma_start3A_46 : memref<1x128xi32, #tpu.memory_space<vmem>> -> memref<128xi32, #tpu.memory_space<vmem>>
    %dma_start3A_48 = arith.constant 0 : i32
    %dma_start3A_49 = arith.constant 0 : i32
    %dma_start3A_50 = tpu.memref_slice %arg3[%dma_start3A_48, %dma_start3A_49] : memref<100000x128xf32, #tpu.memory_space<hbm>> -> memref<100000x128xf32, #tpu.memory_space<hbm>>
    tpu.enqueue_indirect_dma source(%dma_start3A_50 : memref<100000x128xf32, #tpu.memory_space<hbm>>) target(%dma_start3A_44 : memref<128x128xf32, #tpu.memory_space<vmem>>) offsets(%dma_start3A_47 : memref<128xi32, #tpu.memory_space<vmem>>) semaphore(%arg7 : memref<!tpu.dma_semaphore, #tpu.memory_space<semaphore_mem>>)
    %dma_wait3A_51 = arith.constant 1 : i32
    %dma_wait3A_52 = arith.constant 1 : i32
    %dma_wait3A_53 = arith.constant 0 : i32
    %dma_wait3A_54 = arith.constant 0 : i32
    %dma_wait3A_55 = tpu.memref_slice %arg6[%dma_wait3A_52, %dma_wait3A_53, %dma_wait3A_54] : memref<2x128x128xf32, #tpu.memory_space<vmem>> -> memref<1x128x128xf32, #tpu.memory_space<vmem>>
    %dma_wait3A_56 = tpu.memref_squeeze %dma_wait3A_55 : memref<1x128x128xf32, #tpu.memory_space<vmem>> -> memref<128x128xf32, #tpu.memory_space<vmem>>
    %dma_wait3A_57 = arith.constant 0 : i32
    %dma_wait3A_58 = tpu.memref_slice %arg5[%dma_wait3A_51, %dma_wait3A_57] : memref<20x128xi32, #tpu.memory_space<vmem>> -> memref<1x128xi32, #tpu.memory_space<vmem>>
    %dma_wait3A_59 = tpu.memref_squeeze %dma_wait3A_58 : memref<1x128xi32, #tpu.memory_space<vmem>> -> memref<128xi32, #tpu.memory_space<vmem>>
    %dma_wait3A_60 = arith.constant 0 : i32
    %dma_wait3A_61 = arith.constant 0 : i32
    %dma_wait3A_62 = tpu.memref_slice %arg3[%dma_wait3A_60, %dma_wait3A_61] : memref<100000x128xf32, #tpu.memory_space<hbm>> -> memref<100000x128xf32, #tpu.memory_space<hbm>>
    tpu.wait_indirect_dma semaphore(%arg8 : memref<!tpu.dma_semaphore, #tpu.memory_space<semaphore_mem>>) src(%dma_wait3A_62 : memref<100000x128xf32, #tpu.memory_space<hbm>>) dst(%dma_wait3A_56 : memref<128x128xf32, #tpu.memory_space<vmem>>)
    %add3A_63 = arith.constant 128 : i32
    %add3A_64 = arith.addi %mul3A_2, %add3A_63 : i32
    %run_scoped3A_65 = arith.constant 1 : i32
    "tpu.region"() ({
      %run_scoped3A_540 = tpu.sem_alloc : memref<!tpu.dma_semaphore, #tpu.memory_space<semaphore_mem>>
      %dma_start3A_541 = arith.constant 0 : i32
      %dma_start3A_542 = arith.constant 0 : i32
      %dma_start3A_543 = tpu.memref_slice %arg6[%run_scoped3A_65, %dma_start3A_541, %dma_start3A_542] : memref<2x128x128xf32, #tpu.memory_space<vmem>> -> memref<1x128x128xf32, #tpu.memory_space<vmem>>
      %dma_start3A_544 = tpu.memref_squeeze %dma_start3A_543 : memref<1x128x128xf32, #tpu.memory_space<vmem>> -> memref<128x128xf32, #tpu.memory_space<vmem>>
      %dma_start3A_545 = arith.constant 0 : i32
      %dma_start3A_546 = tpu.memref_slice %arg4[%add3A_64, %dma_start3A_545] : memref<81920x128xf32, #tpu.memory_space<hbm>> -> memref<128x128xf32, #tpu.memory_space<hbm>>
      %dma_start3A_547 = arith.constant 0 : i32
      %dma_start3A_548 = tpu.memref_slice %arg4[%add3A_64, %dma_start3A_547] : memref<81920x128xf32, #tpu.memory_space<hbm>> -> memref<128x128xf32, #tpu.memory_space<hbm>>
      %dma_start3A_549 = arith.constant 0 : i32
      %dma_start3A_550 = arith.constant 0 : i32
      %dma_start3A_551 = tpu.memref_slice %arg6[%run_scoped3A_65, %dma_start3A_549, %dma_start3A_550] : memref<2x128x128xf32, #tpu.memory_space<vmem>> -> memref<1x128x128xf32, #tpu.memory_space<vmem>>
      %dma_start3A_552 = tpu.memref_squeeze %dma_start3A_551 : memref<1x128x128xf32, #tpu.memory_space<vmem>> -> memref<128x128xf32, #tpu.memory_space<vmem>>
      tpu.enqueue_dma source(%dma_start3A_552 : memref<128x128xf32, #tpu.memory_space<vmem>>) target(%dma_start3A_548 : memref<128x128xf32, #tpu.memory_space<hbm>>) target_semaphore(%run_scoped3A_540 : memref<!tpu.dma_semaphore, #tpu.memory_space<semaphore_mem>>)
      %dma_wait3A_553 = arith.constant 0 : i32
      %dma_wait3A_554 = arith.constant 0 : i32
      %dma_wait3A_555 = tpu.memref_slice %arg6[%run_scoped3A_65, %dma_wait3A_553, %dma_wait3A_554] : memref<2x128x128xf32, #tpu.memory_space<vmem>> -> memref<1x128x128xf32, #tpu.memory_space<vmem>>
      %dma_wait3A_556 = tpu.memref_squeeze %dma_wait3A_555 : memref<1x128x128xf32, #tpu.memory_space<vmem>> -> memref<128x128xf32, #tpu.memory_space<vmem>>
      %dma_wait3A_557 = arith.constant 0 : i32
      %dma_wait3A_558 = tpu.memref_slice %arg4[%add3A_64, %dma_wait3A_557] : memref<81920x128xf32, #tpu.memory_space<hbm>> -> memref<128x128xf32, #tpu.memory_space<hbm>>
      %dma_wait3A_559 = arith.constant 0 : i32
      %dma_wait3A_560 = tpu.memref_slice %arg4[%add3A_64, %dma_wait3A_559] : memref<81920x128xf32, #tpu.memory_space<hbm>> -> memref<128x128xf32, #tpu.memory_space<hbm>>
      %dma_wait3A_561 = arith.constant 0 : i32
      %dma_wait3A_562 = arith.constant 0 : i32
      %dma_wait3A_563 = tpu.memref_slice %arg6[%run_scoped3A_65, %dma_wait3A_561, %dma_wait3A_562] : memref<2x128x128xf32, #tpu.memory_space<vmem>> -> memref<1x128x128xf32, #tpu.memory_space<vmem>>
      %dma_wait3A_564 = tpu.memref_squeeze %dma_wait3A_563 : memref<1x128x128xf32, #tpu.memory_space<vmem>> -> memref<128x128xf32, #tpu.memory_space<vmem>>
      tpu.wait_dma2 semaphore(%run_scoped3A_540 : memref<!tpu.dma_semaphore, #tpu.memory_space<semaphore_mem>>) src(%dma_wait3A_564 : memref<128x128xf32, #tpu.memory_space<vmem>>) dst(%dma_wait3A_560 : memref<128x128xf32, #tpu.memory_space<hbm>>)
      tpu.yield
    }) : () -> ()
    %dma_start3A_66 = arith.constant 3 : i32
    %dma_start3A_67 = arith.constant 1 : i32
    %dma_start3A_68 = arith.constant 0 : i32
    %dma_start3A_69 = arith.constant 0 : i32
    %dma_start3A_70 = tpu.memref_slice %arg6[%dma_start3A_67, %dma_start3A_68, %dma_start3A_69] : memref<2x128x128xf32, #tpu.memory_space<vmem>> -> memref<1x128x128xf32, #tpu.memory_space<vmem>>
    %dma_start3A_71 = tpu.memref_squeeze %dma_start3A_70 : memref<1x128x128xf32, #tpu.memory_space<vmem>> -> memref<128x128xf32, #tpu.memory_space<vmem>>
    %dma_start3A_72 = arith.constant 0 : i32
    %dma_start3A_73 = tpu.memref_slice %arg5[%dma_start3A_66, %dma_start3A_72] : memref<20x128xi32, #tpu.memory_space<vmem>> -> memref<1x128xi32, #tpu.memory_space<vmem>>
    %dma_start3A_74 = tpu.memref_squeeze %dma_start3A_73 : memref<1x128xi32, #tpu.memory_space<vmem>> -> memref<128xi32, #tpu.memory_space<vmem>>
    %dma_start3A_75 = arith.constant 0 : i32
    %dma_start3A_76 = arith.constant 0 : i32
    %dma_start3A_77 = tpu.memref_slice %arg3[%dma_start3A_75, %dma_start3A_76] : memref<100000x128xf32, #tpu.memory_space<hbm>> -> memref<100000x128xf32, #tpu.memory_space<hbm>>
    tpu.enqueue_indirect_dma source(%dma_start3A_77 : memref<100000x128xf32, #tpu.memory_space<hbm>>) target(%dma_start3A_71 : memref<128x128xf32, #tpu.memory_space<vmem>>) offsets(%dma_start3A_74 : memref<128xi32, #tpu.memory_space<vmem>>) semaphore(%arg8 : memref<!tpu.dma_semaphore, #tpu.memory_space<semaphore_mem>>)
    %dma_wait3A_78 = arith.constant 2 : i32
    %dma_wait3A_79 = arith.constant 0 : i32
    %dma_wait3A_80 = arith.constant 0 : i32
    %dma_wait3A_81 = arith.constant 0 : i32
    %dma_wait3A_82 = tpu.memref_slice %arg6[%dma_wait3A_79, %dma_wait3A_80, %dma_wait3A_81] : memref<2x128x128xf32, #tpu.memory_space<vmem>> -> memref<1x128x128xf32, #tpu.memory_space<vmem>>
    %dma_wait3A_83 = tpu.memref_squeeze %dma_wait3A_82 : memref<1x128x128xf32, #tpu.memory_space<vmem>> -> memref<128x128xf32, #tpu.memory_space<vmem>>
    %dma_wait3A_84 = arith.constant 0 : i32
    %dma_wait3A_85 = tpu.memref_slice %arg5[%dma_wait3A_78, %dma_wait3A_84] : memref<20x128xi32, #tpu.memory_space<vmem>> -> memref<1x128xi32, #tpu.memory_space<vmem>>
    %dma_wait3A_86 = tpu.memref_squeeze %dma_wait3A_85 : memref<1x128xi32, #tpu.memory_space<vmem>> -> memref<128xi32, #tpu.memory_space<vmem>>
    %dma_wait3A_87 = arith.constant 0 : i32
    %dma_wait3A_88 = arith.constant 0 : i32
    %dma_wait3A_89 = tpu.memref_slice %arg3[%dma_wait3A_87, %dma_wait3A_88] : memref<100000x128xf32, #tpu.memory_space<hbm>> -> memref<100000x128xf32, #tpu.memory_space<hbm>>
    tpu.wait_indirect_dma semaphore(%arg7 : memref<!tpu.dma_semaphore, #tpu.memory_space<semaphore_mem>>) src(%dma_wait3A_89 : memref<100000x128xf32, #tpu.memory_space<hbm>>) dst(%dma_wait3A_83 : memref<128x128xf32, #tpu.memory_space<vmem>>)
    %add3A_90 = arith.constant 256 : i32
    %add3A_91 = arith.addi %mul3A_2, %add3A_90 : i32
    %run_scoped3A_92 = arith.constant 0 : i32
    "tpu.region"() ({
      %run_scoped3A_540 = tpu.sem_alloc : memref<!tpu.dma_semaphore, #tpu.memory_space<semaphore_mem>>
      %dma_start3A_541 = arith.constant 0 : i32
      %dma_start3A_542 = arith.constant 0 : i32
      %dma_start3A_543 = tpu.memref_slice %arg6[%run_scoped3A_92, %dma_start3A_541, %dma_start3A_542] : memref<2x128x128xf32, #tpu.memory_space<vmem>> -> memref<1x128x128xf32, #tpu.memory_space<vmem>>
      %dma_start3A_544 = tpu.memref_squeeze %dma_start3A_543 : memref<1x128x128xf32, #tpu.memory_space<vmem>> -> memref<128x128xf32, #tpu.memory_space<vmem>>
      %dma_start3A_545 = arith.constant 0 : i32
      %dma_start3A_546 = tpu.memref_slice %arg4[%add3A_91, %dma_start3A_545] : memref<81920x128xf32, #tpu.memory_space<hbm>> -> memref<128x128xf32, #tpu.memory_space<hbm>>
      %dma_start3A_547 = arith.constant 0 : i32
      %dma_start3A_548 = tpu.memref_slice %arg4[%add3A_91, %dma_start3A_547] : memref<81920x128xf32, #tpu.memory_space<hbm>> -> memref<128x128xf32, #tpu.memory_space<hbm>>
      %dma_start3A_549 = arith.constant 0 : i32
      %dma_start3A_550 = arith.constant 0 : i32
      %dma_start3A_551 = tpu.memref_slice %arg6[%run_scoped3A_92, %dma_start3A_549, %dma_start3A_550] : memref<2x128x128xf32, #tpu.memory_space<vmem>> -> memref<1x128x128xf32, #tpu.memory_space<vmem>>
      %dma_start3A_552 = tpu.memref_squeeze %dma_start3A_551 : memref<1x128x128xf32, #tpu.memory_space<vmem>> -> memref<128x128xf32, #tpu.memory_space<vmem>>
      tpu.enqueue_dma source(%dma_start3A_552 : memref<128x128xf32, #tpu.memory_space<vmem>>) target(%dma_start3A_548 : memref<128x128xf32, #tpu.memory_space<hbm>>) target_semaphore(%run_scoped3A_540 : memref<!tpu.dma_semaphore, #tpu.memory_space<semaphore_mem>>)
      %dma_wait3A_553 = arith.constant 0 : i32
      %dma_wait3A_554 = arith.constant 0 : i32
      %dma_wait3A_555 = tpu.memref_slice %arg6[%run_scoped3A_92, %dma_wait3A_553, %dma_wait3A_554] : memref<2x128x128xf32, #tpu.memory_space<vmem>> -> memref<1x128x128xf32, #tpu.memory_space<vmem>>
      %dma_wait3A_556 = tpu.memref_squeeze %dma_wait3A_555 : memref<1x128x128xf32, #tpu.memory_space<vmem>> -> memref<128x128xf32, #tpu.memory_space<vmem>>
      %dma_wait3A_557 = arith.constant 0 : i32
      %dma_wait3A_558 = tpu.memref_slice %arg4[%add3A_91, %dma_wait3A_557] : memref<81920x128xf32, #tpu.memory_space<hbm>> -> memref<128x128xf32, #tpu.memory_space<hbm>>
      %dma_wait3A_559 = arith.constant 0 : i32
      %dma_wait3A_560 = tpu.memref_slice %arg4[%add3A_91, %dma_wait3A_559] : memref<81920x128xf32, #tpu.memory_space<hbm>> -> memref<128x128xf32, #tpu.memory_space<hbm>>
      %dma_wait3A_561 = arith.constant 0 : i32
      %dma_wait3A_562 = arith.constant 0 : i32
      %dma_wait3A_563 = tpu.memref_slice %arg6[%run_scoped3A_92, %dma_wait3A_561, %dma_wait3A_562] : memref<2x128x128xf32, #tpu.memory_space<vmem>> -> memref<1x128x128xf32, #tpu.memory_space<vmem>>
      %dma_wait3A_564 = tpu.memref_squeeze %dma_wait3A_563 : memref<1x128x128xf32, #tpu.memory_space<vmem>> -> memref<128x128xf32, #tpu.memory_space<vmem>>
      tpu.wait_dma2 semaphore(%run_scoped3A_540 : memref<!tpu.dma_semaphore, #tpu.memory_space<semaphore_mem>>) src(%dma_wait3A_564 : memref<128x128xf32, #tpu.memory_space<vmem>>) dst(%dma_wait3A_560 : memref<128x128xf32, #tpu.memory_space<hbm>>)
      tpu.yield
    }) : () -> ()
    %dma_start3A_93 = arith.constant 4 : i32
    %dma_start3A_94 = arith.constant 0 : i32
    %dma_start3A_95 = arith.constant 0 : i32
    %dma_start3A_96 = arith.constant 0 : i32
    %dma_start3A_97 = tpu.memref_slice %arg6[%dma_start3A_94, %dma_start3A_95, %dma_start3A_96] : memref<2x128x128xf32, #tpu.memory_space<vmem>> -> memref<1x128x128xf32, #tpu.memory_space<vmem>>
    %dma_start3A_98 = tpu.memref_squeeze %dma_start3A_97 : memref<1x128x128xf32, #tpu.memory_space<vmem>> -> memref<128x128xf32, #tpu.memory_space<vmem>>
    %dma_start3A_99 = arith.constant 0 : i32
    %dma_start3A_100 = tpu.memref_slice %arg5[%dma_start3A_93, %dma_start3A_99] : memref<20x128xi32, #tpu.memory_space<vmem>> -> memref<1x128xi32, #tpu.memory_space<vmem>>
    %dma_start3A_101 = tpu.memref_squeeze %dma_start3A_100 : memref<1x128xi32, #tpu.memory_space<vmem>> -> memref<128xi32, #tpu.memory_space<vmem>>
    %dma_start3A_102 = arith.constant 0 : i32
    %dma_start3A_103 = arith.constant 0 : i32
    %dma_start3A_104 = tpu.memref_slice %arg3[%dma_start3A_102, %dma_start3A_103] : memref<100000x128xf32, #tpu.memory_space<hbm>> -> memref<100000x128xf32, #tpu.memory_space<hbm>>
    tpu.enqueue_indirect_dma source(%dma_start3A_104 : memref<100000x128xf32, #tpu.memory_space<hbm>>) target(%dma_start3A_98 : memref<128x128xf32, #tpu.memory_space<vmem>>) offsets(%dma_start3A_101 : memref<128xi32, #tpu.memory_space<vmem>>) semaphore(%arg7 : memref<!tpu.dma_semaphore, #tpu.memory_space<semaphore_mem>>)
    %dma_wait3A_105 = arith.constant 3 : i32
    %dma_wait3A_106 = arith.constant 1 : i32
    %dma_wait3A_107 = arith.constant 0 : i32
    %dma_wait3A_108 = arith.constant 0 : i32
    %dma_wait3A_109 = tpu.memref_slice %arg6[%dma_wait3A_106, %dma_wait3A_107, %dma_wait3A_108] : memref<2x128x128xf32, #tpu.memory_space<vmem>> -> memref<1x128x128xf32, #tpu.memory_space<vmem>>
    %dma_wait3A_110 = tpu.memref_squeeze %dma_wait3A_109 : memref<1x128x128xf32, #tpu.memory_space<vmem>> -> memref<128x128xf32, #tpu.memory_space<vmem>>
    %dma_wait3A_111 = arith.constant 0 : i32
    %dma_wait3A_112 = tpu.memref_slice %arg5[%dma_wait3A_105, %dma_wait3A_111] : memref<20x128xi32, #tpu.memory_space<vmem>> -> memref<1x128xi32, #tpu.memory_space<vmem>>
    %dma_wait3A_113 = tpu.memref_squeeze %dma_wait3A_112 : memref<1x128xi32, #tpu.memory_space<vmem>> -> memref<128xi32, #tpu.memory_space<vmem>>
    %dma_wait3A_114 = arith.constant 0 : i32
    %dma_wait3A_115 = arith.constant 0 : i32
    %dma_wait3A_116 = tpu.memref_slice %arg3[%dma_wait3A_114, %dma_wait3A_115] : memref<100000x128xf32, #tpu.memory_space<hbm>> -> memref<100000x128xf32, #tpu.memory_space<hbm>>
    tpu.wait_indirect_dma semaphore(%arg8 : memref<!tpu.dma_semaphore, #tpu.memory_space<semaphore_mem>>) src(%dma_wait3A_116 : memref<100000x128xf32, #tpu.memory_space<hbm>>) dst(%dma_wait3A_110 : memref<128x128xf32, #tpu.memory_space<vmem>>)
    %add3A_117 = arith.constant 384 : i32
    %add3A_118 = arith.addi %mul3A_2, %add3A_117 : i32
    %run_scoped3A_119 = arith.constant 1 : i32
    "tpu.region"() ({
      %run_scoped3A_540 = tpu.sem_alloc : memref<!tpu.dma_semaphore, #tpu.memory_space<semaphore_mem>>
      %dma_start3A_541 = arith.constant 0 : i32
      %dma_start3A_542 = arith.constant 0 : i32
      %dma_start3A_543 = tpu.memref_slice %arg6[%run_scoped3A_119, %dma_start3A_541, %dma_start3A_542] : memref<2x128x128xf32, #tpu.memory_space<vmem>> -> memref<1x128x128xf32, #tpu.memory_space<vmem>>
      %dma_start3A_544 = tpu.memref_squeeze %dma_start3A_543 : memref<1x128x128xf32, #tpu.memory_space<vmem>> -> memref<128x128xf32, #tpu.memory_space<vmem>>
      %dma_start3A_545 = arith.constant 0 : i32
      %dma_start3A_546 = tpu.memref_slice %arg4[%add3A_118, %dma_start3A_545] : memref<81920x128xf32, #tpu.memory_space<hbm>> -> memref<128x128xf32, #tpu.memory_space<hbm>>
      %dma_start3A_547 = arith.constant 0 : i32
      %dma_start3A_548 = tpu.memref_slice %arg4[%add3A_118, %dma_start3A_547] : memref<81920x128xf32, #tpu.memory_space<hbm>> -> memref<128x128xf32, #tpu.memory_space<hbm>>
      %dma_start3A_549 = arith.constant 0 : i32
      %dma_start3A_550 = arith.constant 0 : i32
      %dma_start3A_551 = tpu.memref_slice %arg6[%run_scoped3A_119, %dma_start3A_549, %dma_start3A_550] : memref<2x128x128xf32, #tpu.memory_space<vmem>> -> memref<1x128x128xf32, #tpu.memory_space<vmem>>
      %dma_start3A_552 = tpu.memref_squeeze %dma_start3A_551 : memref<1x128x128xf32, #tpu.memory_space<vmem>> -> memref<128x128xf32, #tpu.memory_space<vmem>>
      tpu.enqueue_dma source(%dma_start3A_552 : memref<128x128xf32, #tpu.memory_space<vmem>>) target(%dma_start3A_548 : memref<128x128xf32, #tpu.memory_space<hbm>>) target_semaphore(%run_scoped3A_540 : memref<!tpu.dma_semaphore, #tpu.memory_space<semaphore_mem>>)
      %dma_wait3A_553 = arith.constant 0 : i32
      %dma_wait3A_554 = arith.constant 0 : i32
      %dma_wait3A_555 = tpu.memref_slice %arg6[%run_scoped3A_119, %dma_wait3A_553, %dma_wait3A_554] : memref<2x128x128xf32, #tpu.memory_space<vmem>> -> memref<1x128x128xf32, #tpu.memory_space<vmem>>
      %dma_wait3A_556 = tpu.memref_squeeze %dma_wait3A_555 : memref<1x128x128xf32, #tpu.memory_space<vmem>> -> memref<128x128xf32, #tpu.memory_space<vmem>>
      %dma_wait3A_557 = arith.constant 0 : i32
      %dma_wait3A_558 = tpu.memref_slice %arg4[%add3A_118, %dma_wait3A_557] : memref<81920x128xf32, #tpu.memory_space<hbm>> -> memref<128x128xf32, #tpu.memory_space<hbm>>
      %dma_wait3A_559 = arith.constant 0 : i32
      %dma_wait3A_560 = tpu.memref_slice %arg4[%add3A_118, %dma_wait3A_559] : memref<81920x128xf32, #tpu.memory_space<hbm>> -> memref<128x128xf32, #tpu.memory_space<hbm>>
      %dma_wait3A_561 = arith.constant 0 : i32
      %dma_wait3A_562 = arith.constant 0 : i32
      %dma_wait3A_563 = tpu.memref_slice %arg6[%run_scoped3A_119, %dma_wait3A_561, %dma_wait3A_562] : memref<2x128x128xf32, #tpu.memory_space<vmem>> -> memref<1x128x128xf32, #tpu.memory_space<vmem>>
      %dma_wait3A_564 = tpu.memref_squeeze %dma_wait3A_563 : memref<1x128x128xf32, #tpu.memory_space<vmem>> -> memref<128x128xf32, #tpu.memory_space<vmem>>
      tpu.wait_dma2 semaphore(%run_scoped3A_540 : memref<!tpu.dma_semaphore, #tpu.memory_space<semaphore_mem>>) src(%dma_wait3A_564 : memref<128x128xf32, #tpu.memory_space<vmem>>) dst(%dma_wait3A_560 : memref<128x128xf32, #tpu.memory_space<hbm>>)
      tpu.yield
    }) : () -> ()
    %dma_start3A_120 = arith.constant 5 : i32
    %dma_start3A_121 = arith.constant 1 : i32
    %dma_start3A_122 = arith.constant 0 : i32
    %dma_start3A_123 = arith.constant 0 : i32
    %dma_start3A_124 = tpu.memref_slice %arg6[%dma_start3A_121, %dma_start3A_122, %dma_start3A_123] : memref<2x128x128xf32, #tpu.memory_space<vmem>> -> memref<1x128x128xf32, #tpu.memory_space<vmem>>
    %dma_start3A_125 = tpu.memref_squeeze %dma_start3A_124 : memref<1x128x128xf32, #tpu.memory_space<vmem>> -> memref<128x128xf32, #tpu.memory_space<vmem>>
    %dma_start3A_126 = arith.constant 0 : i32
    %dma_start3A_127 = tpu.memref_slice %arg5[%dma_start3A_120, %dma_start3A_126] : memref<20x128xi32, #tpu.memory_space<vmem>> -> memref<1x128xi32, #tpu.memory_space<vmem>>
    %dma_start3A_128 = tpu.memref_squeeze %dma_start3A_127 : memref<1x128xi32, #tpu.memory_space<vmem>> -> memref<128xi32, #tpu.memory_space<vmem>>
    %dma_start3A_129 = arith.constant 0 : i32
    %dma_start3A_130 = arith.constant 0 : i32
    %dma_start3A_131 = tpu.memref_slice %arg3[%dma_start3A_129, %dma_start3A_130] : memref<100000x128xf32, #tpu.memory_space<hbm>> -> memref<100000x128xf32, #tpu.memory_space<hbm>>
    tpu.enqueue_indirect_dma source(%dma_start3A_131 : memref<100000x128xf32, #tpu.memory_space<hbm>>) target(%dma_start3A_125 : memref<128x128xf32, #tpu.memory_space<vmem>>) offsets(%dma_start3A_128 : memref<128xi32, #tpu.memory_space<vmem>>) semaphore(%arg8 : memref<!tpu.dma_semaphore, #tpu.memory_space<semaphore_mem>>)
    %dma_wait3A_132 = arith.constant 4 : i32
    %dma_wait3A_133 = arith.constant 0 : i32
    %dma_wait3A_134 = arith.constant 0 : i32
    %dma_wait3A_135 = arith.constant 0 : i32
    %dma_wait3A_136 = tpu.memref_slice %arg6[%dma_wait3A_133, %dma_wait3A_134, %dma_wait3A_135] : memref<2x128x128xf32, #tpu.memory_space<vmem>> -> memref<1x128x128xf32, #tpu.memory_space<vmem>>
    %dma_wait3A_137 = tpu.memref_squeeze %dma_wait3A_136 : memref<1x128x128xf32, #tpu.memory_space<vmem>> -> memref<128x128xf32, #tpu.memory_space<vmem>>
    %dma_wait3A_138 = arith.constant 0 : i32
    %dma_wait3A_139 = tpu.memref_slice %arg5[%dma_wait3A_132, %dma_wait3A_138] : memref<20x128xi32, #tpu.memory_space<vmem>> -> memref<1x128xi32, #tpu.memory_space<vmem>>
    %dma_wait3A_140 = tpu.memref_squeeze %dma_wait3A_139 : memref<1x128xi32, #tpu.memory_space<vmem>> -> memref<128xi32, #tpu.memory_space<vmem>>
    %dma_wait3A_141 = arith.constant 0 : i32
    %dma_wait3A_142 = arith.constant 0 : i32
    %dma_wait3A_143 = tpu.memref_slice %arg3[%dma_wait3A_141, %dma_wait3A_142] : memref<100000x128xf32, #tpu.memory_space<hbm>> -> memref<100000x128xf32, #tpu.memory_space<hbm>>
    tpu.wait_indirect_dma semaphore(%arg7 : memref<!tpu.dma_semaphore, #tpu.memory_space<semaphore_mem>>) src(%dma_wait3A_143 : memref<100000x128xf32, #tpu.memory_space<hbm>>) dst(%dma_wait3A_137 : memref<128x128xf32, #tpu.memory_space<vmem>>)
    %add3A_144 = arith.constant 512 : i32
    %add3A_145 = arith.addi %mul3A_2, %add3A_144 : i32
    %run_scoped3A_146 = arith.constant 0 : i32
    "tpu.region"() ({
      %run_scoped3A_540 = tpu.sem_alloc : memref<!tpu.dma_semaphore, #tpu.memory_space<semaphore_mem>>
      %dma_start3A_541 = arith.constant 0 : i32
      %dma_start3A_542 = arith.constant 0 : i32
      %dma_start3A_543 = tpu.memref_slice %arg6[%run_scoped3A_146, %dma_start3A_541, %dma_start3A_542] : memref<2x128x128xf32, #tpu.memory_space<vmem>> -> memref<1x128x128xf32, #tpu.memory_space<vmem>>
      %dma_start3A_544 = tpu.memref_squeeze %dma_start3A_543 : memref<1x128x128xf32, #tpu.memory_space<vmem>> -> memref<128x128xf32, #tpu.memory_space<vmem>>
      %dma_start3A_545 = arith.constant 0 : i32
      %dma_start3A_546 = tpu.memref_slice %arg4[%add3A_145, %dma_start3A_545] : memref<81920x128xf32, #tpu.memory_space<hbm>> -> memref<128x128xf32, #tpu.memory_space<hbm>>
      %dma_start3A_547 = arith.constant 0 : i32
      %dma_start3A_548 = tpu.memref_slice %arg4[%add3A_145, %dma_start3A_547] : memref<81920x128xf32, #tpu.memory_space<hbm>> -> memref<128x128xf32, #tpu.memory_space<hbm>>
      %dma_start3A_549 = arith.constant 0 : i32
      %dma_start3A_550 = arith.constant 0 : i32
      %dma_start3A_551 = tpu.memref_slice %arg6[%run_scoped3A_146, %dma_start3A_549, %dma_start3A_550] : memref<2x128x128xf32, #tpu.memory_space<vmem>> -> memref<1x128x128xf32, #tpu.memory_space<vmem>>
      %dma_start3A_552 = tpu.memref_squeeze %dma_start3A_551 : memref<1x128x128xf32, #tpu.memory_space<vmem>> -> memref<128x128xf32, #tpu.memory_space<vmem>>
      tpu.enqueue_dma source(%dma_start3A_552 : memref<128x128xf32, #tpu.memory_space<vmem>>) target(%dma_start3A_548 : memref<128x128xf32, #tpu.memory_space<hbm>>) target_semaphore(%run_scoped3A_540 : memref<!tpu.dma_semaphore, #tpu.memory_space<semaphore_mem>>)
      %dma_wait3A_553 = arith.constant 0 : i32
      %dma_wait3A_554 = arith.constant 0 : i32
      %dma_wait3A_555 = tpu.memref_slice %arg6[%run_scoped3A_146, %dma_wait3A_553, %dma_wait3A_554] : memref<2x128x128xf32, #tpu.memory_space<vmem>> -> memref<1x128x128xf32, #tpu.memory_space<vmem>>
      %dma_wait3A_556 = tpu.memref_squeeze %dma_wait3A_555 : memref<1x128x128xf32, #tpu.memory_space<vmem>> -> memref<128x128xf32, #tpu.memory_space<vmem>>
      %dma_wait3A_557 = arith.constant 0 : i32
      %dma_wait3A_558 = tpu.memref_slice %arg4[%add3A_145, %dma_wait3A_557] : memref<81920x128xf32, #tpu.memory_space<hbm>> -> memref<128x128xf32, #tpu.memory_space<hbm>>
      %dma_wait3A_559 = arith.constant 0 : i32
      %dma_wait3A_560 = tpu.memref_slice %arg4[%add3A_145, %dma_wait3A_559] : memref<81920x128xf32, #tpu.memory_space<hbm>> -> memref<128x128xf32, #tpu.memory_space<hbm>>
      %dma_wait3A_561 = arith.constant 0 : i32
      %dma_wait3A_562 = arith.constant 0 : i32
      %dma_wait3A_563 = tpu.memref_slice %arg6[%run_scoped3A_146, %dma_wait3A_561, %dma_wait3A_562] : memref<2x128x128xf32, #tpu.memory_space<vmem>> -> memref<1x128x128xf32, #tpu.memory_space<vmem>>
      %dma_wait3A_564 = tpu.memref_squeeze %dma_wait3A_563 : memref<1x128x128xf32, #tpu.memory_space<vmem>> -> memref<128x128xf32, #tpu.memory_space<vmem>>
      tpu.wait_dma2 semaphore(%run_scoped3A_540 : memref<!tpu.dma_semaphore, #tpu.memory_space<semaphore_mem>>) src(%dma_wait3A_564 : memref<128x128xf32, #tpu.memory_space<vmem>>) dst(%dma_wait3A_560 : memref<128x128xf32, #tpu.memory_space<hbm>>)
      tpu.yield
    }) : () -> ()
    %dma_start3A_147 = arith.constant 6 : i32
    %dma_start3A_148 = arith.constant 0 : i32
    %dma_start3A_149 = arith.constant 0 : i32
    %dma_start3A_150 = arith.constant 0 : i32
    %dma_start3A_151 = tpu.memref_slice %arg6[%dma_start3A_148, %dma_start3A_149, %dma_start3A_150] : memref<2x128x128xf32, #tpu.memory_space<vmem>> -> memref<1x128x128xf32, #tpu.memory_space<vmem>>
    %dma_start3A_152 = tpu.memref_squeeze %dma_start3A_151 : memref<1x128x128xf32, #tpu.memory_space<vmem>> -> memref<128x128xf32, #tpu.memory_space<vmem>>
    %dma_start3A_153 = arith.constant 0 : i32
    %dma_start3A_154 = tpu.memref_slice %arg5[%dma_start3A_147, %dma_start3A_153] : memref<20x128xi32, #tpu.memory_space<vmem>> -> memref<1x128xi32, #tpu.memory_space<vmem>>
    %dma_start3A_155 = tpu.memref_squeeze %dma_start3A_154 : memref<1x128xi32, #tpu.memory_space<vmem>> -> memref<128xi32, #tpu.memory_space<vmem>>
    %dma_start3A_156 = arith.constant 0 : i32
    %dma_start3A_157 = arith.constant 0 : i32
    %dma_start3A_158 = tpu.memref_slice %arg3[%dma_start3A_156, %dma_start3A_157] : memref<100000x128xf32, #tpu.memory_space<hbm>> -> memref<100000x128xf32, #tpu.memory_space<hbm>>
    tpu.enqueue_indirect_dma source(%dma_start3A_158 : memref<100000x128xf32, #tpu.memory_space<hbm>>) target(%dma_start3A_152 : memref<128x128xf32, #tpu.memory_space<vmem>>) offsets(%dma_start3A_155 : memref<128xi32, #tpu.memory_space<vmem>>) semaphore(%arg7 : memref<!tpu.dma_semaphore, #tpu.memory_space<semaphore_mem>>)
    %dma_wait3A_159 = arith.constant 5 : i32
    %dma_wait3A_160 = arith.constant 1 : i32
    %dma_wait3A_161 = arith.constant 0 : i32
    %dma_wait3A_162 = arith.constant 0 : i32
    %dma_wait3A_163 = tpu.memref_slice %arg6[%dma_wait3A_160, %dma_wait3A_161, %dma_wait3A_162] : memref<2x128x128xf32, #tpu.memory_space<vmem>> -> memref<1x128x128xf32, #tpu.memory_space<vmem>>
    %dma_wait3A_164 = tpu.memref_squeeze %dma_wait3A_163 : memref<1x128x128xf32, #tpu.memory_space<vmem>> -> memref<128x128xf32, #tpu.memory_space<vmem>>
    %dma_wait3A_165 = arith.constant 0 : i32
    %dma_wait3A_166 = tpu.memref_slice %arg5[%dma_wait3A_159, %dma_wait3A_165] : memref<20x128xi32, #tpu.memory_space<vmem>> -> memref<1x128xi32, #tpu.memory_space<vmem>>
    %dma_wait3A_167 = tpu.memref_squeeze %dma_wait3A_166 : memref<1x128xi32, #tpu.memory_space<vmem>> -> memref<128xi32, #tpu.memory_space<vmem>>
    %dma_wait3A_168 = arith.constant 0 : i32
    %dma_wait3A_169 = arith.constant 0 : i32
    %dma_wait3A_170 = tpu.memref_slice %arg3[%dma_wait3A_168, %dma_wait3A_169] : memref<100000x128xf32, #tpu.memory_space<hbm>> -> memref<100000x128xf32, #tpu.memory_space<hbm>>
    tpu.wait_indirect_dma semaphore(%arg8 : memref<!tpu.dma_semaphore, #tpu.memory_space<semaphore_mem>>) src(%dma_wait3A_170 : memref<100000x128xf32, #tpu.memory_space<hbm>>) dst(%dma_wait3A_164 : memref<128x128xf32, #tpu.memory_space<vmem>>)
    %add3A_171 = arith.constant 640 : i32
    %add3A_172 = arith.addi %mul3A_2, %add3A_171 : i32
    %run_scoped3A_173 = arith.constant 1 : i32
    "tpu.region"() ({
      %run_scoped3A_540 = tpu.sem_alloc : memref<!tpu.dma_semaphore, #tpu.memory_space<semaphore_mem>>
      %dma_start3A_541 = arith.constant 0 : i32
      %dma_start3A_542 = arith.constant 0 : i32
      %dma_start3A_543 = tpu.memref_slice %arg6[%run_scoped3A_173, %dma_start3A_541, %dma_start3A_542] : memref<2x128x128xf32, #tpu.memory_space<vmem>> -> memref<1x128x128xf32, #tpu.memory_space<vmem>>
      %dma_start3A_544 = tpu.memref_squeeze %dma_start3A_543 : memref<1x128x128xf32, #tpu.memory_space<vmem>> -> memref<128x128xf32, #tpu.memory_space<vmem>>
      %dma_start3A_545 = arith.constant 0 : i32
      %dma_start3A_546 = tpu.memref_slice %arg4[%add3A_172, %dma_start3A_545] : memref<81920x128xf32, #tpu.memory_space<hbm>> -> memref<128x128xf32, #tpu.memory_space<hbm>>
      %dma_start3A_547 = arith.constant 0 : i32
      %dma_start3A_548 = tpu.memref_slice %arg4[%add3A_172, %dma_start3A_547] : memref<81920x128xf32, #tpu.memory_space<hbm>> -> memref<128x128xf32, #tpu.memory_space<hbm>>
      %dma_start3A_549 = arith.constant 0 : i32
      %dma_start3A_550 = arith.constant 0 : i32
      %dma_start3A_551 = tpu.memref_slice %arg6[%run_scoped3A_173, %dma_start3A_549, %dma_start3A_550] : memref<2x128x128xf32, #tpu.memory_space<vmem>> -> memref<1x128x128xf32, #tpu.memory_space<vmem>>
      %dma_start3A_552 = tpu.memref_squeeze %dma_start3A_551 : memref<1x128x128xf32, #tpu.memory_space<vmem>> -> memref<128x128xf32, #tpu.memory_space<vmem>>
      tpu.enqueue_dma source(%dma_start3A_552 : memref<128x128xf32, #tpu.memory_space<vmem>>) target(%dma_start3A_548 : memref<128x128xf32, #tpu.memory_space<hbm>>) target_semaphore(%run_scoped3A_540 : memref<!tpu.dma_semaphore, #tpu.memory_space<semaphore_mem>>)
      %dma_wait3A_553 = arith.constant 0 : i32
      %dma_wait3A_554 = arith.constant 0 : i32
      %dma_wait3A_555 = tpu.memref_slice %arg6[%run_scoped3A_173, %dma_wait3A_553, %dma_wait3A_554] : memref<2x128x128xf32, #tpu.memory_space<vmem>> -> memref<1x128x128xf32, #tpu.memory_space<vmem>>
      %dma_wait3A_556 = tpu.memref_squeeze %dma_wait3A_555 : memref<1x128x128xf32, #tpu.memory_space<vmem>> -> memref<128x128xf32, #tpu.memory_space<vmem>>
      %dma_wait3A_557 = arith.constant 0 : i32
      %dma_wait3A_558 = tpu.memref_slice %arg4[%add3A_172, %dma_wait3A_557] : memref<81920x128xf32, #tpu.memory_space<hbm>> -> memref<128x128xf32, #tpu.memory_space<hbm>>
      %dma_wait3A_559 = arith.constant 0 : i32
      %dma_wait3A_560 = tpu.memref_slice %arg4[%add3A_172, %dma_wait3A_559] : memref<81920x128xf32, #tpu.memory_space<hbm>> -> memref<128x128xf32, #tpu.memory_space<hbm>>
      %dma_wait3A_561 = arith.constant 0 : i32
      %dma_wait3A_562 = arith.constant 0 : i32
      %dma_wait3A_563 = tpu.memref_slice %arg6[%run_scoped3A_173, %dma_wait3A_561, %dma_wait3A_562] : memref<2x128x128xf32, #tpu.memory_space<vmem>> -> memref<1x128x128xf32, #tpu.memory_space<vmem>>
      %dma_wait3A_564 = tpu.memref_squeeze %dma_wait3A_563 : memref<1x128x128xf32, #tpu.memory_space<vmem>> -> memref<128x128xf32, #tpu.memory_space<vmem>>
      tpu.wait_dma2 semaphore(%run_scoped3A_540 : memref<!tpu.dma_semaphore, #tpu.memory_space<semaphore_mem>>) src(%dma_wait3A_564 : memref<128x128xf32, #tpu.memory_space<vmem>>) dst(%dma_wait3A_560 : memref<128x128xf32, #tpu.memory_space<hbm>>)
      tpu.yield
    }) : () -> ()
    %dma_start3A_174 = arith.constant 7 : i32
    %dma_start3A_175 = arith.constant 1 : i32
    %dma_start3A_176 = arith.constant 0 : i32
    %dma_start3A_177 = arith.constant 0 : i32
    %dma_start3A_178 = tpu.memref_slice %arg6[%dma_start3A_175, %dma_start3A_176, %dma_start3A_177] : memref<2x128x128xf32, #tpu.memory_space<vmem>> -> memref<1x128x128xf32, #tpu.memory_space<vmem>>
    %dma_start3A_179 = tpu.memref_squeeze %dma_start3A_178 : memref<1x128x128xf32, #tpu.memory_space<vmem>> -> memref<128x128xf32, #tpu.memory_space<vmem>>
    %dma_start3A_180 = arith.constant 0 : i32
    %dma_start3A_181 = tpu.memref_slice %arg5[%dma_start3A_174, %dma_start3A_180] : memref<20x128xi32, #tpu.memory_space<vmem>> -> memref<1x128xi32, #tpu.memory_space<vmem>>
    %dma_start3A_182 = tpu.memref_squeeze %dma_start3A_181 : memref<1x128xi32, #tpu.memory_space<vmem>> -> memref<128xi32, #tpu.memory_space<vmem>>
    %dma_start3A_183 = arith.constant 0 : i32
    %dma_start3A_184 = arith.constant 0 : i32
    %dma_start3A_185 = tpu.memref_slice %arg3[%dma_start3A_183, %dma_start3A_184] : memref<100000x128xf32, #tpu.memory_space<hbm>> -> memref<100000x128xf32, #tpu.memory_space<hbm>>
    tpu.enqueue_indirect_dma source(%dma_start3A_185 : memref<100000x128xf32, #tpu.memory_space<hbm>>) target(%dma_start3A_179 : memref<128x128xf32, #tpu.memory_space<vmem>>) offsets(%dma_start3A_182 : memref<128xi32, #tpu.memory_space<vmem>>) semaphore(%arg8 : memref<!tpu.dma_semaphore, #tpu.memory_space<semaphore_mem>>)
    %dma_wait3A_186 = arith.constant 6 : i32
    %dma_wait3A_187 = arith.constant 0 : i32
    %dma_wait3A_188 = arith.constant 0 : i32
    %dma_wait3A_189 = arith.constant 0 : i32
    %dma_wait3A_190 = tpu.memref_slice %arg6[%dma_wait3A_187, %dma_wait3A_188, %dma_wait3A_189] : memref<2x128x128xf32, #tpu.memory_space<vmem>> -> memref<1x128x128xf32, #tpu.memory_space<vmem>>
    %dma_wait3A_191 = tpu.memref_squeeze %dma_wait3A_190 : memref<1x128x128xf32, #tpu.memory_space<vmem>> -> memref<128x128xf32, #tpu.memory_space<vmem>>
    %dma_wait3A_192 = arith.constant 0 : i32
    %dma_wait3A_193 = tpu.memref_slice %arg5[%dma_wait3A_186, %dma_wait3A_192] : memref<20x128xi32, #tpu.memory_space<vmem>> -> memref<1x128xi32, #tpu.memory_space<vmem>>
    %dma_wait3A_194 = tpu.memref_squeeze %dma_wait3A_193 : memref<1x128xi32, #tpu.memory_space<vmem>> -> memref<128xi32, #tpu.memory_space<vmem>>
    %dma_wait3A_195 = arith.constant 0 : i32
    %dma_wait3A_196 = arith.constant 0 : i32
    %dma_wait3A_197 = tpu.memref_slice %arg3[%dma_wait3A_195, %dma_wait3A_196] : memref<100000x128xf32, #tpu.memory_space<hbm>> -> memref<100000x128xf32, #tpu.memory_space<hbm>>
    tpu.wait_indirect_dma semaphore(%arg7 : memref<!tpu.dma_semaphore, #tpu.memory_space<semaphore_mem>>) src(%dma_wait3A_197 : memref<100000x128xf32, #tpu.memory_space<hbm>>) dst(%dma_wait3A_191 : memref<128x128xf32, #tpu.memory_space<vmem>>)
    %add3A_198 = arith.constant 768 : i32
    %add3A_199 = arith.addi %mul3A_2, %add3A_198 : i32
    %run_scoped3A_200 = arith.constant 0 : i32
    "tpu.region"() ({
      %run_scoped3A_540 = tpu.sem_alloc : memref<!tpu.dma_semaphore, #tpu.memory_space<semaphore_mem>>
      %dma_start3A_541 = arith.constant 0 : i32
      %dma_start3A_542 = arith.constant 0 : i32
      %dma_start3A_543 = tpu.memref_slice %arg6[%run_scoped3A_200, %dma_start3A_541, %dma_start3A_542] : memref<2x128x128xf32, #tpu.memory_space<vmem>> -> memref<1x128x128xf32, #tpu.memory_space<vmem>>
      %dma_start3A_544 = tpu.memref_squeeze %dma_start3A_543 : memref<1x128x128xf32, #tpu.memory_space<vmem>> -> memref<128x128xf32, #tpu.memory_space<vmem>>
      %dma_start3A_545 = arith.constant 0 : i32
      %dma_start3A_546 = tpu.memref_slice %arg4[%add3A_199, %dma_start3A_545] : memref<81920x128xf32, #tpu.memory_space<hbm>> -> memref<128x128xf32, #tpu.memory_space<hbm>>
      %dma_start3A_547 = arith.constant 0 : i32
      %dma_start3A_548 = tpu.memref_slice %arg4[%add3A_199, %dma_start3A_547] : memref<81920x128xf32, #tpu.memory_space<hbm>> -> memref<128x128xf32, #tpu.memory_space<hbm>>
      %dma_start3A_549 = arith.constant 0 : i32
      %dma_start3A_550 = arith.constant 0 : i32
      %dma_start3A_551 = tpu.memref_slice %arg6[%run_scoped3A_200, %dma_start3A_549, %dma_start3A_550] : memref<2x128x128xf32, #tpu.memory_space<vmem>> -> memref<1x128x128xf32, #tpu.memory_space<vmem>>
      %dma_start3A_552 = tpu.memref_squeeze %dma_start3A_551 : memref<1x128x128xf32, #tpu.memory_space<vmem>> -> memref<128x128xf32, #tpu.memory_space<vmem>>
      tpu.enqueue_dma source(%dma_start3A_552 : memref<128x128xf32, #tpu.memory_space<vmem>>) target(%dma_start3A_548 : memref<128x128xf32, #tpu.memory_space<hbm>>) target_semaphore(%run_scoped3A_540 : memref<!tpu.dma_semaphore, #tpu.memory_space<semaphore_mem>>)
      %dma_wait3A_553 = arith.constant 0 : i32
      %dma_wait3A_554 = arith.constant 0 : i32
      %dma_wait3A_555 = tpu.memref_slice %arg6[%run_scoped3A_200, %dma_wait3A_553, %dma_wait3A_554] : memref<2x128x128xf32, #tpu.memory_space<vmem>> -> memref<1x128x128xf32, #tpu.memory_space<vmem>>
      %dma_wait3A_556 = tpu.memref_squeeze %dma_wait3A_555 : memref<1x128x128xf32, #tpu.memory_space<vmem>> -> memref<128x128xf32, #tpu.memory_space<vmem>>
      %dma_wait3A_557 = arith.constant 0 : i32
      %dma_wait3A_558 = tpu.memref_slice %arg4[%add3A_199, %dma_wait3A_557] : memref<81920x128xf32, #tpu.memory_space<hbm>> -> memref<128x128xf32, #tpu.memory_space<hbm>>
      %dma_wait3A_559 = arith.constant 0 : i32
      %dma_wait3A_560 = tpu.memref_slice %arg4[%add3A_199, %dma_wait3A_559] : memref<81920x128xf32, #tpu.memory_space<hbm>> -> memref<128x128xf32, #tpu.memory_space<hbm>>
      %dma_wait3A_561 = arith.constant 0 : i32
      %dma_wait3A_562 = arith.constant 0 : i32
      %dma_wait3A_563 = tpu.memref_slice %arg6[%run_scoped3A_200, %dma_wait3A_561, %dma_wait3A_562] : memref<2x128x128xf32, #tpu.memory_space<vmem>> -> memref<1x128x128xf32, #tpu.memory_space<vmem>>
      %dma_wait3A_564 = tpu.memref_squeeze %dma_wait3A_563 : memref<1x128x128xf32, #tpu.memory_space<vmem>> -> memref<128x128xf32, #tpu.memory_space<vmem>>
      tpu.wait_dma2 semaphore(%run_scoped3A_540 : memref<!tpu.dma_semaphore, #tpu.memory_space<semaphore_mem>>) src(%dma_wait3A_564 : memref<128x128xf32, #tpu.memory_space<vmem>>) dst(%dma_wait3A_560 : memref<128x128xf32, #tpu.memory_space<hbm>>)
      tpu.yield
    }) : () -> ()
    %dma_start3A_201 = arith.constant 8 : i32
    %dma_start3A_202 = arith.constant 0 : i32
    %dma_start3A_203 = arith.constant 0 : i32
    %dma_start3A_204 = arith.constant 0 : i32
    %dma_start3A_205 = tpu.memref_slice %arg6[%dma_start3A_202, %dma_start3A_203, %dma_start3A_204] : memref<2x128x128xf32, #tpu.memory_space<vmem>> -> memref<1x128x128xf32, #tpu.memory_space<vmem>>
    %dma_start3A_206 = tpu.memref_squeeze %dma_start3A_205 : memref<1x128x128xf32, #tpu.memory_space<vmem>> -> memref<128x128xf32, #tpu.memory_space<vmem>>
    %dma_start3A_207 = arith.constant 0 : i32
    %dma_start3A_208 = tpu.memref_slice %arg5[%dma_start3A_201, %dma_start3A_207] : memref<20x128xi32, #tpu.memory_space<vmem>> -> memref<1x128xi32, #tpu.memory_space<vmem>>
    %dma_start3A_209 = tpu.memref_squeeze %dma_start3A_208 : memref<1x128xi32, #tpu.memory_space<vmem>> -> memref<128xi32, #tpu.memory_space<vmem>>
    %dma_start3A_210 = arith.constant 0 : i32
    %dma_start3A_211 = arith.constant 0 : i32
    %dma_start3A_212 = tpu.memref_slice %arg3[%dma_start3A_210, %dma_start3A_211] : memref<100000x128xf32, #tpu.memory_space<hbm>> -> memref<100000x128xf32, #tpu.memory_space<hbm>>
    tpu.enqueue_indirect_dma source(%dma_start3A_212 : memref<100000x128xf32, #tpu.memory_space<hbm>>) target(%dma_start3A_206 : memref<128x128xf32, #tpu.memory_space<vmem>>) offsets(%dma_start3A_209 : memref<128xi32, #tpu.memory_space<vmem>>) semaphore(%arg7 : memref<!tpu.dma_semaphore, #tpu.memory_space<semaphore_mem>>)
    %dma_wait3A_213 = arith.constant 7 : i32
    %dma_wait3A_214 = arith.constant 1 : i32
    %dma_wait3A_215 = arith.constant 0 : i32
    %dma_wait3A_216 = arith.constant 0 : i32
    %dma_wait3A_217 = tpu.memref_slice %arg6[%dma_wait3A_214, %dma_wait3A_215, %dma_wait3A_216] : memref<2x128x128xf32, #tpu.memory_space<vmem>> -> memref<1x128x128xf32, #tpu.memory_space<vmem>>
    %dma_wait3A_218 = tpu.memref_squeeze %dma_wait3A_217 : memref<1x128x128xf32, #tpu.memory_space<vmem>> -> memref<128x128xf32, #tpu.memory_space<vmem>>
    %dma_wait3A_219 = arith.constant 0 : i32
    %dma_wait3A_220 = tpu.memref_slice %arg5[%dma_wait3A_213, %dma_wait3A_219] : memref<20x128xi32, #tpu.memory_space<vmem>> -> memref<1x128xi32, #tpu.memory_space<vmem>>
    %dma_wait3A_221 = tpu.memref_squeeze %dma_wait3A_220 : memref<1x128xi32, #tpu.memory_space<vmem>> -> memref<128xi32, #tpu.memory_space<vmem>>
    %dma_wait3A_222 = arith.constant 0 : i32
    %dma_wait3A_223 = arith.constant 0 : i32
    %dma_wait3A_224 = tpu.memref_slice %arg3[%dma_wait3A_222, %dma_wait3A_223] : memref<100000x128xf32, #tpu.memory_space<hbm>> -> memref<100000x128xf32, #tpu.memory_space<hbm>>
    tpu.wait_indirect_dma semaphore(%arg8 : memref<!tpu.dma_semaphore, #tpu.memory_space<semaphore_mem>>) src(%dma_wait3A_224 : memref<100000x128xf32, #tpu.memory_space<hbm>>) dst(%dma_wait3A_218 : memref<128x128xf32, #tpu.memory_space<vmem>>)
    %add3A_225 = arith.constant 896 : i32
    %add3A_226 = arith.addi %mul3A_2, %add3A_225 : i32
    %run_scoped3A_227 = arith.constant 1 : i32
    "tpu.region"() ({
      %run_scoped3A_540 = tpu.sem_alloc : memref<!tpu.dma_semaphore, #tpu.memory_space<semaphore_mem>>
      %dma_start3A_541 = arith.constant 0 : i32
      %dma_start3A_542 = arith.constant 0 : i32
      %dma_start3A_543 = tpu.memref_slice %arg6[%run_scoped3A_227, %dma_start3A_541, %dma_start3A_542] : memref<2x128x128xf32, #tpu.memory_space<vmem>> -> memref<1x128x128xf32, #tpu.memory_space<vmem>>
      %dma_start3A_544 = tpu.memref_squeeze %dma_start3A_543 : memref<1x128x128xf32, #tpu.memory_space<vmem>> -> memref<128x128xf32, #tpu.memory_space<vmem>>
      %dma_start3A_545 = arith.constant 0 : i32
      %dma_start3A_546 = tpu.memref_slice %arg4[%add3A_226, %dma_start3A_545] : memref<81920x128xf32, #tpu.memory_space<hbm>> -> memref<128x128xf32, #tpu.memory_space<hbm>>
      %dma_start3A_547 = arith.constant 0 : i32
      %dma_start3A_548 = tpu.memref_slice %arg4[%add3A_226, %dma_start3A_547] : memref<81920x128xf32, #tpu.memory_space<hbm>> -> memref<128x128xf32, #tpu.memory_space<hbm>>
      %dma_start3A_549 = arith.constant 0 : i32
      %dma_start3A_550 = arith.constant 0 : i32
      %dma_start3A_551 = tpu.memref_slice %arg6[%run_scoped3A_227, %dma_start3A_549, %dma_start3A_550] : memref<2x128x128xf32, #tpu.memory_space<vmem>> -> memref<1x128x128xf32, #tpu.memory_space<vmem>>
      %dma_start3A_552 = tpu.memref_squeeze %dma_start3A_551 : memref<1x128x128xf32, #tpu.memory_space<vmem>> -> memref<128x128xf32, #tpu.memory_space<vmem>>
      tpu.enqueue_dma source(%dma_start3A_552 : memref<128x128xf32, #tpu.memory_space<vmem>>) target(%dma_start3A_548 : memref<128x128xf32, #tpu.memory_space<hbm>>) target_semaphore(%run_scoped3A_540 : memref<!tpu.dma_semaphore, #tpu.memory_space<semaphore_mem>>)
      %dma_wait3A_553 = arith.constant 0 : i32
      %dma_wait3A_554 = arith.constant 0 : i32
      %dma_wait3A_555 = tpu.memref_slice %arg6[%run_scoped3A_227, %dma_wait3A_553, %dma_wait3A_554] : memref<2x128x128xf32, #tpu.memory_space<vmem>> -> memref<1x128x128xf32, #tpu.memory_space<vmem>>
      %dma_wait3A_556 = tpu.memref_squeeze %dma_wait3A_555 : memref<1x128x128xf32, #tpu.memory_space<vmem>> -> memref<128x128xf32, #tpu.memory_space<vmem>>
      %dma_wait3A_557 = arith.constant 0 : i32
      %dma_wait3A_558 = tpu.memref_slice %arg4[%add3A_226, %dma_wait3A_557] : memref<81920x128xf32, #tpu.memory_space<hbm>> -> memref<128x128xf32, #tpu.memory_space<hbm>>
      %dma_wait3A_559 = arith.constant 0 : i32
      %dma_wait3A_560 = tpu.memref_slice %arg4[%add3A_226, %dma_wait3A_559] : memref<81920x128xf32, #tpu.memory_space<hbm>> -> memref<128x128xf32, #tpu.memory_space<hbm>>
      %dma_wait3A_561 = arith.constant 0 : i32
      %dma_wait3A_562 = arith.constant 0 : i32
      %dma_wait3A_563 = tpu.memref_slice %arg6[%run_scoped3A_227, %dma_wait3A_561, %dma_wait3A_562] : memref<2x128x128xf32, #tpu.memory_space<vmem>> -> memref<1x128x128xf32, #tpu.memory_space<vmem>>
      %dma_wait3A_564 = tpu.memref_squeeze %dma_wait3A_563 : memref<1x128x128xf32, #tpu.memory_space<vmem>> -> memref<128x128xf32, #tpu.memory_space<vmem>>
      tpu.wait_dma2 semaphore(%run_scoped3A_540 : memref<!tpu.dma_semaphore, #tpu.memory_space<semaphore_mem>>) src(%dma_wait3A_564 : memref<128x128xf32, #tpu.memory_space<vmem>>) dst(%dma_wait3A_560 : memref<128x128xf32, #tpu.memory_space<hbm>>)
      tpu.yield
    }) : () -> ()
    %dma_start3A_228 = arith.constant 9 : i32
    %dma_start3A_229 = arith.constant 1 : i32
    %dma_start3A_230 = arith.constant 0 : i32
    %dma_start3A_231 = arith.constant 0 : i32
    %dma_start3A_232 = tpu.memref_slice %arg6[%dma_start3A_229, %dma_start3A_230, %dma_start3A_231] : memref<2x128x128xf32, #tpu.memory_space<vmem>> -> memref<1x128x128xf32, #tpu.memory_space<vmem>>
    %dma_start3A_233 = tpu.memref_squeeze %dma_start3A_232 : memref<1x128x128xf32, #tpu.memory_space<vmem>> -> memref<128x128xf32, #tpu.memory_space<vmem>>
    %dma_start3A_234 = arith.constant 0 : i32
    %dma_start3A_235 = tpu.memref_slice %arg5[%dma_start3A_228, %dma_start3A_234] : memref<20x128xi32, #tpu.memory_space<vmem>> -> memref<1x128xi32, #tpu.memory_space<vmem>>
    %dma_start3A_236 = tpu.memref_squeeze %dma_start3A_235 : memref<1x128xi32, #tpu.memory_space<vmem>> -> memref<128xi32, #tpu.memory_space<vmem>>
    %dma_start3A_237 = arith.constant 0 : i32
    %dma_start3A_238 = arith.constant 0 : i32
    %dma_start3A_239 = tpu.memref_slice %arg3[%dma_start3A_237, %dma_start3A_238] : memref<100000x128xf32, #tpu.memory_space<hbm>> -> memref<100000x128xf32, #tpu.memory_space<hbm>>
    tpu.enqueue_indirect_dma source(%dma_start3A_239 : memref<100000x128xf32, #tpu.memory_space<hbm>>) target(%dma_start3A_233 : memref<128x128xf32, #tpu.memory_space<vmem>>) offsets(%dma_start3A_236 : memref<128xi32, #tpu.memory_space<vmem>>) semaphore(%arg8 : memref<!tpu.dma_semaphore, #tpu.memory_space<semaphore_mem>>)
    %dma_wait3A_240 = arith.constant 8 : i32
    %dma_wait3A_241 = arith.constant 0 : i32
    %dma_wait3A_242 = arith.constant 0 : i32
    %dma_wait3A_243 = arith.constant 0 : i32
    %dma_wait3A_244 = tpu.memref_slice %arg6[%dma_wait3A_241, %dma_wait3A_242, %dma_wait3A_243] : memref<2x128x128xf32, #tpu.memory_space<vmem>> -> memref<1x128x128xf32, #tpu.memory_space<vmem>>
    %dma_wait3A_245 = tpu.memref_squeeze %dma_wait3A_244 : memref<1x128x128xf32, #tpu.memory_space<vmem>> -> memref<128x128xf32, #tpu.memory_space<vmem>>
    %dma_wait3A_246 = arith.constant 0 : i32
    %dma_wait3A_247 = tpu.memref_slice %arg5[%dma_wait3A_240, %dma_wait3A_246] : memref<20x128xi32, #tpu.memory_space<vmem>> -> memref<1x128xi32, #tpu.memory_space<vmem>>
    %dma_wait3A_248 = tpu.memref_squeeze %dma_wait3A_247 : memref<1x128xi32, #tpu.memory_space<vmem>> -> memref<128xi32, #tpu.memory_space<vmem>>
    %dma_wait3A_249 = arith.constant 0 : i32
    %dma_wait3A_250 = arith.constant 0 : i32
    %dma_wait3A_251 = tpu.memref_slice %arg3[%dma_wait3A_249, %dma_wait3A_250] : memref<100000x128xf32, #tpu.memory_space<hbm>> -> memref<100000x128xf32, #tpu.memory_space<hbm>>
    tpu.wait_indirect_dma semaphore(%arg7 : memref<!tpu.dma_semaphore, #tpu.memory_space<semaphore_mem>>) src(%dma_wait3A_251 : memref<100000x128xf32, #tpu.memory_space<hbm>>) dst(%dma_wait3A_245 : memref<128x128xf32, #tpu.memory_space<vmem>>)
    %add3A_252 = arith.constant 1024 : i32
    %add3A_253 = arith.addi %mul3A_2, %add3A_252 : i32
    %run_scoped3A_254 = arith.constant 0 : i32
    "tpu.region"() ({
      %run_scoped3A_540 = tpu.sem_alloc : memref<!tpu.dma_semaphore, #tpu.memory_space<semaphore_mem>>
      %dma_start3A_541 = arith.constant 0 : i32
      %dma_start3A_542 = arith.constant 0 : i32
      %dma_start3A_543 = tpu.memref_slice %arg6[%run_scoped3A_254, %dma_start3A_541, %dma_start3A_542] : memref<2x128x128xf32, #tpu.memory_space<vmem>> -> memref<1x128x128xf32, #tpu.memory_space<vmem>>
      %dma_start3A_544 = tpu.memref_squeeze %dma_start3A_543 : memref<1x128x128xf32, #tpu.memory_space<vmem>> -> memref<128x128xf32, #tpu.memory_space<vmem>>
      %dma_start3A_545 = arith.constant 0 : i32
      %dma_start3A_546 = tpu.memref_slice %arg4[%add3A_253, %dma_start3A_545] : memref<81920x128xf32, #tpu.memory_space<hbm>> -> memref<128x128xf32, #tpu.memory_space<hbm>>
      %dma_start3A_547 = arith.constant 0 : i32
      %dma_start3A_548 = tpu.memref_slice %arg4[%add3A_253, %dma_start3A_547] : memref<81920x128xf32, #tpu.memory_space<hbm>> -> memref<128x128xf32, #tpu.memory_space<hbm>>
      %dma_start3A_549 = arith.constant 0 : i32
      %dma_start3A_550 = arith.constant 0 : i32
      %dma_start3A_551 = tpu.memref_slice %arg6[%run_scoped3A_254, %dma_start3A_549, %dma_start3A_550] : memref<2x128x128xf32, #tpu.memory_space<vmem>> -> memref<1x128x128xf32, #tpu.memory_space<vmem>>
      %dma_start3A_552 = tpu.memref_squeeze %dma_start3A_551 : memref<1x128x128xf32, #tpu.memory_space<vmem>> -> memref<128x128xf32, #tpu.memory_space<vmem>>
      tpu.enqueue_dma source(%dma_start3A_552 : memref<128x128xf32, #tpu.memory_space<vmem>>) target(%dma_start3A_548 : memref<128x128xf32, #tpu.memory_space<hbm>>) target_semaphore(%run_scoped3A_540 : memref<!tpu.dma_semaphore, #tpu.memory_space<semaphore_mem>>)
      %dma_wait3A_553 = arith.constant 0 : i32
      %dma_wait3A_554 = arith.constant 0 : i32
      %dma_wait3A_555 = tpu.memref_slice %arg6[%run_scoped3A_254, %dma_wait3A_553, %dma_wait3A_554] : memref<2x128x128xf32, #tpu.memory_space<vmem>> -> memref<1x128x128xf32, #tpu.memory_space<vmem>>
      %dma_wait3A_556 = tpu.memref_squeeze %dma_wait3A_555 : memref<1x128x128xf32, #tpu.memory_space<vmem>> -> memref<128x128xf32, #tpu.memory_space<vmem>>
      %dma_wait3A_557 = arith.constant 0 : i32
      %dma_wait3A_558 = tpu.memref_slice %arg4[%add3A_253, %dma_wait3A_557] : memref<81920x128xf32, #tpu.memory_space<hbm>> -> memref<128x128xf32, #tpu.memory_space<hbm>>
      %dma_wait3A_559 = arith.constant 0 : i32
      %dma_wait3A_560 = tpu.memref_slice %arg4[%add3A_253, %dma_wait3A_559] : memref<81920x128xf32, #tpu.memory_space<hbm>> -> memref<128x128xf32, #tpu.memory_space<hbm>>
      %dma_wait3A_561 = arith.constant 0 : i32
      %dma_wait3A_562 = arith.constant 0 : i32
      %dma_wait3A_563 = tpu.memref_slice %arg6[%run_scoped3A_254, %dma_wait3A_561, %dma_wait3A_562] : memref<2x128x128xf32, #tpu.memory_space<vmem>> -> memref<1x128x128xf32, #tpu.memory_space<vmem>>
      %dma_wait3A_564 = tpu.memref_squeeze %dma_wait3A_563 : memref<1x128x128xf32, #tpu.memory_space<vmem>> -> memref<128x128xf32, #tpu.memory_space<vmem>>
      tpu.wait_dma2 semaphore(%run_scoped3A_540 : memref<!tpu.dma_semaphore, #tpu.memory_space<semaphore_mem>>) src(%dma_wait3A_564 : memref<128x128xf32, #tpu.memory_space<vmem>>) dst(%dma_wait3A_560 : memref<128x128xf32, #tpu.memory_space<hbm>>)
      tpu.yield
    }) : () -> ()
    %dma_start3A_255 = arith.constant 10 : i32
    %dma_start3A_256 = arith.constant 0 : i32
    %dma_start3A_257 = arith.constant 0 : i32
    %dma_start3A_258 = arith.constant 0 : i32
    %dma_start3A_259 = tpu.memref_slice %arg6[%dma_start3A_256, %dma_start3A_257, %dma_start3A_258] : memref<2x128x128xf32, #tpu.memory_space<vmem>> -> memref<1x128x128xf32, #tpu.memory_space<vmem>>
    %dma_start3A_260 = tpu.memref_squeeze %dma_start3A_259 : memref<1x128x128xf32, #tpu.memory_space<vmem>> -> memref<128x128xf32, #tpu.memory_space<vmem>>
    %dma_start3A_261 = arith.constant 0 : i32
    %dma_start3A_262 = tpu.memref_slice %arg5[%dma_start3A_255, %dma_start3A_261] : memref<20x128xi32, #tpu.memory_space<vmem>> -> memref<1x128xi32, #tpu.memory_space<vmem>>
    %dma_start3A_263 = tpu.memref_squeeze %dma_start3A_262 : memref<1x128xi32, #tpu.memory_space<vmem>> -> memref<128xi32, #tpu.memory_space<vmem>>
    %dma_start3A_264 = arith.constant 0 : i32
    %dma_start3A_265 = arith.constant 0 : i32
    %dma_start3A_266 = tpu.memref_slice %arg3[%dma_start3A_264, %dma_start3A_265] : memref<100000x128xf32, #tpu.memory_space<hbm>> -> memref<100000x128xf32, #tpu.memory_space<hbm>>
    tpu.enqueue_indirect_dma source(%dma_start3A_266 : memref<100000x128xf32, #tpu.memory_space<hbm>>) target(%dma_start3A_260 : memref<128x128xf32, #tpu.memory_space<vmem>>) offsets(%dma_start3A_263 : memref<128xi32, #tpu.memory_space<vmem>>) semaphore(%arg7 : memref<!tpu.dma_semaphore, #tpu.memory_space<semaphore_mem>>)
    %dma_wait3A_267 = arith.constant 9 : i32
    %dma_wait3A_268 = arith.constant 1 : i32
    %dma_wait3A_269 = arith.constant 0 : i32
    %dma_wait3A_270 = arith.constant 0 : i32
    %dma_wait3A_271 = tpu.memref_slice %arg6[%dma_wait3A_268, %dma_wait3A_269, %dma_wait3A_270] : memref<2x128x128xf32, #tpu.memory_space<vmem>> -> memref<1x128x128xf32, #tpu.memory_space<vmem>>
    %dma_wait3A_272 = tpu.memref_squeeze %dma_wait3A_271 : memref<1x128x128xf32, #tpu.memory_space<vmem>> -> memref<128x128xf32, #tpu.memory_space<vmem>>
    %dma_wait3A_273 = arith.constant 0 : i32
    %dma_wait3A_274 = tpu.memref_slice %arg5[%dma_wait3A_267, %dma_wait3A_273] : memref<20x128xi32, #tpu.memory_space<vmem>> -> memref<1x128xi32, #tpu.memory_space<vmem>>
    %dma_wait3A_275 = tpu.memref_squeeze %dma_wait3A_274 : memref<1x128xi32, #tpu.memory_space<vmem>> -> memref<128xi32, #tpu.memory_space<vmem>>
    %dma_wait3A_276 = arith.constant 0 : i32
    %dma_wait3A_277 = arith.constant 0 : i32
    %dma_wait3A_278 = tpu.memref_slice %arg3[%dma_wait3A_276, %dma_wait3A_277] : memref<100000x128xf32, #tpu.memory_space<hbm>> -> memref<100000x128xf32, #tpu.memory_space<hbm>>
    tpu.wait_indirect_dma semaphore(%arg8 : memref<!tpu.dma_semaphore, #tpu.memory_space<semaphore_mem>>) src(%dma_wait3A_278 : memref<100000x128xf32, #tpu.memory_space<hbm>>) dst(%dma_wait3A_272 : memref<128x128xf32, #tpu.memory_space<vmem>>)
    %add3A_279 = arith.constant 1152 : i32
    %add3A_280 = arith.addi %mul3A_2, %add3A_279 : i32
    %run_scoped3A_281 = arith.constant 1 : i32
    "tpu.region"() ({
      %run_scoped3A_540 = tpu.sem_alloc : memref<!tpu.dma_semaphore, #tpu.memory_space<semaphore_mem>>
      %dma_start3A_541 = arith.constant 0 : i32
      %dma_start3A_542 = arith.constant 0 : i32
      %dma_start3A_543 = tpu.memref_slice %arg6[%run_scoped3A_281, %dma_start3A_541, %dma_start3A_542] : memref<2x128x128xf32, #tpu.memory_space<vmem>> -> memref<1x128x128xf32, #tpu.memory_space<vmem>>
      %dma_start3A_544 = tpu.memref_squeeze %dma_start3A_543 : memref<1x128x128xf32, #tpu.memory_space<vmem>> -> memref<128x128xf32, #tpu.memory_space<vmem>>
      %dma_start3A_545 = arith.constant 0 : i32
      %dma_start3A_546 = tpu.memref_slice %arg4[%add3A_280, %dma_start3A_545] : memref<81920x128xf32, #tpu.memory_space<hbm>> -> memref<128x128xf32, #tpu.memory_space<hbm>>
      %dma_start3A_547 = arith.constant 0 : i32
      %dma_start3A_548 = tpu.memref_slice %arg4[%add3A_280, %dma_start3A_547] : memref<81920x128xf32, #tpu.memory_space<hbm>> -> memref<128x128xf32, #tpu.memory_space<hbm>>
      %dma_start3A_549 = arith.constant 0 : i32
      %dma_start3A_550 = arith.constant 0 : i32
      %dma_start3A_551 = tpu.memref_slice %arg6[%run_scoped3A_281, %dma_start3A_549, %dma_start3A_550] : memref<2x128x128xf32, #tpu.memory_space<vmem>> -> memref<1x128x128xf32, #tpu.memory_space<vmem>>
      %dma_start3A_552 = tpu.memref_squeeze %dma_start3A_551 : memref<1x128x128xf32, #tpu.memory_space<vmem>> -> memref<128x128xf32, #tpu.memory_space<vmem>>
      tpu.enqueue_dma source(%dma_start3A_552 : memref<128x128xf32, #tpu.memory_space<vmem>>) target(%dma_start3A_548 : memref<128x128xf32, #tpu.memory_space<hbm>>) target_semaphore(%run_scoped3A_540 : memref<!tpu.dma_semaphore, #tpu.memory_space<semaphore_mem>>)
      %dma_wait3A_553 = arith.constant 0 : i32
      %dma_wait3A_554 = arith.constant 0 : i32
      %dma_wait3A_555 = tpu.memref_slice %arg6[%run_scoped3A_281, %dma_wait3A_553, %dma_wait3A_554] : memref<2x128x128xf32, #tpu.memory_space<vmem>> -> memref<1x128x128xf32, #tpu.memory_space<vmem>>
      %dma_wait3A_556 = tpu.memref_squeeze %dma_wait3A_555 : memref<1x128x128xf32, #tpu.memory_space<vmem>> -> memref<128x128xf32, #tpu.memory_space<vmem>>
      %dma_wait3A_557 = arith.constant 0 : i32
      %dma_wait3A_558 = tpu.memref_slice %arg4[%add3A_280, %dma_wait3A_557] : memref<81920x128xf32, #tpu.memory_space<hbm>> -> memref<128x128xf32, #tpu.memory_space<hbm>>
      %dma_wait3A_559 = arith.constant 0 : i32
      %dma_wait3A_560 = tpu.memref_slice %arg4[%add3A_280, %dma_wait3A_559] : memref<81920x128xf32, #tpu.memory_space<hbm>> -> memref<128x128xf32, #tpu.memory_space<hbm>>
      %dma_wait3A_561 = arith.constant 0 : i32
      %dma_wait3A_562 = arith.constant 0 : i32
      %dma_wait3A_563 = tpu.memref_slice %arg6[%run_scoped3A_281, %dma_wait3A_561, %dma_wait3A_562] : memref<2x128x128xf32, #tpu.memory_space<vmem>> -> memref<1x128x128xf32, #tpu.memory_space<vmem>>
      %dma_wait3A_564 = tpu.memref_squeeze %dma_wait3A_563 : memref<1x128x128xf32, #tpu.memory_space<vmem>> -> memref<128x128xf32, #tpu.memory_space<vmem>>
      tpu.wait_dma2 semaphore(%run_scoped3A_540 : memref<!tpu.dma_semaphore, #tpu.memory_space<semaphore_mem>>) src(%dma_wait3A_564 : memref<128x128xf32, #tpu.memory_space<vmem>>) dst(%dma_wait3A_560 : memref<128x128xf32, #tpu.memory_space<hbm>>)
      tpu.yield
    }) : () -> ()
    %dma_start3A_282 = arith.constant 11 : i32
    %dma_start3A_283 = arith.constant 1 : i32
    %dma_start3A_284 = arith.constant 0 : i32
    %dma_start3A_285 = arith.constant 0 : i32
    %dma_start3A_286 = tpu.memref_slice %arg6[%dma_start3A_283, %dma_start3A_284, %dma_start3A_285] : memref<2x128x128xf32, #tpu.memory_space<vmem>> -> memref<1x128x128xf32, #tpu.memory_space<vmem>>
    %dma_start3A_287 = tpu.memref_squeeze %dma_start3A_286 : memref<1x128x128xf32, #tpu.memory_space<vmem>> -> memref<128x128xf32, #tpu.memory_space<vmem>>
    %dma_start3A_288 = arith.constant 0 : i32
    %dma_start3A_289 = tpu.memref_slice %arg5[%dma_start3A_282, %dma_start3A_288] : memref<20x128xi32, #tpu.memory_space<vmem>> -> memref<1x128xi32, #tpu.memory_space<vmem>>
    %dma_start3A_290 = tpu.memref_squeeze %dma_start3A_289 : memref<1x128xi32, #tpu.memory_space<vmem>> -> memref<128xi32, #tpu.memory_space<vmem>>
    %dma_start3A_291 = arith.constant 0 : i32
    %dma_start3A_292 = arith.constant 0 : i32
    %dma_start3A_293 = tpu.memref_slice %arg3[%dma_start3A_291, %dma_start3A_292] : memref<100000x128xf32, #tpu.memory_space<hbm>> -> memref<100000x128xf32, #tpu.memory_space<hbm>>
    tpu.enqueue_indirect_dma source(%dma_start3A_293 : memref<100000x128xf32, #tpu.memory_space<hbm>>) target(%dma_start3A_287 : memref<128x128xf32, #tpu.memory_space<vmem>>) offsets(%dma_start3A_290 : memref<128xi32, #tpu.memory_space<vmem>>) semaphore(%arg8 : memref<!tpu.dma_semaphore, #tpu.memory_space<semaphore_mem>>)
    %dma_wait3A_294 = arith.constant 10 : i32
    %dma_wait3A_295 = arith.constant 0 : i32
    %dma_wait3A_296 = arith.constant 0 : i32
    %dma_wait3A_297 = arith.constant 0 : i32
    %dma_wait3A_298 = tpu.memref_slice %arg6[%dma_wait3A_295, %dma_wait3A_296, %dma_wait3A_297] : memref<2x128x128xf32, #tpu.memory_space<vmem>> -> memref<1x128x128xf32, #tpu.memory_space<vmem>>
    %dma_wait3A_299 = tpu.memref_squeeze %dma_wait3A_298 : memref<1x128x128xf32, #tpu.memory_space<vmem>> -> memref<128x128xf32, #tpu.memory_space<vmem>>
    %dma_wait3A_300 = arith.constant 0 : i32
    %dma_wait3A_301 = tpu.memref_slice %arg5[%dma_wait3A_294, %dma_wait3A_300] : memref<20x128xi32, #tpu.memory_space<vmem>> -> memref<1x128xi32, #tpu.memory_space<vmem>>
    %dma_wait3A_302 = tpu.memref_squeeze %dma_wait3A_301 : memref<1x128xi32, #tpu.memory_space<vmem>> -> memref<128xi32, #tpu.memory_space<vmem>>
    %dma_wait3A_303 = arith.constant 0 : i32
    %dma_wait3A_304 = arith.constant 0 : i32
    %dma_wait3A_305 = tpu.memref_slice %arg3[%dma_wait3A_303, %dma_wait3A_304] : memref<100000x128xf32, #tpu.memory_space<hbm>> -> memref<100000x128xf32, #tpu.memory_space<hbm>>
    tpu.wait_indirect_dma semaphore(%arg7 : memref<!tpu.dma_semaphore, #tpu.memory_space<semaphore_mem>>) src(%dma_wait3A_305 : memref<100000x128xf32, #tpu.memory_space<hbm>>) dst(%dma_wait3A_299 : memref<128x128xf32, #tpu.memory_space<vmem>>)
    %add3A_306 = arith.constant 1280 : i32
    %add3A_307 = arith.addi %mul3A_2, %add3A_306 : i32
    %run_scoped3A_308 = arith.constant 0 : i32
    "tpu.region"() ({
      %run_scoped3A_540 = tpu.sem_alloc : memref<!tpu.dma_semaphore, #tpu.memory_space<semaphore_mem>>
      %dma_start3A_541 = arith.constant 0 : i32
      %dma_start3A_542 = arith.constant 0 : i32
      %dma_start3A_543 = tpu.memref_slice %arg6[%run_scoped3A_308, %dma_start3A_541, %dma_start3A_542] : memref<2x128x128xf32, #tpu.memory_space<vmem>> -> memref<1x128x128xf32, #tpu.memory_space<vmem>>
      %dma_start3A_544 = tpu.memref_squeeze %dma_start3A_543 : memref<1x128x128xf32, #tpu.memory_space<vmem>> -> memref<128x128xf32, #tpu.memory_space<vmem>>
      %dma_start3A_545 = arith.constant 0 : i32
      %dma_start3A_546 = tpu.memref_slice %arg4[%add3A_307, %dma_start3A_545] : memref<81920x128xf32, #tpu.memory_space<hbm>> -> memref<128x128xf32, #tpu.memory_space<hbm>>
      %dma_start3A_547 = arith.constant 0 : i32
      %dma_start3A_548 = tpu.memref_slice %arg4[%add3A_307, %dma_start3A_547] : memref<81920x128xf32, #tpu.memory_space<hbm>> -> memref<128x128xf32, #tpu.memory_space<hbm>>
      %dma_start3A_549 = arith.constant 0 : i32
      %dma_start3A_550 = arith.constant 0 : i32
      %dma_start3A_551 = tpu.memref_slice %arg6[%run_scoped3A_308, %dma_start3A_549, %dma_start3A_550] : memref<2x128x128xf32, #tpu.memory_space<vmem>> -> memref<1x128x128xf32, #tpu.memory_space<vmem>>
      %dma_start3A_552 = tpu.memref_squeeze %dma_start3A_551 : memref<1x128x128xf32, #tpu.memory_space<vmem>> -> memref<128x128xf32, #tpu.memory_space<vmem>>
      tpu.enqueue_dma source(%dma_start3A_552 : memref<128x128xf32, #tpu.memory_space<vmem>>) target(%dma_start3A_548 : memref<128x128xf32, #tpu.memory_space<hbm>>) target_semaphore(%run_scoped3A_540 : memref<!tpu.dma_semaphore, #tpu.memory_space<semaphore_mem>>)
      %dma_wait3A_553 = arith.constant 0 : i32
      %dma_wait3A_554 = arith.constant 0 : i32
      %dma_wait3A_555 = tpu.memref_slice %arg6[%run_scoped3A_308, %dma_wait3A_553, %dma_wait3A_554] : memref<2x128x128xf32, #tpu.memory_space<vmem>> -> memref<1x128x128xf32, #tpu.memory_space<vmem>>
      %dma_wait3A_556 = tpu.memref_squeeze %dma_wait3A_555 : memref<1x128x128xf32, #tpu.memory_space<vmem>> -> memref<128x128xf32, #tpu.memory_space<vmem>>
      %dma_wait3A_557 = arith.constant 0 : i32
      %dma_wait3A_558 = tpu.memref_slice %arg4[%add3A_307, %dma_wait3A_557] : memref<81920x128xf32, #tpu.memory_space<hbm>> -> memref<128x128xf32, #tpu.memory_space<hbm>>
      %dma_wait3A_559 = arith.constant 0 : i32
      %dma_wait3A_560 = tpu.memref_slice %arg4[%add3A_307, %dma_wait3A_559] : memref<81920x128xf32, #tpu.memory_space<hbm>> -> memref<128x128xf32, #tpu.memory_space<hbm>>
      %dma_wait3A_561 = arith.constant 0 : i32
      %dma_wait3A_562 = arith.constant 0 : i32
      %dma_wait3A_563 = tpu.memref_slice %arg6[%run_scoped3A_308, %dma_wait3A_561, %dma_wait3A_562] : memref<2x128x128xf32, #tpu.memory_space<vmem>> -> memref<1x128x128xf32, #tpu.memory_space<vmem>>
      %dma_wait3A_564 = tpu.memref_squeeze %dma_wait3A_563 : memref<1x128x128xf32, #tpu.memory_space<vmem>> -> memref<128x128xf32, #tpu.memory_space<vmem>>
      tpu.wait_dma2 semaphore(%run_scoped3A_540 : memref<!tpu.dma_semaphore, #tpu.memory_space<semaphore_mem>>) src(%dma_wait3A_564 : memref<128x128xf32, #tpu.memory_space<vmem>>) dst(%dma_wait3A_560 : memref<128x128xf32, #tpu.memory_space<hbm>>)
      tpu.yield
    }) : () -> ()
    %dma_start3A_309 = arith.constant 12 : i32
    %dma_start3A_310 = arith.constant 0 : i32
    %dma_start3A_311 = arith.constant 0 : i32
    %dma_start3A_312 = arith.constant 0 : i32
    %dma_start3A_313 = tpu.memref_slice %arg6[%dma_start3A_310, %dma_start3A_311, %dma_start3A_312] : memref<2x128x128xf32, #tpu.memory_space<vmem>> -> memref<1x128x128xf32, #tpu.memory_space<vmem>>
    %dma_start3A_314 = tpu.memref_squeeze %dma_start3A_313 : memref<1x128x128xf32, #tpu.memory_space<vmem>> -> memref<128x128xf32, #tpu.memory_space<vmem>>
    %dma_start3A_315 = arith.constant 0 : i32
    %dma_start3A_316 = tpu.memref_slice %arg5[%dma_start3A_309, %dma_start3A_315] : memref<20x128xi32, #tpu.memory_space<vmem>> -> memref<1x128xi32, #tpu.memory_space<vmem>>
    %dma_start3A_317 = tpu.memref_squeeze %dma_start3A_316 : memref<1x128xi32, #tpu.memory_space<vmem>> -> memref<128xi32, #tpu.memory_space<vmem>>
    %dma_start3A_318 = arith.constant 0 : i32
    %dma_start3A_319 = arith.constant 0 : i32
    %dma_start3A_320 = tpu.memref_slice %arg3[%dma_start3A_318, %dma_start3A_319] : memref<100000x128xf32, #tpu.memory_space<hbm>> -> memref<100000x128xf32, #tpu.memory_space<hbm>>
    tpu.enqueue_indirect_dma source(%dma_start3A_320 : memref<100000x128xf32, #tpu.memory_space<hbm>>) target(%dma_start3A_314 : memref<128x128xf32, #tpu.memory_space<vmem>>) offsets(%dma_start3A_317 : memref<128xi32, #tpu.memory_space<vmem>>) semaphore(%arg7 : memref<!tpu.dma_semaphore, #tpu.memory_space<semaphore_mem>>)
    %dma_wait3A_321 = arith.constant 11 : i32
    %dma_wait3A_322 = arith.constant 1 : i32
    %dma_wait3A_323 = arith.constant 0 : i32
    %dma_wait3A_324 = arith.constant 0 : i32
    %dma_wait3A_325 = tpu.memref_slice %arg6[%dma_wait3A_322, %dma_wait3A_323, %dma_wait3A_324] : memref<2x128x128xf32, #tpu.memory_space<vmem>> -> memref<1x128x128xf32, #tpu.memory_space<vmem>>
    %dma_wait3A_326 = tpu.memref_squeeze %dma_wait3A_325 : memref<1x128x128xf32, #tpu.memory_space<vmem>> -> memref<128x128xf32, #tpu.memory_space<vmem>>
    %dma_wait3A_327 = arith.constant 0 : i32
    %dma_wait3A_328 = tpu.memref_slice %arg5[%dma_wait3A_321, %dma_wait3A_327] : memref<20x128xi32, #tpu.memory_space<vmem>> -> memref<1x128xi32, #tpu.memory_space<vmem>>
    %dma_wait3A_329 = tpu.memref_squeeze %dma_wait3A_328 : memref<1x128xi32, #tpu.memory_space<vmem>> -> memref<128xi32, #tpu.memory_space<vmem>>
    %dma_wait3A_330 = arith.constant 0 : i32
    %dma_wait3A_331 = arith.constant 0 : i32
    %dma_wait3A_332 = tpu.memref_slice %arg3[%dma_wait3A_330, %dma_wait3A_331] : memref<100000x128xf32, #tpu.memory_space<hbm>> -> memref<100000x128xf32, #tpu.memory_space<hbm>>
    tpu.wait_indirect_dma semaphore(%arg8 : memref<!tpu.dma_semaphore, #tpu.memory_space<semaphore_mem>>) src(%dma_wait3A_332 : memref<100000x128xf32, #tpu.memory_space<hbm>>) dst(%dma_wait3A_326 : memref<128x128xf32, #tpu.memory_space<vmem>>)
    %add3A_333 = arith.constant 1408 : i32
    %add3A_334 = arith.addi %mul3A_2, %add3A_333 : i32
    %run_scoped3A_335 = arith.constant 1 : i32
    "tpu.region"() ({
      %run_scoped3A_540 = tpu.sem_alloc : memref<!tpu.dma_semaphore, #tpu.memory_space<semaphore_mem>>
      %dma_start3A_541 = arith.constant 0 : i32
      %dma_start3A_542 = arith.constant 0 : i32
      %dma_start3A_543 = tpu.memref_slice %arg6[%run_scoped3A_335, %dma_start3A_541, %dma_start3A_542] : memref<2x128x128xf32, #tpu.memory_space<vmem>> -> memref<1x128x128xf32, #tpu.memory_space<vmem>>
      %dma_start3A_544 = tpu.memref_squeeze %dma_start3A_543 : memref<1x128x128xf32, #tpu.memory_space<vmem>> -> memref<128x128xf32, #tpu.memory_space<vmem>>
      %dma_start3A_545 = arith.constant 0 : i32
      %dma_start3A_546 = tpu.memref_slice %arg4[%add3A_334, %dma_start3A_545] : memref<81920x128xf32, #tpu.memory_space<hbm>> -> memref<128x128xf32, #tpu.memory_space<hbm>>
      %dma_start3A_547 = arith.constant 0 : i32
      %dma_start3A_548 = tpu.memref_slice %arg4[%add3A_334, %dma_start3A_547] : memref<81920x128xf32, #tpu.memory_space<hbm>> -> memref<128x128xf32, #tpu.memory_space<hbm>>
      %dma_start3A_549 = arith.constant 0 : i32
      %dma_start3A_550 = arith.constant 0 : i32
      %dma_start3A_551 = tpu.memref_slice %arg6[%run_scoped3A_335, %dma_start3A_549, %dma_start3A_550] : memref<2x128x128xf32, #tpu.memory_space<vmem>> -> memref<1x128x128xf32, #tpu.memory_space<vmem>>
      %dma_start3A_552 = tpu.memref_squeeze %dma_start3A_551 : memref<1x128x128xf32, #tpu.memory_space<vmem>> -> memref<128x128xf32, #tpu.memory_space<vmem>>
      tpu.enqueue_dma source(%dma_start3A_552 : memref<128x128xf32, #tpu.memory_space<vmem>>) target(%dma_start3A_548 : memref<128x128xf32, #tpu.memory_space<hbm>>) target_semaphore(%run_scoped3A_540 : memref<!tpu.dma_semaphore, #tpu.memory_space<semaphore_mem>>)
      %dma_wait3A_553 = arith.constant 0 : i32
      %dma_wait3A_554 = arith.constant 0 : i32
      %dma_wait3A_555 = tpu.memref_slice %arg6[%run_scoped3A_335, %dma_wait3A_553, %dma_wait3A_554] : memref<2x128x128xf32, #tpu.memory_space<vmem>> -> memref<1x128x128xf32, #tpu.memory_space<vmem>>
      %dma_wait3A_556 = tpu.memref_squeeze %dma_wait3A_555 : memref<1x128x128xf32, #tpu.memory_space<vmem>> -> memref<128x128xf32, #tpu.memory_space<vmem>>
      %dma_wait3A_557 = arith.constant 0 : i32
      %dma_wait3A_558 = tpu.memref_slice %arg4[%add3A_334, %dma_wait3A_557] : memref<81920x128xf32, #tpu.memory_space<hbm>> -> memref<128x128xf32, #tpu.memory_space<hbm>>
      %dma_wait3A_559 = arith.constant 0 : i32
      %dma_wait3A_560 = tpu.memref_slice %arg4[%add3A_334, %dma_wait3A_559] : memref<81920x128xf32, #tpu.memory_space<hbm>> -> memref<128x128xf32, #tpu.memory_space<hbm>>
      %dma_wait3A_561 = arith.constant 0 : i32
      %dma_wait3A_562 = arith.constant 0 : i32
      %dma_wait3A_563 = tpu.memref_slice %arg6[%run_scoped3A_335, %dma_wait3A_561, %dma_wait3A_562] : memref<2x128x128xf32, #tpu.memory_space<vmem>> -> memref<1x128x128xf32, #tpu.memory_space<vmem>>
      %dma_wait3A_564 = tpu.memref_squeeze %dma_wait3A_563 : memref<1x128x128xf32, #tpu.memory_space<vmem>> -> memref<128x128xf32, #tpu.memory_space<vmem>>
      tpu.wait_dma2 semaphore(%run_scoped3A_540 : memref<!tpu.dma_semaphore, #tpu.memory_space<semaphore_mem>>) src(%dma_wait3A_564 : memref<128x128xf32, #tpu.memory_space<vmem>>) dst(%dma_wait3A_560 : memref<128x128xf32, #tpu.memory_space<hbm>>)
      tpu.yield
    }) : () -> ()
    %dma_start3A_336 = arith.constant 13 : i32
    %dma_start3A_337 = arith.constant 1 : i32
    %dma_start3A_338 = arith.constant 0 : i32
    %dma_start3A_339 = arith.constant 0 : i32
    %dma_start3A_340 = tpu.memref_slice %arg6[%dma_start3A_337, %dma_start3A_338, %dma_start3A_339] : memref<2x128x128xf32, #tpu.memory_space<vmem>> -> memref<1x128x128xf32, #tpu.memory_space<vmem>>
    %dma_start3A_341 = tpu.memref_squeeze %dma_start3A_340 : memref<1x128x128xf32, #tpu.memory_space<vmem>> -> memref<128x128xf32, #tpu.memory_space<vmem>>
    %dma_start3A_342 = arith.constant 0 : i32
    %dma_start3A_343 = tpu.memref_slice %arg5[%dma_start3A_336, %dma_start3A_342] : memref<20x128xi32, #tpu.memory_space<vmem>> -> memref<1x128xi32, #tpu.memory_space<vmem>>
    %dma_start3A_344 = tpu.memref_squeeze %dma_start3A_343 : memref<1x128xi32, #tpu.memory_space<vmem>> -> memref<128xi32, #tpu.memory_space<vmem>>
    %dma_start3A_345 = arith.constant 0 : i32
    %dma_start3A_346 = arith.constant 0 : i32
    %dma_start3A_347 = tpu.memref_slice %arg3[%dma_start3A_345, %dma_start3A_346] : memref<100000x128xf32, #tpu.memory_space<hbm>> -> memref<100000x128xf32, #tpu.memory_space<hbm>>
    tpu.enqueue_indirect_dma source(%dma_start3A_347 : memref<100000x128xf32, #tpu.memory_space<hbm>>) target(%dma_start3A_341 : memref<128x128xf32, #tpu.memory_space<vmem>>) offsets(%dma_start3A_344 : memref<128xi32, #tpu.memory_space<vmem>>) semaphore(%arg8 : memref<!tpu.dma_semaphore, #tpu.memory_space<semaphore_mem>>)
    %dma_wait3A_348 = arith.constant 12 : i32
    %dma_wait3A_349 = arith.constant 0 : i32
    %dma_wait3A_350 = arith.constant 0 : i32
    %dma_wait3A_351 = arith.constant 0 : i32
    %dma_wait3A_352 = tpu.memref_slice %arg6[%dma_wait3A_349, %dma_wait3A_350, %dma_wait3A_351] : memref<2x128x128xf32, #tpu.memory_space<vmem>> -> memref<1x128x128xf32, #tpu.memory_space<vmem>>
    %dma_wait3A_353 = tpu.memref_squeeze %dma_wait3A_352 : memref<1x128x128xf32, #tpu.memory_space<vmem>> -> memref<128x128xf32, #tpu.memory_space<vmem>>
    %dma_wait3A_354 = arith.constant 0 : i32
    %dma_wait3A_355 = tpu.memref_slice %arg5[%dma_wait3A_348, %dma_wait3A_354] : memref<20x128xi32, #tpu.memory_space<vmem>> -> memref<1x128xi32, #tpu.memory_space<vmem>>
    %dma_wait3A_356 = tpu.memref_squeeze %dma_wait3A_355 : memref<1x128xi32, #tpu.memory_space<vmem>> -> memref<128xi32, #tpu.memory_space<vmem>>
    %dma_wait3A_357 = arith.constant 0 : i32
    %dma_wait3A_358 = arith.constant 0 : i32
    %dma_wait3A_359 = tpu.memref_slice %arg3[%dma_wait3A_357, %dma_wait3A_358] : memref<100000x128xf32, #tpu.memory_space<hbm>> -> memref<100000x128xf32, #tpu.memory_space<hbm>>
    tpu.wait_indirect_dma semaphore(%arg7 : memref<!tpu.dma_semaphore, #tpu.memory_space<semaphore_mem>>) src(%dma_wait3A_359 : memref<100000x128xf32, #tpu.memory_space<hbm>>) dst(%dma_wait3A_353 : memref<128x128xf32, #tpu.memory_space<vmem>>)
    %add3A_360 = arith.constant 1536 : i32
    %add3A_361 = arith.addi %mul3A_2, %add3A_360 : i32
    %run_scoped3A_362 = arith.constant 0 : i32
    "tpu.region"() ({
      %run_scoped3A_540 = tpu.sem_alloc : memref<!tpu.dma_semaphore, #tpu.memory_space<semaphore_mem>>
      %dma_start3A_541 = arith.constant 0 : i32
      %dma_start3A_542 = arith.constant 0 : i32
      %dma_start3A_543 = tpu.memref_slice %arg6[%run_scoped3A_362, %dma_start3A_541, %dma_start3A_542] : memref<2x128x128xf32, #tpu.memory_space<vmem>> -> memref<1x128x128xf32, #tpu.memory_space<vmem>>
      %dma_start3A_544 = tpu.memref_squeeze %dma_start3A_543 : memref<1x128x128xf32, #tpu.memory_space<vmem>> -> memref<128x128xf32, #tpu.memory_space<vmem>>
      %dma_start3A_545 = arith.constant 0 : i32
      %dma_start3A_546 = tpu.memref_slice %arg4[%add3A_361, %dma_start3A_545] : memref<81920x128xf32, #tpu.memory_space<hbm>> -> memref<128x128xf32, #tpu.memory_space<hbm>>
      %dma_start3A_547 = arith.constant 0 : i32
      %dma_start3A_548 = tpu.memref_slice %arg4[%add3A_361, %dma_start3A_547] : memref<81920x128xf32, #tpu.memory_space<hbm>> -> memref<128x128xf32, #tpu.memory_space<hbm>>
      %dma_start3A_549 = arith.constant 0 : i32
      %dma_start3A_550 = arith.constant 0 : i32
      %dma_start3A_551 = tpu.memref_slice %arg6[%run_scoped3A_362, %dma_start3A_549, %dma_start3A_550] : memref<2x128x128xf32, #tpu.memory_space<vmem>> -> memref<1x128x128xf32, #tpu.memory_space<vmem>>
      %dma_start3A_552 = tpu.memref_squeeze %dma_start3A_551 : memref<1x128x128xf32, #tpu.memory_space<vmem>> -> memref<128x128xf32, #tpu.memory_space<vmem>>
      tpu.enqueue_dma source(%dma_start3A_552 : memref<128x128xf32, #tpu.memory_space<vmem>>) target(%dma_start3A_548 : memref<128x128xf32, #tpu.memory_space<hbm>>) target_semaphore(%run_scoped3A_540 : memref<!tpu.dma_semaphore, #tpu.memory_space<semaphore_mem>>)
      %dma_wait3A_553 = arith.constant 0 : i32
      %dma_wait3A_554 = arith.constant 0 : i32
      %dma_wait3A_555 = tpu.memref_slice %arg6[%run_scoped3A_362, %dma_wait3A_553, %dma_wait3A_554] : memref<2x128x128xf32, #tpu.memory_space<vmem>> -> memref<1x128x128xf32, #tpu.memory_space<vmem>>
      %dma_wait3A_556 = tpu.memref_squeeze %dma_wait3A_555 : memref<1x128x128xf32, #tpu.memory_space<vmem>> -> memref<128x128xf32, #tpu.memory_space<vmem>>
      %dma_wait3A_557 = arith.constant 0 : i32
      %dma_wait3A_558 = tpu.memref_slice %arg4[%add3A_361, %dma_wait3A_557] : memref<81920x128xf32, #tpu.memory_space<hbm>> -> memref<128x128xf32, #tpu.memory_space<hbm>>
      %dma_wait3A_559 = arith.constant 0 : i32
      %dma_wait3A_560 = tpu.memref_slice %arg4[%add3A_361, %dma_wait3A_559] : memref<81920x128xf32, #tpu.memory_space<hbm>> -> memref<128x128xf32, #tpu.memory_space<hbm>>
      %dma_wait3A_561 = arith.constant 0 : i32
      %dma_wait3A_562 = arith.constant 0 : i32
      %dma_wait3A_563 = tpu.memref_slice %arg6[%run_scoped3A_362, %dma_wait3A_561, %dma_wait3A_562] : memref<2x128x128xf32, #tpu.memory_space<vmem>> -> memref<1x128x128xf32, #tpu.memory_space<vmem>>
      %dma_wait3A_564 = tpu.memref_squeeze %dma_wait3A_563 : memref<1x128x128xf32, #tpu.memory_space<vmem>> -> memref<128x128xf32, #tpu.memory_space<vmem>>
      tpu.wait_dma2 semaphore(%run_scoped3A_540 : memref<!tpu.dma_semaphore, #tpu.memory_space<semaphore_mem>>) src(%dma_wait3A_564 : memref<128x128xf32, #tpu.memory_space<vmem>>) dst(%dma_wait3A_560 : memref<128x128xf32, #tpu.memory_space<hbm>>)
      tpu.yield
    }) : () -> ()
    %dma_start3A_363 = arith.constant 14 : i32
    %dma_start3A_364 = arith.constant 0 : i32
    %dma_start3A_365 = arith.constant 0 : i32
    %dma_start3A_366 = arith.constant 0 : i32
    %dma_start3A_367 = tpu.memref_slice %arg6[%dma_start3A_364, %dma_start3A_365, %dma_start3A_366] : memref<2x128x128xf32, #tpu.memory_space<vmem>> -> memref<1x128x128xf32, #tpu.memory_space<vmem>>
    %dma_start3A_368 = tpu.memref_squeeze %dma_start3A_367 : memref<1x128x128xf32, #tpu.memory_space<vmem>> -> memref<128x128xf32, #tpu.memory_space<vmem>>
    %dma_start3A_369 = arith.constant 0 : i32
    %dma_start3A_370 = tpu.memref_slice %arg5[%dma_start3A_363, %dma_start3A_369] : memref<20x128xi32, #tpu.memory_space<vmem>> -> memref<1x128xi32, #tpu.memory_space<vmem>>
    %dma_start3A_371 = tpu.memref_squeeze %dma_start3A_370 : memref<1x128xi32, #tpu.memory_space<vmem>> -> memref<128xi32, #tpu.memory_space<vmem>>
    %dma_start3A_372 = arith.constant 0 : i32
    %dma_start3A_373 = arith.constant 0 : i32
    %dma_start3A_374 = tpu.memref_slice %arg3[%dma_start3A_372, %dma_start3A_373] : memref<100000x128xf32, #tpu.memory_space<hbm>> -> memref<100000x128xf32, #tpu.memory_space<hbm>>
    tpu.enqueue_indirect_dma source(%dma_start3A_374 : memref<100000x128xf32, #tpu.memory_space<hbm>>) target(%dma_start3A_368 : memref<128x128xf32, #tpu.memory_space<vmem>>) offsets(%dma_start3A_371 : memref<128xi32, #tpu.memory_space<vmem>>) semaphore(%arg7 : memref<!tpu.dma_semaphore, #tpu.memory_space<semaphore_mem>>)
    %dma_wait3A_375 = arith.constant 13 : i32
    %dma_wait3A_376 = arith.constant 1 : i32
    %dma_wait3A_377 = arith.constant 0 : i32
    %dma_wait3A_378 = arith.constant 0 : i32
    %dma_wait3A_379 = tpu.memref_slice %arg6[%dma_wait3A_376, %dma_wait3A_377, %dma_wait3A_378] : memref<2x128x128xf32, #tpu.memory_space<vmem>> -> memref<1x128x128xf32, #tpu.memory_space<vmem>>
    %dma_wait3A_380 = tpu.memref_squeeze %dma_wait3A_379 : memref<1x128x128xf32, #tpu.memory_space<vmem>> -> memref<128x128xf32, #tpu.memory_space<vmem>>
    %dma_wait3A_381 = arith.constant 0 : i32
    %dma_wait3A_382 = tpu.memref_slice %arg5[%dma_wait3A_375, %dma_wait3A_381] : memref<20x128xi32, #tpu.memory_space<vmem>> -> memref<1x128xi32, #tpu.memory_space<vmem>>
    %dma_wait3A_383 = tpu.memref_squeeze %dma_wait3A_382 : memref<1x128xi32, #tpu.memory_space<vmem>> -> memref<128xi32, #tpu.memory_space<vmem>>
    %dma_wait3A_384 = arith.constant 0 : i32
    %dma_wait3A_385 = arith.constant 0 : i32
    %dma_wait3A_386 = tpu.memref_slice %arg3[%dma_wait3A_384, %dma_wait3A_385] : memref<100000x128xf32, #tpu.memory_space<hbm>> -> memref<100000x128xf32, #tpu.memory_space<hbm>>
    tpu.wait_indirect_dma semaphore(%arg8 : memref<!tpu.dma_semaphore, #tpu.memory_space<semaphore_mem>>) src(%dma_wait3A_386 : memref<100000x128xf32, #tpu.memory_space<hbm>>) dst(%dma_wait3A_380 : memref<128x128xf32, #tpu.memory_space<vmem>>)
    %add3A_387 = arith.constant 1664 : i32
    %add3A_388 = arith.addi %mul3A_2, %add3A_387 : i32
    %run_scoped3A_389 = arith.constant 1 : i32
    "tpu.region"() ({
      %run_scoped3A_540 = tpu.sem_alloc : memref<!tpu.dma_semaphore, #tpu.memory_space<semaphore_mem>>
      %dma_start3A_541 = arith.constant 0 : i32
      %dma_start3A_542 = arith.constant 0 : i32
      %dma_start3A_543 = tpu.memref_slice %arg6[%run_scoped3A_389, %dma_start3A_541, %dma_start3A_542] : memref<2x128x128xf32, #tpu.memory_space<vmem>> -> memref<1x128x128xf32, #tpu.memory_space<vmem>>
      %dma_start3A_544 = tpu.memref_squeeze %dma_start3A_543 : memref<1x128x128xf32, #tpu.memory_space<vmem>> -> memref<128x128xf32, #tpu.memory_space<vmem>>
      %dma_start3A_545 = arith.constant 0 : i32
      %dma_start3A_546 = tpu.memref_slice %arg4[%add3A_388, %dma_start3A_545] : memref<81920x128xf32, #tpu.memory_space<hbm>> -> memref<128x128xf32, #tpu.memory_space<hbm>>
      %dma_start3A_547 = arith.constant 0 : i32
      %dma_start3A_548 = tpu.memref_slice %arg4[%add3A_388, %dma_start3A_547] : memref<81920x128xf32, #tpu.memory_space<hbm>> -> memref<128x128xf32, #tpu.memory_space<hbm>>
      %dma_start3A_549 = arith.constant 0 : i32
      %dma_start3A_550 = arith.constant 0 : i32
      %dma_start3A_551 = tpu.memref_slice %arg6[%run_scoped3A_389, %dma_start3A_549, %dma_start3A_550] : memref<2x128x128xf32, #tpu.memory_space<vmem>> -> memref<1x128x128xf32, #tpu.memory_space<vmem>>
      %dma_start3A_552 = tpu.memref_squeeze %dma_start3A_551 : memref<1x128x128xf32, #tpu.memory_space<vmem>> -> memref<128x128xf32, #tpu.memory_space<vmem>>
      tpu.enqueue_dma source(%dma_start3A_552 : memref<128x128xf32, #tpu.memory_space<vmem>>) target(%dma_start3A_548 : memref<128x128xf32, #tpu.memory_space<hbm>>) target_semaphore(%run_scoped3A_540 : memref<!tpu.dma_semaphore, #tpu.memory_space<semaphore_mem>>)
      %dma_wait3A_553 = arith.constant 0 : i32
      %dma_wait3A_554 = arith.constant 0 : i32
      %dma_wait3A_555 = tpu.memref_slice %arg6[%run_scoped3A_389, %dma_wait3A_553, %dma_wait3A_554] : memref<2x128x128xf32, #tpu.memory_space<vmem>> -> memref<1x128x128xf32, #tpu.memory_space<vmem>>
      %dma_wait3A_556 = tpu.memref_squeeze %dma_wait3A_555 : memref<1x128x128xf32, #tpu.memory_space<vmem>> -> memref<128x128xf32, #tpu.memory_space<vmem>>
      %dma_wait3A_557 = arith.constant 0 : i32
      %dma_wait3A_558 = tpu.memref_slice %arg4[%add3A_388, %dma_wait3A_557] : memref<81920x128xf32, #tpu.memory_space<hbm>> -> memref<128x128xf32, #tpu.memory_space<hbm>>
      %dma_wait3A_559 = arith.constant 0 : i32
      %dma_wait3A_560 = tpu.memref_slice %arg4[%add3A_388, %dma_wait3A_559] : memref<81920x128xf32, #tpu.memory_space<hbm>> -> memref<128x128xf32, #tpu.memory_space<hbm>>
      %dma_wait3A_561 = arith.constant 0 : i32
      %dma_wait3A_562 = arith.constant 0 : i32
      %dma_wait3A_563 = tpu.memref_slice %arg6[%run_scoped3A_389, %dma_wait3A_561, %dma_wait3A_562] : memref<2x128x128xf32, #tpu.memory_space<vmem>> -> memref<1x128x128xf32, #tpu.memory_space<vmem>>
      %dma_wait3A_564 = tpu.memref_squeeze %dma_wait3A_563 : memref<1x128x128xf32, #tpu.memory_space<vmem>> -> memref<128x128xf32, #tpu.memory_space<vmem>>
      tpu.wait_dma2 semaphore(%run_scoped3A_540 : memref<!tpu.dma_semaphore, #tpu.memory_space<semaphore_mem>>) src(%dma_wait3A_564 : memref<128x128xf32, #tpu.memory_space<vmem>>) dst(%dma_wait3A_560 : memref<128x128xf32, #tpu.memory_space<hbm>>)
      tpu.yield
    }) : () -> ()
    %dma_start3A_390 = arith.constant 15 : i32
    %dma_start3A_391 = arith.constant 1 : i32
    %dma_start3A_392 = arith.constant 0 : i32
    %dma_start3A_393 = arith.constant 0 : i32
    %dma_start3A_394 = tpu.memref_slice %arg6[%dma_start3A_391, %dma_start3A_392, %dma_start3A_393] : memref<2x128x128xf32, #tpu.memory_space<vmem>> -> memref<1x128x128xf32, #tpu.memory_space<vmem>>
    %dma_start3A_395 = tpu.memref_squeeze %dma_start3A_394 : memref<1x128x128xf32, #tpu.memory_space<vmem>> -> memref<128x128xf32, #tpu.memory_space<vmem>>
    %dma_start3A_396 = arith.constant 0 : i32
    %dma_start3A_397 = tpu.memref_slice %arg5[%dma_start3A_390, %dma_start3A_396] : memref<20x128xi32, #tpu.memory_space<vmem>> -> memref<1x128xi32, #tpu.memory_space<vmem>>
    %dma_start3A_398 = tpu.memref_squeeze %dma_start3A_397 : memref<1x128xi32, #tpu.memory_space<vmem>> -> memref<128xi32, #tpu.memory_space<vmem>>
    %dma_start3A_399 = arith.constant 0 : i32
    %dma_start3A_400 = arith.constant 0 : i32
    %dma_start3A_401 = tpu.memref_slice %arg3[%dma_start3A_399, %dma_start3A_400] : memref<100000x128xf32, #tpu.memory_space<hbm>> -> memref<100000x128xf32, #tpu.memory_space<hbm>>
    tpu.enqueue_indirect_dma source(%dma_start3A_401 : memref<100000x128xf32, #tpu.memory_space<hbm>>) target(%dma_start3A_395 : memref<128x128xf32, #tpu.memory_space<vmem>>) offsets(%dma_start3A_398 : memref<128xi32, #tpu.memory_space<vmem>>) semaphore(%arg8 : memref<!tpu.dma_semaphore, #tpu.memory_space<semaphore_mem>>)
    %dma_wait3A_402 = arith.constant 14 : i32
    %dma_wait3A_403 = arith.constant 0 : i32
    %dma_wait3A_404 = arith.constant 0 : i32
    %dma_wait3A_405 = arith.constant 0 : i32
    %dma_wait3A_406 = tpu.memref_slice %arg6[%dma_wait3A_403, %dma_wait3A_404, %dma_wait3A_405] : memref<2x128x128xf32, #tpu.memory_space<vmem>> -> memref<1x128x128xf32, #tpu.memory_space<vmem>>
    %dma_wait3A_407 = tpu.memref_squeeze %dma_wait3A_406 : memref<1x128x128xf32, #tpu.memory_space<vmem>> -> memref<128x128xf32, #tpu.memory_space<vmem>>
    %dma_wait3A_408 = arith.constant 0 : i32
    %dma_wait3A_409 = tpu.memref_slice %arg5[%dma_wait3A_402, %dma_wait3A_408] : memref<20x128xi32, #tpu.memory_space<vmem>> -> memref<1x128xi32, #tpu.memory_space<vmem>>
    %dma_wait3A_410 = tpu.memref_squeeze %dma_wait3A_409 : memref<1x128xi32, #tpu.memory_space<vmem>> -> memref<128xi32, #tpu.memory_space<vmem>>
    %dma_wait3A_411 = arith.constant 0 : i32
    %dma_wait3A_412 = arith.constant 0 : i32
    %dma_wait3A_413 = tpu.memref_slice %arg3[%dma_wait3A_411, %dma_wait3A_412] : memref<100000x128xf32, #tpu.memory_space<hbm>> -> memref<100000x128xf32, #tpu.memory_space<hbm>>
    tpu.wait_indirect_dma semaphore(%arg7 : memref<!tpu.dma_semaphore, #tpu.memory_space<semaphore_mem>>) src(%dma_wait3A_413 : memref<100000x128xf32, #tpu.memory_space<hbm>>) dst(%dma_wait3A_407 : memref<128x128xf32, #tpu.memory_space<vmem>>)
    %add3A_414 = arith.constant 1792 : i32
    %add3A_415 = arith.addi %mul3A_2, %add3A_414 : i32
    %run_scoped3A_416 = arith.constant 0 : i32
    "tpu.region"() ({
      %run_scoped3A_540 = tpu.sem_alloc : memref<!tpu.dma_semaphore, #tpu.memory_space<semaphore_mem>>
      %dma_start3A_541 = arith.constant 0 : i32
      %dma_start3A_542 = arith.constant 0 : i32
      %dma_start3A_543 = tpu.memref_slice %arg6[%run_scoped3A_416, %dma_start3A_541, %dma_start3A_542] : memref<2x128x128xf32, #tpu.memory_space<vmem>> -> memref<1x128x128xf32, #tpu.memory_space<vmem>>
      %dma_start3A_544 = tpu.memref_squeeze %dma_start3A_543 : memref<1x128x128xf32, #tpu.memory_space<vmem>> -> memref<128x128xf32, #tpu.memory_space<vmem>>
      %dma_start3A_545 = arith.constant 0 : i32
      %dma_start3A_546 = tpu.memref_slice %arg4[%add3A_415, %dma_start3A_545] : memref<81920x128xf32, #tpu.memory_space<hbm>> -> memref<128x128xf32, #tpu.memory_space<hbm>>
      %dma_start3A_547 = arith.constant 0 : i32
      %dma_start3A_548 = tpu.memref_slice %arg4[%add3A_415, %dma_start3A_547] : memref<81920x128xf32, #tpu.memory_space<hbm>> -> memref<128x128xf32, #tpu.memory_space<hbm>>
      %dma_start3A_549 = arith.constant 0 : i32
      %dma_start3A_550 = arith.constant 0 : i32
      %dma_start3A_551 = tpu.memref_slice %arg6[%run_scoped3A_416, %dma_start3A_549, %dma_start3A_550] : memref<2x128x128xf32, #tpu.memory_space<vmem>> -> memref<1x128x128xf32, #tpu.memory_space<vmem>>
      %dma_start3A_552 = tpu.memref_squeeze %dma_start3A_551 : memref<1x128x128xf32, #tpu.memory_space<vmem>> -> memref<128x128xf32, #tpu.memory_space<vmem>>
      tpu.enqueue_dma source(%dma_start3A_552 : memref<128x128xf32, #tpu.memory_space<vmem>>) target(%dma_start3A_548 : memref<128x128xf32, #tpu.memory_space<hbm>>) target_semaphore(%run_scoped3A_540 : memref<!tpu.dma_semaphore, #tpu.memory_space<semaphore_mem>>)
      %dma_wait3A_553 = arith.constant 0 : i32
      %dma_wait3A_554 = arith.constant 0 : i32
      %dma_wait3A_555 = tpu.memref_slice %arg6[%run_scoped3A_416, %dma_wait3A_553, %dma_wait3A_554] : memref<2x128x128xf32, #tpu.memory_space<vmem>> -> memref<1x128x128xf32, #tpu.memory_space<vmem>>
      %dma_wait3A_556 = tpu.memref_squeeze %dma_wait3A_555 : memref<1x128x128xf32, #tpu.memory_space<vmem>> -> memref<128x128xf32, #tpu.memory_space<vmem>>
      %dma_wait3A_557 = arith.constant 0 : i32
      %dma_wait3A_558 = tpu.memref_slice %arg4[%add3A_415, %dma_wait3A_557] : memref<81920x128xf32, #tpu.memory_space<hbm>> -> memref<128x128xf32, #tpu.memory_space<hbm>>
      %dma_wait3A_559 = arith.constant 0 : i32
      %dma_wait3A_560 = tpu.memref_slice %arg4[%add3A_415, %dma_wait3A_559] : memref<81920x128xf32, #tpu.memory_space<hbm>> -> memref<128x128xf32, #tpu.memory_space<hbm>>
      %dma_wait3A_561 = arith.constant 0 : i32
      %dma_wait3A_562 = arith.constant 0 : i32
      %dma_wait3A_563 = tpu.memref_slice %arg6[%run_scoped3A_416, %dma_wait3A_561, %dma_wait3A_562] : memref<2x128x128xf32, #tpu.memory_space<vmem>> -> memref<1x128x128xf32, #tpu.memory_space<vmem>>
      %dma_wait3A_564 = tpu.memref_squeeze %dma_wait3A_563 : memref<1x128x128xf32, #tpu.memory_space<vmem>> -> memref<128x128xf32, #tpu.memory_space<vmem>>
      tpu.wait_dma2 semaphore(%run_scoped3A_540 : memref<!tpu.dma_semaphore, #tpu.memory_space<semaphore_mem>>) src(%dma_wait3A_564 : memref<128x128xf32, #tpu.memory_space<vmem>>) dst(%dma_wait3A_560 : memref<128x128xf32, #tpu.memory_space<hbm>>)
      tpu.yield
    }) : () -> ()
    %dma_start3A_417 = arith.constant 16 : i32
    %dma_start3A_418 = arith.constant 0 : i32
    %dma_start3A_419 = arith.constant 0 : i32
    %dma_start3A_420 = arith.constant 0 : i32
    %dma_start3A_421 = tpu.memref_slice %arg6[%dma_start3A_418, %dma_start3A_419, %dma_start3A_420] : memref<2x128x128xf32, #tpu.memory_space<vmem>> -> memref<1x128x128xf32, #tpu.memory_space<vmem>>
    %dma_start3A_422 = tpu.memref_squeeze %dma_start3A_421 : memref<1x128x128xf32, #tpu.memory_space<vmem>> -> memref<128x128xf32, #tpu.memory_space<vmem>>
    %dma_start3A_423 = arith.constant 0 : i32
    %dma_start3A_424 = tpu.memref_slice %arg5[%dma_start3A_417, %dma_start3A_423] : memref<20x128xi32, #tpu.memory_space<vmem>> -> memref<1x128xi32, #tpu.memory_space<vmem>>
    %dma_start3A_425 = tpu.memref_squeeze %dma_start3A_424 : memref<1x128xi32, #tpu.memory_space<vmem>> -> memref<128xi32, #tpu.memory_space<vmem>>
    %dma_start3A_426 = arith.constant 0 : i32
    %dma_start3A_427 = arith.constant 0 : i32
    %dma_start3A_428 = tpu.memref_slice %arg3[%dma_start3A_426, %dma_start3A_427] : memref<100000x128xf32, #tpu.memory_space<hbm>> -> memref<100000x128xf32, #tpu.memory_space<hbm>>
    tpu.enqueue_indirect_dma source(%dma_start3A_428 : memref<100000x128xf32, #tpu.memory_space<hbm>>) target(%dma_start3A_422 : memref<128x128xf32, #tpu.memory_space<vmem>>) offsets(%dma_start3A_425 : memref<128xi32, #tpu.memory_space<vmem>>) semaphore(%arg7 : memref<!tpu.dma_semaphore, #tpu.memory_space<semaphore_mem>>)
    %dma_wait3A_429 = arith.constant 15 : i32
    %dma_wait3A_430 = arith.constant 1 : i32
    %dma_wait3A_431 = arith.constant 0 : i32
    %dma_wait3A_432 = arith.constant 0 : i32
    %dma_wait3A_433 = tpu.memref_slice %arg6[%dma_wait3A_430, %dma_wait3A_431, %dma_wait3A_432] : memref<2x128x128xf32, #tpu.memory_space<vmem>> -> memref<1x128x128xf32, #tpu.memory_space<vmem>>
    %dma_wait3A_434 = tpu.memref_squeeze %dma_wait3A_433 : memref<1x128x128xf32, #tpu.memory_space<vmem>> -> memref<128x128xf32, #tpu.memory_space<vmem>>
    %dma_wait3A_435 = arith.constant 0 : i32
    %dma_wait3A_436 = tpu.memref_slice %arg5[%dma_wait3A_429, %dma_wait3A_435] : memref<20x128xi32, #tpu.memory_space<vmem>> -> memref<1x128xi32, #tpu.memory_space<vmem>>
    %dma_wait3A_437 = tpu.memref_squeeze %dma_wait3A_436 : memref<1x128xi32, #tpu.memory_space<vmem>> -> memref<128xi32, #tpu.memory_space<vmem>>
    %dma_wait3A_438 = arith.constant 0 : i32
    %dma_wait3A_439 = arith.constant 0 : i32
    %dma_wait3A_440 = tpu.memref_slice %arg3[%dma_wait3A_438, %dma_wait3A_439] : memref<100000x128xf32, #tpu.memory_space<hbm>> -> memref<100000x128xf32, #tpu.memory_space<hbm>>
    tpu.wait_indirect_dma semaphore(%arg8 : memref<!tpu.dma_semaphore, #tpu.memory_space<semaphore_mem>>) src(%dma_wait3A_440 : memref<100000x128xf32, #tpu.memory_space<hbm>>) dst(%dma_wait3A_434 : memref<128x128xf32, #tpu.memory_space<vmem>>)
    %add3A_441 = arith.constant 1920 : i32
    %add3A_442 = arith.addi %mul3A_2, %add3A_441 : i32
    %run_scoped3A_443 = arith.constant 1 : i32
    "tpu.region"() ({
      %run_scoped3A_540 = tpu.sem_alloc : memref<!tpu.dma_semaphore, #tpu.memory_space<semaphore_mem>>
      %dma_start3A_541 = arith.constant 0 : i32
      %dma_start3A_542 = arith.constant 0 : i32
      %dma_start3A_543 = tpu.memref_slice %arg6[%run_scoped3A_443, %dma_start3A_541, %dma_start3A_542] : memref<2x128x128xf32, #tpu.memory_space<vmem>> -> memref<1x128x128xf32, #tpu.memory_space<vmem>>
      %dma_start3A_544 = tpu.memref_squeeze %dma_start3A_543 : memref<1x128x128xf32, #tpu.memory_space<vmem>> -> memref<128x128xf32, #tpu.memory_space<vmem>>
      %dma_start3A_545 = arith.constant 0 : i32
      %dma_start3A_546 = tpu.memref_slice %arg4[%add3A_442, %dma_start3A_545] : memref<81920x128xf32, #tpu.memory_space<hbm>> -> memref<128x128xf32, #tpu.memory_space<hbm>>
      %dma_start3A_547 = arith.constant 0 : i32
      %dma_start3A_548 = tpu.memref_slice %arg4[%add3A_442, %dma_start3A_547] : memref<81920x128xf32, #tpu.memory_space<hbm>> -> memref<128x128xf32, #tpu.memory_space<hbm>>
      %dma_start3A_549 = arith.constant 0 : i32
      %dma_start3A_550 = arith.constant 0 : i32
      %dma_start3A_551 = tpu.memref_slice %arg6[%run_scoped3A_443, %dma_start3A_549, %dma_start3A_550] : memref<2x128x128xf32, #tpu.memory_space<vmem>> -> memref<1x128x128xf32, #tpu.memory_space<vmem>>
      %dma_start3A_552 = tpu.memref_squeeze %dma_start3A_551 : memref<1x128x128xf32, #tpu.memory_space<vmem>> -> memref<128x128xf32, #tpu.memory_space<vmem>>
      tpu.enqueue_dma source(%dma_start3A_552 : memref<128x128xf32, #tpu.memory_space<vmem>>) target(%dma_start3A_548 : memref<128x128xf32, #tpu.memory_space<hbm>>) target_semaphore(%run_scoped3A_540 : memref<!tpu.dma_semaphore, #tpu.memory_space<semaphore_mem>>)
      %dma_wait3A_553 = arith.constant 0 : i32
      %dma_wait3A_554 = arith.constant 0 : i32
      %dma_wait3A_555 = tpu.memref_slice %arg6[%run_scoped3A_443, %dma_wait3A_553, %dma_wait3A_554] : memref<2x128x128xf32, #tpu.memory_space<vmem>> -> memref<1x128x128xf32, #tpu.memory_space<vmem>>
      %dma_wait3A_556 = tpu.memref_squeeze %dma_wait3A_555 : memref<1x128x128xf32, #tpu.memory_space<vmem>> -> memref<128x128xf32, #tpu.memory_space<vmem>>
      %dma_wait3A_557 = arith.constant 0 : i32
      %dma_wait3A_558 = tpu.memref_slice %arg4[%add3A_442, %dma_wait3A_557] : memref<81920x128xf32, #tpu.memory_space<hbm>> -> memref<128x128xf32, #tpu.memory_space<hbm>>
      %dma_wait3A_559 = arith.constant 0 : i32
      %dma_wait3A_560 = tpu.memref_slice %arg4[%add3A_442, %dma_wait3A_559] : memref<81920x128xf32, #tpu.memory_space<hbm>> -> memref<128x128xf32, #tpu.memory_space<hbm>>
      %dma_wait3A_561 = arith.constant 0 : i32
      %dma_wait3A_562 = arith.constant 0 : i32
      %dma_wait3A_563 = tpu.memref_slice %arg6[%run_scoped3A_443, %dma_wait3A_561, %dma_wait3A_562] : memref<2x128x128xf32, #tpu.memory_space<vmem>> -> memref<1x128x128xf32, #tpu.memory_space<vmem>>
      %dma_wait3A_564 = tpu.memref_squeeze %dma_wait3A_563 : memref<1x128x128xf32, #tpu.memory_space<vmem>> -> memref<128x128xf32, #tpu.memory_space<vmem>>
      tpu.wait_dma2 semaphore(%run_scoped3A_540 : memref<!tpu.dma_semaphore, #tpu.memory_space<semaphore_mem>>) src(%dma_wait3A_564 : memref<128x128xf32, #tpu.memory_space<vmem>>) dst(%dma_wait3A_560 : memref<128x128xf32, #tpu.memory_space<hbm>>)
      tpu.yield
    }) : () -> ()
    %dma_start3A_444 = arith.constant 17 : i32
    %dma_start3A_445 = arith.constant 1 : i32
    %dma_start3A_446 = arith.constant 0 : i32
    %dma_start3A_447 = arith.constant 0 : i32
    %dma_start3A_448 = tpu.memref_slice %arg6[%dma_start3A_445, %dma_start3A_446, %dma_start3A_447] : memref<2x128x128xf32, #tpu.memory_space<vmem>> -> memref<1x128x128xf32, #tpu.memory_space<vmem>>
    %dma_start3A_449 = tpu.memref_squeeze %dma_start3A_448 : memref<1x128x128xf32, #tpu.memory_space<vmem>> -> memref<128x128xf32, #tpu.memory_space<vmem>>
    %dma_start3A_450 = arith.constant 0 : i32
    %dma_start3A_451 = tpu.memref_slice %arg5[%dma_start3A_444, %dma_start3A_450] : memref<20x128xi32, #tpu.memory_space<vmem>> -> memref<1x128xi32, #tpu.memory_space<vmem>>
    %dma_start3A_452 = tpu.memref_squeeze %dma_start3A_451 : memref<1x128xi32, #tpu.memory_space<vmem>> -> memref<128xi32, #tpu.memory_space<vmem>>
    %dma_start3A_453 = arith.constant 0 : i32
    %dma_start3A_454 = arith.constant 0 : i32
    %dma_start3A_455 = tpu.memref_slice %arg3[%dma_start3A_453, %dma_start3A_454] : memref<100000x128xf32, #tpu.memory_space<hbm>> -> memref<100000x128xf32, #tpu.memory_space<hbm>>
    tpu.enqueue_indirect_dma source(%dma_start3A_455 : memref<100000x128xf32, #tpu.memory_space<hbm>>) target(%dma_start3A_449 : memref<128x128xf32, #tpu.memory_space<vmem>>) offsets(%dma_start3A_452 : memref<128xi32, #tpu.memory_space<vmem>>) semaphore(%arg8 : memref<!tpu.dma_semaphore, #tpu.memory_space<semaphore_mem>>)
    %dma_wait3A_456 = arith.constant 16 : i32
    %dma_wait3A_457 = arith.constant 0 : i32
    %dma_wait3A_458 = arith.constant 0 : i32
    %dma_wait3A_459 = arith.constant 0 : i32
    %dma_wait3A_460 = tpu.memref_slice %arg6[%dma_wait3A_457, %dma_wait3A_458, %dma_wait3A_459] : memref<2x128x128xf32, #tpu.memory_space<vmem>> -> memref<1x128x128xf32, #tpu.memory_space<vmem>>
    %dma_wait3A_461 = tpu.memref_squeeze %dma_wait3A_460 : memref<1x128x128xf32, #tpu.memory_space<vmem>> -> memref<128x128xf32, #tpu.memory_space<vmem>>
    %dma_wait3A_462 = arith.constant 0 : i32
    %dma_wait3A_463 = tpu.memref_slice %arg5[%dma_wait3A_456, %dma_wait3A_462] : memref<20x128xi32, #tpu.memory_space<vmem>> -> memref<1x128xi32, #tpu.memory_space<vmem>>
    %dma_wait3A_464 = tpu.memref_squeeze %dma_wait3A_463 : memref<1x128xi32, #tpu.memory_space<vmem>> -> memref<128xi32, #tpu.memory_space<vmem>>
    %dma_wait3A_465 = arith.constant 0 : i32
    %dma_wait3A_466 = arith.constant 0 : i32
    %dma_wait3A_467 = tpu.memref_slice %arg3[%dma_wait3A_465, %dma_wait3A_466] : memref<100000x128xf32, #tpu.memory_space<hbm>> -> memref<100000x128xf32, #tpu.memory_space<hbm>>
    tpu.wait_indirect_dma semaphore(%arg7 : memref<!tpu.dma_semaphore, #tpu.memory_space<semaphore_mem>>) src(%dma_wait3A_467 : memref<100000x128xf32, #tpu.memory_space<hbm>>) dst(%dma_wait3A_461 : memref<128x128xf32, #tpu.memory_space<vmem>>)
    %add3A_468 = arith.constant 2048 : i32
    %add3A_469 = arith.addi %mul3A_2, %add3A_468 : i32
    %run_scoped3A_470 = arith.constant 0 : i32
    "tpu.region"() ({
      %run_scoped3A_540 = tpu.sem_alloc : memref<!tpu.dma_semaphore, #tpu.memory_space<semaphore_mem>>
      %dma_start3A_541 = arith.constant 0 : i32
      %dma_start3A_542 = arith.constant 0 : i32
      %dma_start3A_543 = tpu.memref_slice %arg6[%run_scoped3A_470, %dma_start3A_541, %dma_start3A_542] : memref<2x128x128xf32, #tpu.memory_space<vmem>> -> memref<1x128x128xf32, #tpu.memory_space<vmem>>
      %dma_start3A_544 = tpu.memref_squeeze %dma_start3A_543 : memref<1x128x128xf32, #tpu.memory_space<vmem>> -> memref<128x128xf32, #tpu.memory_space<vmem>>
      %dma_start3A_545 = arith.constant 0 : i32
      %dma_start3A_546 = tpu.memref_slice %arg4[%add3A_469, %dma_start3A_545] : memref<81920x128xf32, #tpu.memory_space<hbm>> -> memref<128x128xf32, #tpu.memory_space<hbm>>
      %dma_start3A_547 = arith.constant 0 : i32
      %dma_start3A_548 = tpu.memref_slice %arg4[%add3A_469, %dma_start3A_547] : memref<81920x128xf32, #tpu.memory_space<hbm>> -> memref<128x128xf32, #tpu.memory_space<hbm>>
      %dma_start3A_549 = arith.constant 0 : i32
      %dma_start3A_550 = arith.constant 0 : i32
      %dma_start3A_551 = tpu.memref_slice %arg6[%run_scoped3A_470, %dma_start3A_549, %dma_start3A_550] : memref<2x128x128xf32, #tpu.memory_space<vmem>> -> memref<1x128x128xf32, #tpu.memory_space<vmem>>
      %dma_start3A_552 = tpu.memref_squeeze %dma_start3A_551 : memref<1x128x128xf32, #tpu.memory_space<vmem>> -> memref<128x128xf32, #tpu.memory_space<vmem>>
      tpu.enqueue_dma source(%dma_start3A_552 : memref<128x128xf32, #tpu.memory_space<vmem>>) target(%dma_start3A_548 : memref<128x128xf32, #tpu.memory_space<hbm>>) target_semaphore(%run_scoped3A_540 : memref<!tpu.dma_semaphore, #tpu.memory_space<semaphore_mem>>)
      %dma_wait3A_553 = arith.constant 0 : i32
      %dma_wait3A_554 = arith.constant 0 : i32
      %dma_wait3A_555 = tpu.memref_slice %arg6[%run_scoped3A_470, %dma_wait3A_553, %dma_wait3A_554] : memref<2x128x128xf32, #tpu.memory_space<vmem>> -> memref<1x128x128xf32, #tpu.memory_space<vmem>>
      %dma_wait3A_556 = tpu.memref_squeeze %dma_wait3A_555 : memref<1x128x128xf32, #tpu.memory_space<vmem>> -> memref<128x128xf32, #tpu.memory_space<vmem>>
      %dma_wait3A_557 = arith.constant 0 : i32
      %dma_wait3A_558 = tpu.memref_slice %arg4[%add3A_469, %dma_wait3A_557] : memref<81920x128xf32, #tpu.memory_space<hbm>> -> memref<128x128xf32, #tpu.memory_space<hbm>>
      %dma_wait3A_559 = arith.constant 0 : i32
      %dma_wait3A_560 = tpu.memref_slice %arg4[%add3A_469, %dma_wait3A_559] : memref<81920x128xf32, #tpu.memory_space<hbm>> -> memref<128x128xf32, #tpu.memory_space<hbm>>
      %dma_wait3A_561 = arith.constant 0 : i32
      %dma_wait3A_562 = arith.constant 0 : i32
      %dma_wait3A_563 = tpu.memref_slice %arg6[%run_scoped3A_470, %dma_wait3A_561, %dma_wait3A_562] : memref<2x128x128xf32, #tpu.memory_space<vmem>> -> memref<1x128x128xf32, #tpu.memory_space<vmem>>
      %dma_wait3A_564 = tpu.memref_squeeze %dma_wait3A_563 : memref<1x128x128xf32, #tpu.memory_space<vmem>> -> memref<128x128xf32, #tpu.memory_space<vmem>>
      tpu.wait_dma2 semaphore(%run_scoped3A_540 : memref<!tpu.dma_semaphore, #tpu.memory_space<semaphore_mem>>) src(%dma_wait3A_564 : memref<128x128xf32, #tpu.memory_space<vmem>>) dst(%dma_wait3A_560 : memref<128x128xf32, #tpu.memory_space<hbm>>)
      tpu.yield
    }) : () -> ()
    %dma_start3A_471 = arith.constant 18 : i32
    %dma_start3A_472 = arith.constant 0 : i32
    %dma_start3A_473 = arith.constant 0 : i32
    %dma_start3A_474 = arith.constant 0 : i32
    %dma_start3A_475 = tpu.memref_slice %arg6[%dma_start3A_472, %dma_start3A_473, %dma_start3A_474] : memref<2x128x128xf32, #tpu.memory_space<vmem>> -> memref<1x128x128xf32, #tpu.memory_space<vmem>>
    %dma_start3A_476 = tpu.memref_squeeze %dma_start3A_475 : memref<1x128x128xf32, #tpu.memory_space<vmem>> -> memref<128x128xf32, #tpu.memory_space<vmem>>
    %dma_start3A_477 = arith.constant 0 : i32
    %dma_start3A_478 = tpu.memref_slice %arg5[%dma_start3A_471, %dma_start3A_477] : memref<20x128xi32, #tpu.memory_space<vmem>> -> memref<1x128xi32, #tpu.memory_space<vmem>>
    %dma_start3A_479 = tpu.memref_squeeze %dma_start3A_478 : memref<1x128xi32, #tpu.memory_space<vmem>> -> memref<128xi32, #tpu.memory_space<vmem>>
    %dma_start3A_480 = arith.constant 0 : i32
    %dma_start3A_481 = arith.constant 0 : i32
    %dma_start3A_482 = tpu.memref_slice %arg3[%dma_start3A_480, %dma_start3A_481] : memref<100000x128xf32, #tpu.memory_space<hbm>> -> memref<100000x128xf32, #tpu.memory_space<hbm>>
    tpu.enqueue_indirect_dma source(%dma_start3A_482 : memref<100000x128xf32, #tpu.memory_space<hbm>>) target(%dma_start3A_476 : memref<128x128xf32, #tpu.memory_space<vmem>>) offsets(%dma_start3A_479 : memref<128xi32, #tpu.memory_space<vmem>>) semaphore(%arg7 : memref<!tpu.dma_semaphore, #tpu.memory_space<semaphore_mem>>)
    %dma_wait3A_483 = arith.constant 17 : i32
    %dma_wait3A_484 = arith.constant 1 : i32
    %dma_wait3A_485 = arith.constant 0 : i32
    %dma_wait3A_486 = arith.constant 0 : i32
    %dma_wait3A_487 = tpu.memref_slice %arg6[%dma_wait3A_484, %dma_wait3A_485, %dma_wait3A_486] : memref<2x128x128xf32, #tpu.memory_space<vmem>> -> memref<1x128x128xf32, #tpu.memory_space<vmem>>
    %dma_wait3A_488 = tpu.memref_squeeze %dma_wait3A_487 : memref<1x128x128xf32, #tpu.memory_space<vmem>> -> memref<128x128xf32, #tpu.memory_space<vmem>>
    %dma_wait3A_489 = arith.constant 0 : i32
    %dma_wait3A_490 = tpu.memref_slice %arg5[%dma_wait3A_483, %dma_wait3A_489] : memref<20x128xi32, #tpu.memory_space<vmem>> -> memref<1x128xi32, #tpu.memory_space<vmem>>
    %dma_wait3A_491 = tpu.memref_squeeze %dma_wait3A_490 : memref<1x128xi32, #tpu.memory_space<vmem>> -> memref<128xi32, #tpu.memory_space<vmem>>
    %dma_wait3A_492 = arith.constant 0 : i32
    %dma_wait3A_493 = arith.constant 0 : i32
    %dma_wait3A_494 = tpu.memref_slice %arg3[%dma_wait3A_492, %dma_wait3A_493] : memref<100000x128xf32, #tpu.memory_space<hbm>> -> memref<100000x128xf32, #tpu.memory_space<hbm>>
    tpu.wait_indirect_dma semaphore(%arg8 : memref<!tpu.dma_semaphore, #tpu.memory_space<semaphore_mem>>) src(%dma_wait3A_494 : memref<100000x128xf32, #tpu.memory_space<hbm>>) dst(%dma_wait3A_488 : memref<128x128xf32, #tpu.memory_space<vmem>>)
    %add3A_495 = arith.constant 2176 : i32
    %add3A_496 = arith.addi %mul3A_2, %add3A_495 : i32
    %run_scoped3A_497 = arith.constant 1 : i32
    "tpu.region"() ({
      %run_scoped3A_540 = tpu.sem_alloc : memref<!tpu.dma_semaphore, #tpu.memory_space<semaphore_mem>>
      %dma_start3A_541 = arith.constant 0 : i32
      %dma_start3A_542 = arith.constant 0 : i32
      %dma_start3A_543 = tpu.memref_slice %arg6[%run_scoped3A_497, %dma_start3A_541, %dma_start3A_542] : memref<2x128x128xf32, #tpu.memory_space<vmem>> -> memref<1x128x128xf32, #tpu.memory_space<vmem>>
      %dma_start3A_544 = tpu.memref_squeeze %dma_start3A_543 : memref<1x128x128xf32, #tpu.memory_space<vmem>> -> memref<128x128xf32, #tpu.memory_space<vmem>>
      %dma_start3A_545 = arith.constant 0 : i32
      %dma_start3A_546 = tpu.memref_slice %arg4[%add3A_496, %dma_start3A_545] : memref<81920x128xf32, #tpu.memory_space<hbm>> -> memref<128x128xf32, #tpu.memory_space<hbm>>
      %dma_start3A_547 = arith.constant 0 : i32
      %dma_start3A_548 = tpu.memref_slice %arg4[%add3A_496, %dma_start3A_547] : memref<81920x128xf32, #tpu.memory_space<hbm>> -> memref<128x128xf32, #tpu.memory_space<hbm>>
      %dma_start3A_549 = arith.constant 0 : i32
      %dma_start3A_550 = arith.constant 0 : i32
      %dma_start3A_551 = tpu.memref_slice %arg6[%run_scoped3A_497, %dma_start3A_549, %dma_start3A_550] : memref<2x128x128xf32, #tpu.memory_space<vmem>> -> memref<1x128x128xf32, #tpu.memory_space<vmem>>
      %dma_start3A_552 = tpu.memref_squeeze %dma_start3A_551 : memref<1x128x128xf32, #tpu.memory_space<vmem>> -> memref<128x128xf32, #tpu.memory_space<vmem>>
      tpu.enqueue_dma source(%dma_start3A_552 : memref<128x128xf32, #tpu.memory_space<vmem>>) target(%dma_start3A_548 : memref<128x128xf32, #tpu.memory_space<hbm>>) target_semaphore(%run_scoped3A_540 : memref<!tpu.dma_semaphore, #tpu.memory_space<semaphore_mem>>)
      %dma_wait3A_553 = arith.constant 0 : i32
      %dma_wait3A_554 = arith.constant 0 : i32
      %dma_wait3A_555 = tpu.memref_slice %arg6[%run_scoped3A_497, %dma_wait3A_553, %dma_wait3A_554] : memref<2x128x128xf32, #tpu.memory_space<vmem>> -> memref<1x128x128xf32, #tpu.memory_space<vmem>>
      %dma_wait3A_556 = tpu.memref_squeeze %dma_wait3A_555 : memref<1x128x128xf32, #tpu.memory_space<vmem>> -> memref<128x128xf32, #tpu.memory_space<vmem>>
      %dma_wait3A_557 = arith.constant 0 : i32
      %dma_wait3A_558 = tpu.memref_slice %arg4[%add3A_496, %dma_wait3A_557] : memref<81920x128xf32, #tpu.memory_space<hbm>> -> memref<128x128xf32, #tpu.memory_space<hbm>>
      %dma_wait3A_559 = arith.constant 0 : i32
      %dma_wait3A_560 = tpu.memref_slice %arg4[%add3A_496, %dma_wait3A_559] : memref<81920x128xf32, #tpu.memory_space<hbm>> -> memref<128x128xf32, #tpu.memory_space<hbm>>
      %dma_wait3A_561 = arith.constant 0 : i32
      %dma_wait3A_562 = arith.constant 0 : i32
      %dma_wait3A_563 = tpu.memref_slice %arg6[%run_scoped3A_497, %dma_wait3A_561, %dma_wait3A_562] : memref<2x128x128xf32, #tpu.memory_space<vmem>> -> memref<1x128x128xf32, #tpu.memory_space<vmem>>
      %dma_wait3A_564 = tpu.memref_squeeze %dma_wait3A_563 : memref<1x128x128xf32, #tpu.memory_space<vmem>> -> memref<128x128xf32, #tpu.memory_space<vmem>>
      tpu.wait_dma2 semaphore(%run_scoped3A_540 : memref<!tpu.dma_semaphore, #tpu.memory_space<semaphore_mem>>) src(%dma_wait3A_564 : memref<128x128xf32, #tpu.memory_space<vmem>>) dst(%dma_wait3A_560 : memref<128x128xf32, #tpu.memory_space<hbm>>)
      tpu.yield
    }) : () -> ()
    %dma_start3A_498 = arith.constant 19 : i32
    %dma_start3A_499 = arith.constant 1 : i32
    %dma_start3A_500 = arith.constant 0 : i32
    %dma_start3A_501 = arith.constant 0 : i32
    %dma_start3A_502 = tpu.memref_slice %arg6[%dma_start3A_499, %dma_start3A_500, %dma_start3A_501] : memref<2x128x128xf32, #tpu.memory_space<vmem>> -> memref<1x128x128xf32, #tpu.memory_space<vmem>>
    %dma_start3A_503 = tpu.memref_squeeze %dma_start3A_502 : memref<1x128x128xf32, #tpu.memory_space<vmem>> -> memref<128x128xf32, #tpu.memory_space<vmem>>
    %dma_start3A_504 = arith.constant 0 : i32
    %dma_start3A_505 = tpu.memref_slice %arg5[%dma_start3A_498, %dma_start3A_504] : memref<20x128xi32, #tpu.memory_space<vmem>> -> memref<1x128xi32, #tpu.memory_space<vmem>>
    %dma_start3A_506 = tpu.memref_squeeze %dma_start3A_505 : memref<1x128xi32, #tpu.memory_space<vmem>> -> memref<128xi32, #tpu.memory_space<vmem>>
    %dma_start3A_507 = arith.constant 0 : i32
    %dma_start3A_508 = arith.constant 0 : i32
    %dma_start3A_509 = tpu.memref_slice %arg3[%dma_start3A_507, %dma_start3A_508] : memref<100000x128xf32, #tpu.memory_space<hbm>> -> memref<100000x128xf32, #tpu.memory_space<hbm>>
    tpu.enqueue_indirect_dma source(%dma_start3A_509 : memref<100000x128xf32, #tpu.memory_space<hbm>>) target(%dma_start3A_503 : memref<128x128xf32, #tpu.memory_space<vmem>>) offsets(%dma_start3A_506 : memref<128xi32, #tpu.memory_space<vmem>>) semaphore(%arg8 : memref<!tpu.dma_semaphore, #tpu.memory_space<semaphore_mem>>)
    %dma_wait3A_510 = arith.constant 18 : i32
    %dma_wait3A_511 = arith.constant 0 : i32
    %dma_wait3A_512 = arith.constant 0 : i32
    %dma_wait3A_513 = arith.constant 0 : i32
    %dma_wait3A_514 = tpu.memref_slice %arg6[%dma_wait3A_511, %dma_wait3A_512, %dma_wait3A_513] : memref<2x128x128xf32, #tpu.memory_space<vmem>> -> memref<1x128x128xf32, #tpu.memory_space<vmem>>
    %dma_wait3A_515 = tpu.memref_squeeze %dma_wait3A_514 : memref<1x128x128xf32, #tpu.memory_space<vmem>> -> memref<128x128xf32, #tpu.memory_space<vmem>>
    %dma_wait3A_516 = arith.constant 0 : i32
    %dma_wait3A_517 = tpu.memref_slice %arg5[%dma_wait3A_510, %dma_wait3A_516] : memref<20x128xi32, #tpu.memory_space<vmem>> -> memref<1x128xi32, #tpu.memory_space<vmem>>
    %dma_wait3A_518 = tpu.memref_squeeze %dma_wait3A_517 : memref<1x128xi32, #tpu.memory_space<vmem>> -> memref<128xi32, #tpu.memory_space<vmem>>
    %dma_wait3A_519 = arith.constant 0 : i32
    %dma_wait3A_520 = arith.constant 0 : i32
    %dma_wait3A_521 = tpu.memref_slice %arg3[%dma_wait3A_519, %dma_wait3A_520] : memref<100000x128xf32, #tpu.memory_space<hbm>> -> memref<100000x128xf32, #tpu.memory_space<hbm>>
    tpu.wait_indirect_dma semaphore(%arg7 : memref<!tpu.dma_semaphore, #tpu.memory_space<semaphore_mem>>) src(%dma_wait3A_521 : memref<100000x128xf32, #tpu.memory_space<hbm>>) dst(%dma_wait3A_515 : memref<128x128xf32, #tpu.memory_space<vmem>>)
    %add3A_522 = arith.constant 2304 : i32
    %add3A_523 = arith.addi %mul3A_2, %add3A_522 : i32
    %run_scoped3A_524 = arith.constant 0 : i32
    "tpu.region"() ({
      %run_scoped3A_540 = tpu.sem_alloc : memref<!tpu.dma_semaphore, #tpu.memory_space<semaphore_mem>>
      %dma_start3A_541 = arith.constant 0 : i32
      %dma_start3A_542 = arith.constant 0 : i32
      %dma_start3A_543 = tpu.memref_slice %arg6[%run_scoped3A_524, %dma_start3A_541, %dma_start3A_542] : memref<2x128x128xf32, #tpu.memory_space<vmem>> -> memref<1x128x128xf32, #tpu.memory_space<vmem>>
      %dma_start3A_544 = tpu.memref_squeeze %dma_start3A_543 : memref<1x128x128xf32, #tpu.memory_space<vmem>> -> memref<128x128xf32, #tpu.memory_space<vmem>>
      %dma_start3A_545 = arith.constant 0 : i32
      %dma_start3A_546 = tpu.memref_slice %arg4[%add3A_523, %dma_start3A_545] : memref<81920x128xf32, #tpu.memory_space<hbm>> -> memref<128x128xf32, #tpu.memory_space<hbm>>
      %dma_start3A_547 = arith.constant 0 : i32
      %dma_start3A_548 = tpu.memref_slice %arg4[%add3A_523, %dma_start3A_547] : memref<81920x128xf32, #tpu.memory_space<hbm>> -> memref<128x128xf32, #tpu.memory_space<hbm>>
      %dma_start3A_549 = arith.constant 0 : i32
      %dma_start3A_550 = arith.constant 0 : i32
      %dma_start3A_551 = tpu.memref_slice %arg6[%run_scoped3A_524, %dma_start3A_549, %dma_start3A_550] : memref<2x128x128xf32, #tpu.memory_space<vmem>> -> memref<1x128x128xf32, #tpu.memory_space<vmem>>
      %dma_start3A_552 = tpu.memref_squeeze %dma_start3A_551 : memref<1x128x128xf32, #tpu.memory_space<vmem>> -> memref<128x128xf32, #tpu.memory_space<vmem>>
      tpu.enqueue_dma source(%dma_start3A_552 : memref<128x128xf32, #tpu.memory_space<vmem>>) target(%dma_start3A_548 : memref<128x128xf32, #tpu.memory_space<hbm>>) target_semaphore(%run_scoped3A_540 : memref<!tpu.dma_semaphore, #tpu.memory_space<semaphore_mem>>)
      %dma_wait3A_553 = arith.constant 0 : i32
      %dma_wait3A_554 = arith.constant 0 : i32
      %dma_wait3A_555 = tpu.memref_slice %arg6[%run_scoped3A_524, %dma_wait3A_553, %dma_wait3A_554] : memref<2x128x128xf32, #tpu.memory_space<vmem>> -> memref<1x128x128xf32, #tpu.memory_space<vmem>>
      %dma_wait3A_556 = tpu.memref_squeeze %dma_wait3A_555 : memref<1x128x128xf32, #tpu.memory_space<vmem>> -> memref<128x128xf32, #tpu.memory_space<vmem>>
      %dma_wait3A_557 = arith.constant 0 : i32
      %dma_wait3A_558 = tpu.memref_slice %arg4[%add3A_523, %dma_wait3A_557] : memref<81920x128xf32, #tpu.memory_space<hbm>> -> memref<128x128xf32, #tpu.memory_space<hbm>>
      %dma_wait3A_559 = arith.constant 0 : i32
      %dma_wait3A_560 = tpu.memref_slice %arg4[%add3A_523, %dma_wait3A_559] : memref<81920x128xf32, #tpu.memory_space<hbm>> -> memref<128x128xf32, #tpu.memory_space<hbm>>
      %dma_wait3A_561 = arith.constant 0 : i32
      %dma_wait3A_562 = arith.constant 0 : i32
      %dma_wait3A_563 = tpu.memref_slice %arg6[%run_scoped3A_524, %dma_wait3A_561, %dma_wait3A_562] : memref<2x128x128xf32, #tpu.memory_space<vmem>> -> memref<1x128x128xf32, #tpu.memory_space<vmem>>
      %dma_wait3A_564 = tpu.memref_squeeze %dma_wait3A_563 : memref<1x128x128xf32, #tpu.memory_space<vmem>> -> memref<128x128xf32, #tpu.memory_space<vmem>>
      tpu.wait_dma2 semaphore(%run_scoped3A_540 : memref<!tpu.dma_semaphore, #tpu.memory_space<semaphore_mem>>) src(%dma_wait3A_564 : memref<128x128xf32, #tpu.memory_space<vmem>>) dst(%dma_wait3A_560 : memref<128x128xf32, #tpu.memory_space<hbm>>)
      tpu.yield
    }) : () -> ()
    %dma_wait3A_525 = arith.constant 19 : i32
    %dma_wait3A_526 = arith.constant 1 : i32
    %dma_wait3A_527 = arith.constant 0 : i32
    %dma_wait3A_528 = arith.constant 0 : i32
    %dma_wait3A_529 = tpu.memref_slice %arg6[%dma_wait3A_526, %dma_wait3A_527, %dma_wait3A_528] : memref<2x128x128xf32, #tpu.memory_space<vmem>> -> memref<1x128x128xf32, #tpu.memory_space<vmem>>
    %dma_wait3A_530 = tpu.memref_squeeze %dma_wait3A_529 : memref<1x128x128xf32, #tpu.memory_space<vmem>> -> memref<128x128xf32, #tpu.memory_space<vmem>>
    %dma_wait3A_531 = arith.constant 0 : i32
    %dma_wait3A_532 = tpu.memref_slice %arg5[%dma_wait3A_525, %dma_wait3A_531] : memref<20x128xi32, #tpu.memory_space<vmem>> -> memref<1x128xi32, #tpu.memory_space<vmem>>
    %dma_wait3A_533 = tpu.memref_squeeze %dma_wait3A_532 : memref<1x128xi32, #tpu.memory_space<vmem>> -> memref<128xi32, #tpu.memory_space<vmem>>
    %dma_wait3A_534 = arith.constant 0 : i32
    %dma_wait3A_535 = arith.constant 0 : i32
    %dma_wait3A_536 = tpu.memref_slice %arg3[%dma_wait3A_534, %dma_wait3A_535] : memref<100000x128xf32, #tpu.memory_space<hbm>> -> memref<100000x128xf32, #tpu.memory_space<hbm>>
    tpu.wait_indirect_dma semaphore(%arg8 : memref<!tpu.dma_semaphore, #tpu.memory_space<semaphore_mem>>) src(%dma_wait3A_536 : memref<100000x128xf32, #tpu.memory_space<hbm>>) dst(%dma_wait3A_530 : memref<128x128xf32, #tpu.memory_space<vmem>>)
    %add3A_537 = arith.constant 2432 : i32
    %add3A_538 = arith.addi %mul3A_2, %add3A_537 : i32
    %run_scoped3A_539 = arith.constant 1 : i32
    "tpu.region"() ({
      %run_scoped3A_540 = tpu.sem_alloc : memref<!tpu.dma_semaphore, #tpu.memory_space<semaphore_mem>>
      %dma_start3A_541 = arith.constant 0 : i32
      %dma_start3A_542 = arith.constant 0 : i32
      %dma_start3A_543 = tpu.memref_slice %arg6[%run_scoped3A_539, %dma_start3A_541, %dma_start3A_542] : memref<2x128x128xf32, #tpu.memory_space<vmem>> -> memref<1x128x128xf32, #tpu.memory_space<vmem>>
      %dma_start3A_544 = tpu.memref_squeeze %dma_start3A_543 : memref<1x128x128xf32, #tpu.memory_space<vmem>> -> memref<128x128xf32, #tpu.memory_space<vmem>>
      %dma_start3A_545 = arith.constant 0 : i32
      %dma_start3A_546 = tpu.memref_slice %arg4[%add3A_538, %dma_start3A_545] : memref<81920x128xf32, #tpu.memory_space<hbm>> -> memref<128x128xf32, #tpu.memory_space<hbm>>
      %dma_start3A_547 = arith.constant 0 : i32
      %dma_start3A_548 = tpu.memref_slice %arg4[%add3A_538, %dma_start3A_547] : memref<81920x128xf32, #tpu.memory_space<hbm>> -> memref<128x128xf32, #tpu.memory_space<hbm>>
      %dma_start3A_549 = arith.constant 0 : i32
      %dma_start3A_550 = arith.constant 0 : i32
      %dma_start3A_551 = tpu.memref_slice %arg6[%run_scoped3A_539, %dma_start3A_549, %dma_start3A_550] : memref<2x128x128xf32, #tpu.memory_space<vmem>> -> memref<1x128x128xf32, #tpu.memory_space<vmem>>
      %dma_start3A_552 = tpu.memref_squeeze %dma_start3A_551 : memref<1x128x128xf32, #tpu.memory_space<vmem>> -> memref<128x128xf32, #tpu.memory_space<vmem>>
      tpu.enqueue_dma source(%dma_start3A_552 : memref<128x128xf32, #tpu.memory_space<vmem>>) target(%dma_start3A_548 : memref<128x128xf32, #tpu.memory_space<hbm>>) target_semaphore(%run_scoped3A_540 : memref<!tpu.dma_semaphore, #tpu.memory_space<semaphore_mem>>)
      %dma_wait3A_553 = arith.constant 0 : i32
      %dma_wait3A_554 = arith.constant 0 : i32
      %dma_wait3A_555 = tpu.memref_slice %arg6[%run_scoped3A_539, %dma_wait3A_553, %dma_wait3A_554] : memref<2x128x128xf32, #tpu.memory_space<vmem>> -> memref<1x128x128xf32, #tpu.memory_space<vmem>>
      %dma_wait3A_556 = tpu.memref_squeeze %dma_wait3A_555 : memref<1x128x128xf32, #tpu.memory_space<vmem>> -> memref<128x128xf32, #tpu.memory_space<vmem>>
      %dma_wait3A_557 = arith.constant 0 : i32
      %dma_wait3A_558 = tpu.memref_slice %arg4[%add3A_538, %dma_wait3A_557] : memref<81920x128xf32, #tpu.memory_space<hbm>> -> memref<128x128xf32, #tpu.memory_space<hbm>>
      %dma_wait3A_559 = arith.constant 0 : i32
      %dma_wait3A_560 = tpu.memref_slice %arg4[%add3A_538, %dma_wait3A_559] : memref<81920x128xf32, #tpu.memory_space<hbm>> -> memref<128x128xf32, #tpu.memory_space<hbm>>
      %dma_wait3A_561 = arith.constant 0 : i32
      %dma_wait3A_562 = arith.constant 0 : i32
      %dma_wait3A_563 = tpu.memref_slice %arg6[%run_scoped3A_539, %dma_wait3A_561, %dma_wait3A_562] : memref<2x128x128xf32, #tpu.memory_space<vmem>> -> memref<1x128x128xf32, #tpu.memory_space<vmem>>
      %dma_wait3A_564 = tpu.memref_squeeze %dma_wait3A_563 : memref<1x128x128xf32, #tpu.memory_space<vmem>> -> memref<128x128xf32, #tpu.memory_space<vmem>>
      tpu.wait_dma2 semaphore(%run_scoped3A_540 : memref<!tpu.dma_semaphore, #tpu.memory_space<semaphore_mem>>) src(%dma_wait3A_564 : memref<128x128xf32, #tpu.memory_space<vmem>>) dst(%dma_wait3A_560 : memref<128x128xf32, #tpu.memory_space<hbm>>)
      tpu.yield
    }) : () -> ()
    return
  }
}

module attributes {stable_mosaic.version = 14 : i64} {
  func.func @_wstat_body(%arg0: i32, %arg1: memref<128x2176xbf16, #tpu.memory_space<vmem>>, %arg2: memref<1x128xf32, #tpu.memory_space<vmem>>, %arg3: memref<1x128xf32, #tpu.memory_space<vmem>>, %arg4: memref<1x128xf32, #tpu.memory_space<vmem>>, %arg5: memref<1x128xf32, #tpu.memory_space<vmem>>) attributes {dimension_semantics = [#tpu.dimension_semantics<arbitrary>], iteration_bounds = array<i64: 46>, scalar_prefetch = 0 : i64, scratch_operands = 2 : i64, tpu.core_type = #tpu.core_type<tc>, window_params = [{transform_indices = @transform_0, window_bounds = array<i64: 128, 2176>}, {pipeline_mode = #tpu.pipeline_mode<synchronous>, transform_indices = @transform_1, window_bounds = array<i64: 1, 128>}, {pipeline_mode = #tpu.pipeline_mode<synchronous>, transform_indices = @transform_2, window_bounds = array<i64: 1, 128>}]} {
    %get3A = arith.constant 0 : index
    %get3A_0 = arith.constant 0 : index
    %get3A_1 = vector.load %arg1[%get3A, %get3A_0] : memref<128x2176xbf16, #tpu.memory_space<vmem>>, vector<64x2176xbf16>
    %convert_element_type3A = arith.extf %get3A_1 : vector<64x2176xbf16> to vector<64x2176xf32>
    %mul3A = arith.mulf %convert_element_type3A, %convert_element_type3A : vector<64x2176xf32>
    %reduce_sum3A = arith.constant dense<0.000000e+00> : vector<2176xf32>
    %reduce_sum3A_2 = vector.multi_reduction <add>, %mul3A, %reduce_sum3A [0] : vector<64x2176xf32> to vector<2176xf32>
    %broadcast_in_dim3A = vector.shape_cast %reduce_sum3A_2 : vector<2176xf32> to vector<1x2176xf32>
    %get3A_3 = arith.constant 64 : index
    %get3A_4 = arith.constant 0 : index
    %get3A_5 = vector.load %arg1[%get3A_3, %get3A_4] : memref<128x2176xbf16, #tpu.memory_space<vmem>>, vector<1x2176xbf16>
    %convert_element_type3A_6 = arith.extf %get3A_5 : vector<1x2176xbf16> to vector<1x2176xf32>
    %reduce_max3A = vector.shape_cast %broadcast_in_dim3A : vector<1x2176xf32> to vector<1x1x2176xf32>
    %reduce_max3A_7 = arith.constant dense<0xFF800000> : vector<1xf32>
    %reduce_max3A_8 = vector.multi_reduction <maximumf>, %reduce_max3A, %reduce_max3A_7 [1, 2] : vector<1x1x2176xf32> to vector<1xf32>
    %reduce_max3A_9 = vector.shape_cast %reduce_max3A_8 : vector<1xf32> to vector<1x1x1xf32>
    %reduce_max3A_10 = vector.extract %reduce_max3A_9[0, 0, 0] : f32 from vector<1x1x1xf32>
    %reduce_max3A_11 = vector.shape_cast %convert_element_type3A_6 : vector<1x2176xf32> to vector<1x1x2176xf32>
    %reduce_max3A_12 = arith.constant dense<0xFF800000> : vector<1xf32>
    %reduce_max3A_13 = vector.multi_reduction <maximumf>, %reduce_max3A_11, %reduce_max3A_12 [1, 2] : vector<1x1x2176xf32> to vector<1xf32>
    %reduce_max3A_14 = vector.shape_cast %reduce_max3A_13 : vector<1xf32> to vector<1x1x1xf32>
    %reduce_max3A_15 = vector.extract %reduce_max3A_14[0, 0, 0] : f32 from vector<1x1x1xf32>
    %eq3A = arith.constant 0 : i32
    %eq3A_16 = arith.cmpi eq, %arg0, %eq3A : i32
    %convert_element_type3A_17 = arith.extui %eq3A_16 : i1 to i32
    %cond3A = arith.constant 0 : i32
    %cond3A_18 = arith.cmpi ne, %convert_element_type3A_17, %cond3A : i32
    scf.if %cond3A_18 {
      %broadcast_in_dim3A_38 = arith.constant -9.99999968E+37 : f32
      %broadcast_in_dim3A_39 = vector.broadcast %broadcast_in_dim3A_38 : f32 to vector<1x128xf32>
      %swap3A_40 = arith.constant 0 : index
      %swap3A_41 = arith.constant 0 : index
      %swap3A_42 = vector.load %arg4[%swap3A_40, %swap3A_41] : memref<1x128xf32, #tpu.memory_space<vmem>>, vector<1x128xf32>
      tpu.vector_store %arg4[%swap3A_40, %swap3A_41], %broadcast_in_dim3A_39 {strides = array<i32>} : memref<1x128xf32, #tpu.memory_space<vmem>>, vector<1x128xf32>,
      %broadcast_in_dim3A_43 = arith.constant -9.99999968E+37 : f32
      %broadcast_in_dim3A_44 = vector.broadcast %broadcast_in_dim3A_43 : f32 to vector<1x128xf32>
      %swap3A_45 = arith.constant 0 : index
      %swap3A_46 = arith.constant 0 : index
      %swap3A_47 = vector.load %arg5[%swap3A_45, %swap3A_46] : memref<1x128xf32, #tpu.memory_space<vmem>>, vector<1x128xf32>
      tpu.vector_store %arg5[%swap3A_45, %swap3A_46], %broadcast_in_dim3A_44 {strides = array<i32>} : memref<1x128xf32, #tpu.memory_space<vmem>>, vector<1x128xf32>,
    } else {
    }
    %get3A_19 = arith.constant 0 : index
    %get3A_20 = arith.constant 0 : index
    %get3A_21 = vector.load %arg4[%get3A_19, %get3A_20] : memref<1x128xf32, #tpu.memory_space<vmem>>, vector<1x128xf32>
    %max3A = vector.broadcast %reduce_max3A_10 : f32 to vector<1x128xf32>
    %max3A_22 = arith.maximumf %get3A_21, %max3A : vector<1x128xf32>
    %get3A_23 = arith.constant 0 : index
    %get3A_24 = arith.constant 0 : index
    %get3A_25 = vector.load %arg5[%get3A_23, %get3A_24] : memref<1x128xf32, #tpu.memory_space<vmem>>, vector<1x128xf32>
    %max3A_26 = vector.broadcast %reduce_max3A_15 : f32 to vector<1x128xf32>
    %max3A_27 = arith.maximumf %get3A_25, %max3A_26 : vector<1x128xf32>
    %swap3A = arith.constant 0 : index
    %swap3A_28 = arith.constant 0 : index
    %swap3A_29 = vector.load %arg4[%swap3A, %swap3A_28] : memref<1x128xf32, #tpu.memory_space<vmem>>, vector<1x128xf32>
    tpu.vector_store %arg4[%swap3A, %swap3A_28], %max3A_22 {strides = array<i32>} : memref<1x128xf32, #tpu.memory_space<vmem>>, vector<1x128xf32>,
    %swap3A_30 = arith.constant 0 : index
    %swap3A_31 = arith.constant 0 : index
    %swap3A_32 = vector.load %arg5[%swap3A_30, %swap3A_31] : memref<1x128xf32, #tpu.memory_space<vmem>>, vector<1x128xf32>
    tpu.vector_store %arg5[%swap3A_30, %swap3A_31], %max3A_27 {strides = array<i32>} : memref<1x128xf32, #tpu.memory_space<vmem>>, vector<1x128xf32>,
    %eq3A_33 = arith.constant 45 : i32
    %eq3A_34 = arith.cmpi eq, %arg0, %eq3A_33 : i32
    %convert_element_type3A_35 = arith.extui %eq3A_34 : i1 to i32
    %cond3A_36 = arith.constant 0 : i32
    %cond3A_37 = arith.cmpi ne, %convert_element_type3A_35, %cond3A_36 : i32
    scf.if %cond3A_37 {
      %sqrt3A = math.sqrt %max3A_22 : vector<1x128xf32>
      %swap3A_38 = arith.constant 0 : index
      %swap3A_39 = arith.constant 0 : index
      %swap3A_40 = vector.load %arg2[%swap3A_38, %swap3A_39] : memref<1x128xf32, #tpu.memory_space<vmem>>, vector<1x128xf32>
      tpu.vector_store %arg2[%swap3A_38, %swap3A_39], %sqrt3A {strides = array<i32>} : memref<1x128xf32, #tpu.memory_space<vmem>>, vector<1x128xf32>,
      %swap3A_41 = arith.constant 0 : index
      %swap3A_42 = arith.constant 0 : index
      %swap3A_43 = vector.load %arg3[%swap3A_41, %swap3A_42] : memref<1x128xf32, #tpu.memory_space<vmem>>, vector<1x128xf32>
      tpu.vector_store %arg3[%swap3A_41, %swap3A_42], %max3A_27 {strides = array<i32>} : memref<1x128xf32, #tpu.memory_space<vmem>>, vector<1x128xf32>,
    } else {
    }
    return
  }
  func.func @transform_0(%arg0: i32) -> (i32, i32) {
    %c0_i32 = arith.constant 0 : i32
    %c0_i32_0 = arith.constant 0 : i32
    return %c0_i32, %arg0 : i32, i32
  }
  func.func @transform_1(%arg0: i32) -> (i32, i32) {
    %c0_i32 = arith.constant 0 : i32
    %c0_i32_0 = arith.constant 0 : i32
    %c0_i32_1 = arith.constant 0 : i32
    return %c0_i32, %c0_i32_0 : i32, i32
  }
  func.func @transform_2(%arg0: i32) -> (i32, i32) {
    %c0_i32 = arith.constant 0 : i32
    %c0_i32_0 = arith.constant 0 : i32
    %c0_i32_1 = arith.constant 0 : i32
    return %c0_i32, %c0_i32_0 : i32, i32
  }
}

module attributes {stable_mosaic.version = 14 : i64} {
  func.func @_sum_body(%arg0: i32, %arg1: memref<256x20x128xf32, #tpu.memory_space<vmem>>, %arg2: memref<1x128xf32, #tpu.memory_space<vmem>>, %arg3: memref<1x128xf32, #tpu.memory_space<vmem>>, %arg4: memref<256x128xbf16, #tpu.memory_space<vmem>>) attributes {dimension_semantics = [#tpu.dimension_semantics<arbitrary>], iteration_bounds = array<i64: 16>, scalar_prefetch = 0 : i64, scratch_operands = 0 : i64, tpu.core_type = #tpu.core_type<tc>, window_params = [{transform_indices = @transform_0, window_bounds = array<i64: 256, 20, 128>}, {pipeline_mode = #tpu.pipeline_mode<synchronous>, transform_indices = @transform_1, window_bounds = array<i64: 1, 128>}, {pipeline_mode = #tpu.pipeline_mode<synchronous>, transform_indices = @transform_2, window_bounds = array<i64: 1, 128>}, {transform_indices = @transform_3, window_bounds = array<i64: 256, 128>}]} {
    %get3A = arith.constant 0 : index
    %get3A_0 = arith.constant 0 : index
    %get3A_1 = arith.constant 0 : index
    %get3A_2 = vector.load %arg1[%get3A, %get3A_0, %get3A_1] : memref<256x20x128xf32, #tpu.memory_space<vmem>>, vector<256x1x128xf32>
    %get3A_3 = vector.shape_cast %get3A_2 : vector<256x1x128xf32> to vector<256x128xf32>
    %get3A_4 = arith.constant 0 : index
    %get3A_5 = arith.constant 1 : index
    %get3A_6 = arith.constant 0 : index
    %get3A_7 = vector.load %arg1[%get3A_4, %get3A_5, %get3A_6] : memref<256x20x128xf32, #tpu.memory_space<vmem>>, vector<256x1x128xf32>
    %get3A_8 = vector.shape_cast %get3A_7 : vector<256x1x128xf32> to vector<256x128xf32>
    %add3A = arith.addf %get3A_3, %get3A_8 : vector<256x128xf32>
    %get3A_9 = arith.constant 0 : index
    %get3A_10 = arith.constant 2 : index
    %get3A_11 = arith.constant 0 : index
    %get3A_12 = vector.load %arg1[%get3A_9, %get3A_10, %get3A_11] : memref<256x20x128xf32, #tpu.memory_space<vmem>>, vector<256x1x128xf32>
    %get3A_13 = vector.shape_cast %get3A_12 : vector<256x1x128xf32> to vector<256x128xf32>
    %add3A_14 = arith.addf %add3A, %get3A_13 : vector<256x128xf32>
    %get3A_15 = arith.constant 0 : index
    %get3A_16 = arith.constant 3 : index
    %get3A_17 = arith.constant 0 : index
    %get3A_18 = vector.load %arg1[%get3A_15, %get3A_16, %get3A_17] : memref<256x20x128xf32, #tpu.memory_space<vmem>>, vector<256x1x128xf32>
    %get3A_19 = vector.shape_cast %get3A_18 : vector<256x1x128xf32> to vector<256x128xf32>
    %add3A_20 = arith.addf %add3A_14, %get3A_19 : vector<256x128xf32>
    %get3A_21 = arith.constant 0 : index
    %get3A_22 = arith.constant 4 : index
    %get3A_23 = arith.constant 0 : index
    %get3A_24 = vector.load %arg1[%get3A_21, %get3A_22, %get3A_23] : memref<256x20x128xf32, #tpu.memory_space<vmem>>, vector<256x1x128xf32>
    %get3A_25 = vector.shape_cast %get3A_24 : vector<256x1x128xf32> to vector<256x128xf32>
    %add3A_26 = arith.addf %add3A_20, %get3A_25 : vector<256x128xf32>
    %get3A_27 = arith.constant 0 : index
    %get3A_28 = arith.constant 5 : index
    %get3A_29 = arith.constant 0 : index
    %get3A_30 = vector.load %arg1[%get3A_27, %get3A_28, %get3A_29] : memref<256x20x128xf32, #tpu.memory_space<vmem>>, vector<256x1x128xf32>
    %get3A_31 = vector.shape_cast %get3A_30 : vector<256x1x128xf32> to vector<256x128xf32>
    %add3A_32 = arith.addf %add3A_26, %get3A_31 : vector<256x128xf32>
    %get3A_33 = arith.constant 0 : index
    %get3A_34 = arith.constant 6 : index
    %get3A_35 = arith.constant 0 : index
    %get3A_36 = vector.load %arg1[%get3A_33, %get3A_34, %get3A_35] : memref<256x20x128xf32, #tpu.memory_space<vmem>>, vector<256x1x128xf32>
    %get3A_37 = vector.shape_cast %get3A_36 : vector<256x1x128xf32> to vector<256x128xf32>
    %add3A_38 = arith.addf %add3A_32, %get3A_37 : vector<256x128xf32>
    %get3A_39 = arith.constant 0 : index
    %get3A_40 = arith.constant 7 : index
    %get3A_41 = arith.constant 0 : index
    %get3A_42 = vector.load %arg1[%get3A_39, %get3A_40, %get3A_41] : memref<256x20x128xf32, #tpu.memory_space<vmem>>, vector<256x1x128xf32>
    %get3A_43 = vector.shape_cast %get3A_42 : vector<256x1x128xf32> to vector<256x128xf32>
    %add3A_44 = arith.addf %add3A_38, %get3A_43 : vector<256x128xf32>
    %get3A_45 = arith.constant 0 : index
    %get3A_46 = arith.constant 8 : index
    %get3A_47 = arith.constant 0 : index
    %get3A_48 = vector.load %arg1[%get3A_45, %get3A_46, %get3A_47] : memref<256x20x128xf32, #tpu.memory_space<vmem>>, vector<256x1x128xf32>
    %get3A_49 = vector.shape_cast %get3A_48 : vector<256x1x128xf32> to vector<256x128xf32>
    %add3A_50 = arith.addf %add3A_44, %get3A_49 : vector<256x128xf32>
    %get3A_51 = arith.constant 0 : index
    %get3A_52 = arith.constant 9 : index
    %get3A_53 = arith.constant 0 : index
    %get3A_54 = vector.load %arg1[%get3A_51, %get3A_52, %get3A_53] : memref<256x20x128xf32, #tpu.memory_space<vmem>>, vector<256x1x128xf32>
    %get3A_55 = vector.shape_cast %get3A_54 : vector<256x1x128xf32> to vector<256x128xf32>
    %add3A_56 = arith.addf %add3A_50, %get3A_55 : vector<256x128xf32>
    %get3A_57 = arith.constant 0 : index
    %get3A_58 = arith.constant 10 : index
    %get3A_59 = arith.constant 0 : index
    %get3A_60 = vector.load %arg1[%get3A_57, %get3A_58, %get3A_59] : memref<256x20x128xf32, #tpu.memory_space<vmem>>, vector<256x1x128xf32>
    %get3A_61 = vector.shape_cast %get3A_60 : vector<256x1x128xf32> to vector<256x128xf32>
    %add3A_62 = arith.addf %add3A_56, %get3A_61 : vector<256x128xf32>
    %get3A_63 = arith.constant 0 : index
    %get3A_64 = arith.constant 11 : index
    %get3A_65 = arith.constant 0 : index
    %get3A_66 = vector.load %arg1[%get3A_63, %get3A_64, %get3A_65] : memref<256x20x128xf32, #tpu.memory_space<vmem>>, vector<256x1x128xf32>
    %get3A_67 = vector.shape_cast %get3A_66 : vector<256x1x128xf32> to vector<256x128xf32>
    %add3A_68 = arith.addf %add3A_62, %get3A_67 : vector<256x128xf32>
    %get3A_69 = arith.constant 0 : index
    %get3A_70 = arith.constant 12 : index
    %get3A_71 = arith.constant 0 : index
    %get3A_72 = vector.load %arg1[%get3A_69, %get3A_70, %get3A_71] : memref<256x20x128xf32, #tpu.memory_space<vmem>>, vector<256x1x128xf32>
    %get3A_73 = vector.shape_cast %get3A_72 : vector<256x1x128xf32> to vector<256x128xf32>
    %add3A_74 = arith.addf %add3A_68, %get3A_73 : vector<256x128xf32>
    %get3A_75 = arith.constant 0 : index
    %get3A_76 = arith.constant 13 : index
    %get3A_77 = arith.constant 0 : index
    %get3A_78 = vector.load %arg1[%get3A_75, %get3A_76, %get3A_77] : memref<256x20x128xf32, #tpu.memory_space<vmem>>, vector<256x1x128xf32>
    %get3A_79 = vector.shape_cast %get3A_78 : vector<256x1x128xf32> to vector<256x128xf32>
    %add3A_80 = arith.addf %add3A_74, %get3A_79 : vector<256x128xf32>
    %get3A_81 = arith.constant 0 : index
    %get3A_82 = arith.constant 14 : index
    %get3A_83 = arith.constant 0 : index
    %get3A_84 = vector.load %arg1[%get3A_81, %get3A_82, %get3A_83] : memref<256x20x128xf32, #tpu.memory_space<vmem>>, vector<256x1x128xf32>
    %get3A_85 = vector.shape_cast %get3A_84 : vector<256x1x128xf32> to vector<256x128xf32>
    %add3A_86 = arith.addf %add3A_80, %get3A_85 : vector<256x128xf32>
    %get3A_87 = arith.constant 0 : index
    %get3A_88 = arith.constant 15 : index
    %get3A_89 = arith.constant 0 : index
    %get3A_90 = vector.load %arg1[%get3A_87, %get3A_88, %get3A_89] : memref<256x20x128xf32, #tpu.memory_space<vmem>>, vector<256x1x128xf32>
    %get3A_91 = vector.shape_cast %get3A_90 : vector<256x1x128xf32> to vector<256x128xf32>
    %add3A_92 = arith.addf %add3A_86, %get3A_91 : vector<256x128xf32>
    %get3A_93 = arith.constant 0 : index
    %get3A_94 = arith.constant 16 : index
    %get3A_95 = arith.constant 0 : index
    %get3A_96 = vector.load %arg1[%get3A_93, %get3A_94, %get3A_95] : memref<256x20x128xf32, #tpu.memory_space<vmem>>, vector<256x1x128xf32>
    %get3A_97 = vector.shape_cast %get3A_96 : vector<256x1x128xf32> to vector<256x128xf32>
    %add3A_98 = arith.addf %add3A_92, %get3A_97 : vector<256x128xf32>
    %get3A_99 = arith.constant 0 : index
    %get3A_100 = arith.constant 17 : index
    %get3A_101 = arith.constant 0 : index
    %get3A_102 = vector.load %arg1[%get3A_99, %get3A_100, %get3A_101] : memref<256x20x128xf32, #tpu.memory_space<vmem>>, vector<256x1x128xf32>
    %get3A_103 = vector.shape_cast %get3A_102 : vector<256x1x128xf32> to vector<256x128xf32>
    %add3A_104 = arith.addf %add3A_98, %get3A_103 : vector<256x128xf32>
    %get3A_105 = arith.constant 0 : index
    %get3A_106 = arith.constant 18 : index
    %get3A_107 = arith.constant 0 : index
    %get3A_108 = vector.load %arg1[%get3A_105, %get3A_106, %get3A_107] : memref<256x20x128xf32, #tpu.memory_space<vmem>>, vector<256x1x128xf32>
    %get3A_109 = vector.shape_cast %get3A_108 : vector<256x1x128xf32> to vector<256x128xf32>
    %add3A_110 = arith.addf %add3A_104, %get3A_109 : vector<256x128xf32>
    %get3A_111 = arith.constant 0 : index
    %get3A_112 = arith.constant 19 : index
    %get3A_113 = arith.constant 0 : index
    %get3A_114 = vector.load %arg1[%get3A_111, %get3A_112, %get3A_113] : memref<256x20x128xf32, #tpu.memory_space<vmem>>, vector<256x1x128xf32>
    %get3A_115 = vector.shape_cast %get3A_114 : vector<256x1x128xf32> to vector<256x128xf32>
    %add3A_116 = arith.addf %add3A_110, %get3A_115 : vector<256x128xf32>
    %mul3A = arith.mulf %add3A_116, %add3A_116 : vector<256x128xf32>
    %reduce_sum3A = arith.constant dense<0.000000e+00> : vector<256xf32>
    %reduce_sum3A_117 = vector.multi_reduction <add>, %mul3A, %reduce_sum3A [1] : vector<256x128xf32> to vector<256xf32>
    %broadcast_in_dim3A = vector.shape_cast %reduce_sum3A_117 : vector<256xf32> to vector<256x1xf32>
    %sqrt3A = math.sqrt %broadcast_in_dim3A : vector<256x1xf32>
    %get3A_118 = arith.constant 0 : index
    %get3A_119 = arith.constant 0 : index
    %get3A_120 = vector.load %arg2[%get3A_118, %get3A_119] : memref<1x128xf32, #tpu.memory_space<vmem>>, vector<1x1xf32>
    %get3A_121 = vector.extract %get3A_120[0, 0] : f32 from vector<1x1xf32>
    %mul3A_122 = vector.broadcast %get3A_121 : f32 to vector<256x1xf32>
    %mul3A_123 = arith.mulf %sqrt3A, %mul3A_122 : vector<256x1xf32>
    %get3A_124 = arith.constant 0 : index
    %get3A_125 = arith.constant 0 : index
    %get3A_126 = vector.load %arg3[%get3A_124, %get3A_125] : memref<1x128xf32, #tpu.memory_space<vmem>>, vector<1x1xf32>
    %get3A_127 = vector.extract %get3A_126[0, 0] : f32 from vector<1x1xf32>
    %add3A_128 = vector.broadcast %get3A_127 : f32 to vector<256x1xf32>
    %add3A_129 = arith.addf %mul3A_123, %add3A_128 : vector<256x1xf32>
    %add3A_130 = arith.constant 1.000000e+00 : f32
    %add3A_131 = vector.broadcast %add3A_130 : f32 to vector<256x1xf32>
    %add3A_132 = arith.addf %add3A_129, %add3A_131 : vector<256x1xf32>
    %iota3A = tpu.iota {dimensions = array<i32: 1>} : vector<256x128xi32>
    %eq3A = arith.constant 64 : i32
    %eq3A_133 = vector.broadcast %eq3A : i32 to vector<256x128xi32>
    %eq3A_134 = arith.cmpi eq, %iota3A, %eq3A_133 : vector<256x128xi32>
    %jit3A = arith.constant 1.000000e+00 : f32
    %broadcast_in_dim3A_135 = vector.broadcast %jit3A : f32 to vector<256x128xf32>
    %select_n3A = arith.select %eq3A_134, %broadcast_in_dim3A_135, %add3A_116 : vector<256x128xi1>, vector<256x128xf32>
    %eq3A_136 = arith.constant 65 : i32
    %eq3A_137 = vector.broadcast %eq3A_136 : i32 to vector<256x128xi32>
    %eq3A_138 = arith.cmpi eq, %iota3A, %eq3A_137 : vector<256x128xi32>
    %neg3A = arith.constant 0.000000e+00 : f32
    %neg3A_139 = vector.broadcast %neg3A : f32 to vector<256x1xf32>
    %neg3A_140 = arith.subf %neg3A_139, %add3A_132 : vector<256x1xf32>
    %broadcast_in_dim3A_141 = vector.shape_cast %neg3A_140 : vector<256x1xf32> to vector<256x1xf32>
    %broadcast_in_dim3A_142 = vector.broadcast %broadcast_in_dim3A_141 : vector<256x1xf32> to vector<256x128xf32>
    %select_n3A_143 = arith.select %eq3A_138, %broadcast_in_dim3A_142, %select_n3A : vector<256x128xi1>, vector<256x128xf32>
    %convert_element_type3A = arith.truncf %select_n3A_143 : vector<256x128xf32> to vector<256x128xbf16>
    %swap3A = arith.constant 0 : index
    %swap3A_144 = arith.constant 0 : index
    %swap3A_145 = vector.load %arg4[%swap3A, %swap3A_144] : memref<256x128xbf16, #tpu.memory_space<vmem>>, vector<256x128xbf16>
    tpu.vector_store %arg4[%swap3A, %swap3A_144], %convert_element_type3A {strides = array<i32>} : memref<256x128xbf16, #tpu.memory_space<vmem>>, vector<256x128xbf16>,
    return
  }
  func.func @transform_0(%arg0: i32) -> (i32, i32, i32) {
    %c0_i32 = arith.constant 0 : i32
    %c0_i32_0 = arith.constant 0 : i32
    %c0_i32_1 = arith.constant 0 : i32
    return %arg0, %c0_i32, %c0_i32_0 : i32, i32, i32
  }
  func.func @transform_1(%arg0: i32) -> (i32, i32) {
    %c0_i32 = arith.constant 0 : i32
    %c0_i32_0 = arith.constant 0 : i32
    %c0_i32_1 = arith.constant 0 : i32
    return %c0_i32, %c0_i32_0 : i32, i32
  }
  func.func @transform_2(%arg0: i32) -> (i32, i32) {
    %c0_i32 = arith.constant 0 : i32
    %c0_i32_0 = arith.constant 0 : i32
    %c0_i32_1 = arith.constant 0 : i32
    return %c0_i32, %c0_i32_0 : i32, i32
  }
  func.func @transform_3(%arg0: i32) -> (i32, i32) {
    %c0_i32 = arith.constant 0 : i32
    %c0_i32_0 = arith.constant 0 : i32
    return %arg0, %c0_i32 : i32, i32
  }
}

module attributes {stable_mosaic.version = 14 : i64} {
  func.func @_fused_body(%arg0: i32, %arg1: i32, %arg2: memref<256x128xbf16, #tpu.memory_space<vmem>>, %arg3: memref<128x2176xbf16, #tpu.memory_space<vmem>>, %arg4: memref<256x2176xf32, #tpu.memory_space<vmem>>, %arg5: memref<256x1xf32, #tpu.memory_space<vmem>>, %arg6: memref<4096x1xf32, #tpu.memory_space<vmem>>) attributes {dimension_semantics = [#tpu.dimension_semantics<arbitrary>, #tpu.dimension_semantics<arbitrary>], iteration_bounds = array<i64: 46, 16>, scalar_prefetch = 0 : i64, scratch_operands = 1 : i64, tpu.core_type = #tpu.core_type<tc>, window_params = [{transform_indices = @transform_0, window_bounds = array<i64: 256, 128>}, {transform_indices = @transform_1, window_bounds = array<i64: 128, 2176>}, {transform_indices = @transform_2, window_bounds = array<i64: 256, 2176>}, {transform_indices = @transform_3, window_bounds = array<i64: 256, 1>}]} {
    %mul3A = arith.constant 256 : i32
    %mul3A_0 = arith.muli %arg1, %mul3A : i32
    %get3A = arith.constant 0 : index
    %get3A_1 = arith.constant 0 : index
    %get3A_2 = vector.load %arg2[%get3A, %get3A_1] : memref<256x128xbf16, #tpu.memory_space<vmem>>, vector<256x128xbf16>
    %get3A_3 = arith.constant 0 : index
    %get3A_4 = arith.constant 0 : index
    %get3A_5 = vector.load %arg3[%get3A_3, %get3A_4] : memref<128x2176xbf16, #tpu.memory_space<vmem>>, vector<128x2176xbf16>
    %dot_general3A = arith.constant dense<0.000000e+00> : vector<256x2176xf32>
    %dot_general3A_6 = tpu.matmul %get3A_2, %get3A_5, %dot_general3A {dimension_numbers = #tpu.dot_dimension_numbers<[1], [0], [0], [1], [0, 0, 1, 1], [], []>, transpose_lhs_hint = false} : vector<256x128xbf16>, vector<128x2176xbf16>, vector<256x2176xf32> -> vector<256x2176xf32>
    %swap3A = arith.constant 0 : index
    %swap3A_7 = arith.constant 0 : index
    %swap3A_8 = vector.load %arg4[%swap3A, %swap3A_7] : memref<256x2176xf32, #tpu.memory_space<vmem>>, vector<256x2176xf32>
    tpu.vector_store %arg4[%swap3A, %swap3A_7], %dot_general3A_6 {strides = array<i32>} : memref<256x2176xf32, #tpu.memory_space<vmem>>, vector<256x2176xf32>,
    %exp3A = math.exp %dot_general3A_6 : vector<256x2176xf32>
    %reduce_sum3A = arith.constant dense<0.000000e+00> : vector<256xf32>
    %reduce_sum3A_9 = vector.multi_reduction <add>, %exp3A, %reduce_sum3A [1] : vector<256x2176xf32> to vector<256xf32>
    %broadcast_in_dim3A = vector.shape_cast %reduce_sum3A_9 : vector<256xf32> to vector<256x1xf32>
    %eq3A = arith.constant 0 : i32
    %eq3A_10 = arith.cmpi eq, %arg0, %eq3A : i32
    %convert_element_type3A = arith.extui %eq3A_10 : i1 to i32
    %cond3A = arith.constant 0 : i32
    %cond3A_11 = arith.cmpi ne, %convert_element_type3A, %cond3A : i32
    scf.if %cond3A_11 {
      %broadcast_in_dim3A_23 = arith.constant 0.000000e+00 : f32
      %broadcast_in_dim3A_24 = vector.broadcast %broadcast_in_dim3A_23 : f32 to vector<256x1xf32>
      %swap3A_25 = arith.index_cast %mul3A_0 : i32 to index
      %swap3A_26 = arith.constant 0 : index
      %swap3A_27 = vector.load %arg6[%swap3A_25, %swap3A_26] : memref<4096x1xf32, #tpu.memory_space<vmem>>, vector<256x1xf32>
      tpu.vector_store %arg6[%swap3A_25, %swap3A_26], %broadcast_in_dim3A_24 {strides = array<i32>} : memref<4096x1xf32, #tpu.memory_space<vmem>>, vector<256x1xf32>,
    } else {
    }
    %get3A_12 = arith.index_cast %mul3A_0 : i32 to index
    %get3A_13 = arith.constant 0 : index
    %get3A_14 = vector.load %arg6[%get3A_12, %get3A_13] : memref<4096x1xf32, #tpu.memory_space<vmem>>, vector<256x1xf32>
    %add3A = arith.addf %get3A_14, %broadcast_in_dim3A : vector<256x1xf32>
    %swap3A_15 = arith.index_cast %mul3A_0 : i32 to index
    %swap3A_16 = arith.constant 0 : index
    %swap3A_17 = vector.load %arg6[%swap3A_15, %swap3A_16] : memref<4096x1xf32, #tpu.memory_space<vmem>>, vector<256x1xf32>
    tpu.vector_store %arg6[%swap3A_15, %swap3A_16], %add3A {strides = array<i32>} : memref<4096x1xf32, #tpu.memory_space<vmem>>, vector<256x1xf32>,
    %eq3A_18 = arith.constant 45 : i32
    %eq3A_19 = arith.cmpi eq, %arg0, %eq3A_18 : i32
    %convert_element_type3A_20 = arith.extui %eq3A_19 : i1 to i32
    %cond3A_21 = arith.constant 0 : i32
    %cond3A_22 = arith.cmpi ne, %convert_element_type3A_20, %cond3A_21 : i32
    scf.if %cond3A_22 {
      %log3A = math.log %add3A : vector<256x1xf32>
      %swap3A_23 = arith.constant 0 : index
      %swap3A_24 = arith.constant 0 : index
      %swap3A_25 = vector.load %arg5[%swap3A_23, %swap3A_24] : memref<256x1xf32, #tpu.memory_space<vmem>>, vector<256x1xf32>
      tpu.vector_store %arg5[%swap3A_23, %swap3A_24], %log3A {strides = array<i32>} : memref<256x1xf32, #tpu.memory_space<vmem>>, vector<256x1xf32>,
    } else {
    }
    return
  }
  func.func @transform_0(%arg0: i32, %arg1: i32) -> (i32, i32) {
    %c0_i32 = arith.constant 0 : i32
    %c0_i32_0 = arith.constant 0 : i32
    return %arg1, %c0_i32 : i32, i32
  }
  func.func @transform_1(%arg0: i32, %arg1: i32) -> (i32, i32) {
    %c0_i32 = arith.constant 0 : i32
    %c0_i32_0 = arith.constant 0 : i32
    return %c0_i32, %arg0 : i32, i32
  }
  func.func @transform_2(%arg0: i32, %arg1: i32) -> (i32, i32) {
    %c0_i32 = arith.constant 0 : i32
    return %arg1, %arg0 : i32, i32
  }
  func.func @transform_3(%arg0: i32, %arg1: i32) -> (i32, i32) {
    %c0_i32 = arith.constant 0 : i32
    %c0_i32_0 = arith.constant 0 : i32
    return %arg1, %c0_i32 : i32, i32
  }
}

</mosaic_0001>

<sc_bundles>
// kernel: kernel.6.cloned.1.call-start
scs
__scs_entry_jumppad:
0x0: {  	(pc) =	sbr.rel $0x88, $3  }
0x1: {  	(tag) =	ssettag $0x0;
	lr =	simm.s32 $0x1  }
0x2: {  	[smem:$0x3F9D] =	sst lr;
	_ =	strace $0xD0000000  }
0x3: {  	_ = 	snop  }
0x4: {  	_ = 	snop  }
0x5: {  	_ = 	snop  }
0x6: {  	_ = 	snop  }
0x7: {  	_ = 	snop  }
__scs_overlays_trampoline_lowered:
0x8: {  	[smem:$0x3FAC] =	sst s0  }
0x9: {  	[smem:$0x3FAD] =	sst s1  }
0xa: {  	[smem:$0x3FAE] =	sst s2  }
0xb: {  	[smem:$0x3FAF] =	sst s3  }
0xc: {  	[smem:$0x3FB0] =	sst s4  }
0xd: {  	[smem:$0x3FB1] =	sst s5  }
0xe: {  	[smem:$0x3FB2] =	sst s6  }
0xf: {  	[smem:$0x3FB3] =	sst s7  }
0x10: {  	[smem:$0x3FB4] =	sst s8  }
0x11: {  	[smem:$0x3FB5] =	sst s9;
	s0 =	simm.s32 @!p0 $0x0  }
0x12: {  	s1 =	sld [smem:$0x3F9B];
	s0 =	simm.s32 @p0 $0x1  }
0x13: {  	[smem:$0x3FB6] =	sst s0;
	s0 =	simm.s32 @!p1 $0x0  }
0x14: {  	s2 =	sld [smem:$0x3F9A];
	s0 =	simm.s32 @p1 $0x1  }
0x15: {  	[smem:$0x3FB7] =	sst s0;
	s0 =	simm.s32 @!p2 $0x0  }
0x16: {  	s3 =	sld [smem:$0x3FDB];
	s0 =	simm.s32 @p2 $0x1  }
0x17: {  	s4 =	simm.s32 $0x1BF5;
	[smem:$0x3FB9] =	sst s0  }
0x18: {  	s0 =	sld [smem:$0x3F9C];
	_ =	swait.ge [sflag:s4], $0x0  }
0x19: {  	s7 =	sld [smem:$0x3F9D]  }
0x1a: {  	s8 =	sadd.s32 $0xFFFFE003, lr  }
0x1b: {  	s9 =	sadd.s32 $0xFFFFFEF7, lr;
	s5 =	simm.s32 $0xFFFFFFFF;
	p2 =	slt.u32 s8, $0xFFFFF086  }
0x1c: {  	p1 =	slt.u32 s9, $0xF7A;
	s5 =	simm.s32 @!p2 $0x0  }
0x1d: {  	s5 =	simm.s32 @p1 $0x1;
	p0 =	seq.s32 s7, s2  }
0x1e: {  	s7 =	smul.u32 @!p0 $0xF7A, s2;
	p2 =	seq.s32 @!p0 s5, $0x0  }
0x1f: {  	s9 =	smul.u32 $0xF7A, s1;
	s8 =	simm.s32 @!p0 $0x1BF5;
	p2 =	por !p2, p0  }
0x20: {  	[sflag:s8] =	ssyncset.s32 @!p0 $0xFFFFF086;
	s6 =	sadd.s32 @!p0 s3, s7;
	s7 =	simm.s32 @!p0 $0x108  }
0x21: {  	s3 =	sadd.s32 s3, s9;
	s6 =	sadd.s32 @!p0 $0x88, s6;
	s7 =	simm.s32 @p2 $0x1082  }
0x22: {  	[simem:s7], [sflag:s8] =	dma.local @!p0 [hbm:s6], $0xF7A  }
0x23: {  	s9 =	sor.u32 $0xD0000000, s2;
	s6 =	simm.s32 $0x108;
	_ =	swait.ge @!p0 [sflag:s8], $0x0  }
0x24: {  	s3 =	sadd.s32 $0x88, s3;
	s6 =	simm.s32 @!p1 $0x1082;
	[sflag:s4] =	ssyncset.s32 $0xFFFFF086  }
0x25: {  	[simem:s6], [sflag:s4] =	dma.local [hbm:s3], $0xF7A  }
0x26: {  	[smem:$0x3F9D] =	sst s1;
	(tag) =	ssettag s2;
	_ =	strace s9  }
0x27: {  	s1 =	sld [smem:$0x3FAD]  }
0x28: {  	s2 =	sld [smem:$0x3FAE]  }
0x29: {  	s4 =	sld [smem:$0x3FB0]  }
0x2a: {  	p0 =	seq.s32 s5, $0x0;
	s5 =	sld [smem:$0x3FB1]  }
0x2b: {  	s6 =	sld [smem:$0x3FB2]  }
0x2c: {  	s7 =	sld [smem:$0x3FB3]  }
0x2d: {  	s3 =	simm.s32 $0x108;
	s8 =	sld [smem:$0x3FB4]  }
0x2e: {  	s3 =	simm.s32 @!p0 $0x1082;
	s9 =	sld [smem:$0x3FB5]  }
0x2f: {  	lr =	sadd.s32 s0, s3;
	s0 =	sld [smem:$0x3FAC]  }
0x30: {  	s3 =	sld [smem:$0x3FAF]  }
0x31: {  	[smem:$0x3FB8] =	sst s10  }
0x32: {  	s10 =	sld [smem:$0x3FB6];
	_ =	sdelay $0x3  }
0x33: {  	p0 =	seq.s32 s10, $0x1;
	s10 =	sld [smem:$0x3FB8];
	_ =	sdelay $0x3  }
0x34: {  	[smem:$0x3FB8] =	sst s10  }
0x35: {  	s10 =	sld [smem:$0x3FB7];
	_ =	sdelay $0x3  }
0x36: {  	p1 =	seq.s32 s10, $0x1;
	s10 =	sld [smem:$0x3FB8];
	_ =	sdelay $0x3  }
0x37: {  	[smem:$0x3FB8] =	sst s10  }
0x38: {  	s10 =	sld [smem:$0x3FB9]  }
0x39: {  	_ = 	snop;
	(pc) =	sbr.ind lr, $3  }
0x3a: {  	_ = 	snop  }
0x3b: {  	_ = 	snop  }
0x3c: {  	p2 =	seq.s32 s10, $0x1;
	s10 =	sld [smem:$0x3FB8]  }
0x3d: {  	_ =	shalt  }
0x3e: {  	_ =	shalt  }
0x3f: {  	_ =	shalt  }
0x40: {  	_ =	shalt  }
0x41: {  	_ =	shalt  }
0x42: {  	_ =	shalt  }
0x43: {  	_ =	shalt  }
0x44: {  	_ =	shalt  }
0x45: {  	_ =	shalt  }
0x46: {  	_ =	shalt  }
0x47: {  	_ =	shalt  }
0x48: {  	_ =	shalt  }
0x49: {  	_ =	shalt  }
0x4a: {  	_ =	shalt  }
0x4b: {  	_ =	shalt  }
0x4c: {  	_ =	shalt  }
0x4d: {  	_ =	shalt  }
0x4e: {  	_ =	shalt  }
0x4f: {  	_ =	shalt  }
0x50: {  	_ =	shalt  }
0x51: {  	_ =	shalt  }
0x52: {  	_ =	shalt  }
0x53: {  	_ =	shalt  }
0x54: {  	_ =	shalt  }
0x55: {  	_ =	shalt  }
0x56: {  	_ =	shalt  }
0x57: {  	_ =	shalt  }
0x58: {  	_ =	shalt  }
0x59: {  	_ =	shalt  }
0x5a: {  	_ =	shalt  }
0x5b: {  	_ =	shalt  }
0x5c: {  	_ =	shalt  }
0x5d: {  	_ =	shalt  }
0x5e: {  	_ =	shalt  }
0x5f: {  	_ =	shalt  }
0x60: {  	_ =	shalt  }
0x61: {  	_ =	shalt  }
0x62: {  	_ =	shalt  }
0x63: {  	_ =	shalt  }
0x64: {  	_ =	shalt  }
0x65: {  	_ =	shalt  }
0x66: {  	_ =	shalt  }
0x67: {  	_ =	shalt  }
0x68: {  	_ =	shalt  }
0x69: {  	_ =	shalt  }
0x6a: {  	_ =	shalt  }
0x6b: {  	_ =	shalt  }
0x6c: {  	_ =	shalt  }
0x6d: {  	_ =	shalt  }
0x6e: {  	_ =	shalt  }
0x6f: {  	_ =	shalt  }
0x70: {  	_ =	shalt  }
0x71: {  	_ =	shalt  }
0x72: {  	_ =	shalt  }
0x73: {  	_ =	shalt  }
0x74: {  	_ =	shalt  }
0x75: {  	_ =	shalt  }
0x76: {  	_ =	shalt  }
0x77: {  	_ =	shalt  }
0x78: {  	_ =	shalt  }
0x79: {  	_ =	shalt  }
0x7a: {  	_ =	shalt  }
0x7b: {  	_ =	shalt  }
0x7c: {  	_ =	shalt  }
0x7d: {  	_ =	shalt  }
0x7e: {  	_ =	shalt  }
0x7f: {  	_ =	shalt  }
0x80: {  	_ =	shalt  }
0x81: {  	_ =	shalt  }
0x82: {  	_ =	shalt  }
0x83: {  	_ =	shalt  }
0x84: {  	_ =	shalt  }
0x85: {  	_ =	shalt  }
0x86: {  	_ =	shalt  }
0x87: {  	_ =	shalt  }
.Lfunc_end0:
.L_simem_size_0:
called_computation.1_lowered:
.L_overlay_start_0:
0x88: {  	s2 =	sld [smem:$0x3FD9]  }
0x89: {  	s3 =	sld [smem:$0x3FFE];
	_ =	sdelay $0x1  }
0x8a: {  	s1 =	srdreg.scid  }
0x8b: {  	s0 =	sand.u32 $0x1, s1  }
0x8c: {  	s16 =	sshll.u32 s0, $0xA;
	s2 =	sadd.s32 s3, s2  }
0x8d: {  	s2 =	sadd.s32 s2, s16  }
0x8e: {  	[smem:$0x3FC4] =	sst s2  }
0x8f: {  	_ = 	snop  }
0x90: {  	(tm) =	ssettm $0x1  }
0x91: {  	s17 =	sld [smem:$0x3FFB];
	_ =	sdelay $0x3  }
0x92: {  	_ =	strace s17  }
0x93: {  	s2 =	sld [smem:$0x3FFC];
	_ =	sdelay $0x3  }
0x94: {  	_ =	strace s2  }
0x95: {  	s2 =	sld [smem:$0x3FFD];
	_ =	sdelay $0x3  }
0x96: {  	_ =	strace s2  }
0x97: {  	_ =	strace $0x8FFFFFFF  }
0x98: {  	s18 =	sld [smem:$0x3FDB];
	_ =	sdelay $0x1  }
0x99: {  	s19 =	simm.s32 $_scs_section_size  }
0x9a: {  	s4 =	simm.s32 $_size__tile_overlayer_lowered;
	s5 =	simm.s32 $_tile_overlayer_lowered  }
0x9b: {  	s22 =	simm.s32 $0x1BFF;
	s21 =	sshll.u32 s5, $0x1;
	s2 =	sadd.s32 s19, s18  }
0x9c: {  	s6 =	simm.s32 $0x0;
	s20 =	sshll.u32 s4, $0x1;
	s4 =	sadd.s32 s21, s2  }
0x9d: {  	[timem:s6], [sflag:s22] =	dma.local [hbm:s4], s20  }
0x9e: {  	_ =	swait.ge [sflag:s22], s20  }
0x9f: {  	s3 =	ssub.s32 $0x0, s20;
	[sflag:s22] =	ssyncset.done $0x0  }
0xa0: {  	[sflag:s22] =	ssyncadd.s32 s3;
	_ =	sdelay $0x1  }
0xa1: {  	s23 =	simm.s32 $0x1B8B  }
0xa2: {  	_ =	swait.ge [sflag:s23], $0x1  }
0xa3: {  	[sflag:s23] =	ssyncset.done $0x0  }
0xa4: {  	s25 =	simm.s32 $0x1B8E;
	s24 =	sld [smem:$0x3FFE];
	[sflag:s23] =	ssyncadd.s32 $0xFFFFFFFF  }
0xa5: {  	s26 =	simm.s32 $execute0_lowered;
	[smem:$0x3FD2] =	sst s25  }
0xa6: {  	s4 =	sshll.u32 s26, $0x1;
	_ =	strace $0x80000046;
	[dreg:$0x1] =	wrdreg $0xFFFFFFFF  }
0xa7: {  	s28 =	simm.s32 $_size_execute0_lowered;
	s2 =	sadd.s32 s2, s4;
	[dreg:$0x0] =	wrdreg $0x0  }
0xa8: {  	s4 =	sshll.u32 s28, $0x1;
	[dreg:$0x2] =	wrdreg s2  }
0xa9: {  	[dreg:$0x3] =	wrdreg s4  }
0xaa: {  	[dreg:$0x4] =	wrdreg $0xC0  }
0xab: {  	_ =	task [dreg:s6], $0x5FFFF  }
0xac: {  	[dreg:$0x1] =	wrdreg $0xFFFFFFFF  }
0xad: {  	[dreg:$0x0] =	wrdreg $0x60  }
0xae: {  	[dreg:$0x2] =	wrdreg s24  }
0xaf: {  	[dreg:$0x3] =	wrdreg $0x9  }
0xb0: {  	_ =	task.clear_ibuf [dreg:s6], $0x4FFFF;
	_ =	strace $0x90000046  }
0xb1: {  	s29 =	simm.s32 $0x9;
	_ =	strace $0x80000048  }
0xb2: {  	_ =	swait.ge [sflag:s29], $0x1  }
0xb3: {  	[sflag:s29] =	ssyncadd.s32 $0xFFFFFFFF  }
0xb4: {  	_ =	strace $0x90000048  }
0xb5: {  	_ =	sfence  }
0xb6: {  	s30 =	sld [smem:$0x0];
	_ =	sdelay $0x2  }
0xb7: {  	s31 =	sshll.u32 s1, $0xD;
	s1 =	sshrl.u32 s1, $0x2  }
0xb8: {  	s3 =	sand.u32 $0x4000, s31;
	s1 =	sadd.s32 s1, s30  }
0xb9: {  	s0 =	sor.u32 s3, s0;
	s1 =	sshll.u32 s1, $0x11  }
0xba: {  	s0 =	sor.u32 s1, s0  }
0xbb: {  	s0 =	sadd.s32 $0x8F2B, s0  }
0xbc: {  	[sflag:s0] =	ssyncadd.remote.s32 $0x1  }
0xbd: {  	_ =	sfence.sel $0xFFFF  }
0xbe: {  	[dreg:$0x0] =	wrdreg $0xFFFFFFFF;
	(pc) =	sbr.abs _section_cstart, $3  }
0xbf: {  	[dreg:$0x1] =	wrdreg $0xFFFFFFFF  }
0xc0: {  	_ =	task.clear_ibuf [dreg:s6], $0x2FFFF;
	_ =	strace $0x9FFFFFFF  }
0xc1: {  	(tm) =	ssettm $0x7FFFFFFF  }
tec
execute0_lowered:
.L_overlay_start_1:
0x0: {  	(tag) =	ssettag $0x1  }
0x1: {  	s0 =	srdreg.scid;
	s1 =	stileid.u32  }
0x2: {  	s3 =	rddreg [dreg:$0x0];
	s0 =	sand.u32 $0x1, s0;
	s1 =	sshll.u32 s1, $0x1  }
0x3: {  	s2 =	simm.s32 $0x0;
	s31 =	simm.s32 $0x100;
	s1 =	sor.u32 s0, s1  }
0x4: {  	s30 =	simm.s32 $0x180;
	s29 =	simm.s32 $0x200;
	s4 =	smul.u32 $0x180, s1  }
0x5: {  	s28 =	simm.s32 $0x280;
	p0 =	por $0x0, $0x0;
	s5 =	smul.u32 $0xA000, s1  }
0x6: {  	[smem:$0x7FF] =	sst s2;
	s6 =	sadd.s32 $0x18A200, s3;
	s4 =	sadd.s32 s4, s3  }
0x7: {  	s1 =	smul.u32 $0x50000, s1;
	s23 =	sadd.s32 s6, s5;
	s4 =	sadd.s32 $0x800, s4  }
0x8: {  	_ =	strace $0x80000047;
	s8 =	sadd.s32 $0x800, s23;
	[dreg:$0x2] =	wrdreg s4  }
0x9: {  	s1 =	sshrl.u32 s1, $0x3;
	s9 =	sadd.s32 $0x1000, s23;
	[dreg:$0x3] =	wrdreg s8  }
0xa: {  	s10 =	sadd.s32 $0x1800, s23;
	s1 =	sadd.s32 s6, s1;
	[dreg:$0x4] =	wrdreg s9  }
0xb: {  	s0 =	ssub.s32 $0x2, s0;
	[dreg:$0x5] =	wrdreg s10;
	s11 =	sadd.s32 $0x2000, s1  }
0xc: {  	s25 =	sshrl.u32 s0, $0x1;
	s12 =	sadd.s32 $0x2800, s1;
	[dreg:$0x6] =	wrdreg s11  }
0xd: {  	s0 =	ssub.s32 s0, s25;
	s13 =	sadd.s32 $0x3000, s1;
	[dreg:$0x7] =	wrdreg s12  }
0xe: {  	s25 =	simm.s32 $0x380;
	s14 =	sadd.s32 $0x3800, s1;
	[dreg:$0x8] =	wrdreg s13  }
0xf: {  	s3 =	sadd.s32 $0x3800, s3;
	s15 =	sadd.s32 $0x4000, s1;
	[dreg:$0x9] =	wrdreg s14  }
0x10: {  	s0 =	smax.u32 s0, $0x1;
	s16 =	sadd.s32 $0x4800, s1;
	[dreg:$0xa] =	wrdreg s15  }
0x11: {  	s6 =	simm.s32 $0x4C00;
	s17 =	sadd.s32 $0x5000, s1;
	[dreg:$0xb] =	wrdreg s16  }
0x12: {  	p1 =	sne.s32 s0, $0x1;
	s18 =	sadd.s32 $0x5800, s1;
	[dreg:$0xc] =	wrdreg s17  }
0x13: {  	s19 =	sadd.s32 $0x6000, s1;
	s20 =	sadd.s32 $0x6800, s1;
	[dreg:$0xd] =	wrdreg s18  }
0x14: {  	s21 =	sadd.s32 $0x7000, s1;
	s22 =	sadd.s32 $0x7800, s1;
	[dreg:$0xe] =	wrdreg s19  }
0x15: {  	s24 =	sadd.s32 $0x8000, s1;
	s26 =	sadd.s32 $0x8800, s1;
	[dreg:$0xf] =	wrdreg s20  }
0x16: {  	s7 =	sadd.s32 $0x9000, s1;
	s5 =	sadd.s32 $0x9800, s1;
	[dreg:$0x10] =	wrdreg s21  }
0x17: {  	s4 =	simm.s32 $0x3;
	s10 =	simm.s32 $0x80;
	[dreg:$0x11] =	wrdreg s22  }
0x18: {  	s9 =	simm.s32 $0xC00;
	s8 =	simm.s32 $0x2;
	[dreg:$0x12] =	wrdreg s24  }
0x19: {  	s1 =	sadd.s32 $0xFFFFFFFF, s0;
	[dreg:$0x13] =	wrdreg s26;
	s11 =	simm.s32 $0x1  }
.Ltmp0:
0x1a: {  	s26 =	simm.s32 $0x300;
	s24 =	simm.s32 $0x400;
	(pc) =	sbr.rel @!p1 .LBB2_3-.Ltmp0, $4  }
0x1b: {  	s22 =	simm.s32 $0x480;
	s21 =	simm.s32 $0x500;
	s20 =	simm.s32 $0x580  }
0x1c: {  	s19 =	simm.s32 $0x600;
	s18 =	simm.s32 $0x680;
	s17 =	simm.s32 $0x700  }
0x1d: {  	s16 =	simm.s32 $0x780;
	s15 =	simm.s32 $0x800;
	s14 =	simm.s32 $0x880  }
0x1e: {  	s13 =	simm.s32 $0x900;
	s12 =	simm.s32 $0x980;
	s0 =	rddreg [dreg:$0x2]  }
0x1f: {  	[tilespmem:s2], [sflag:$0x3] =	stream.linear.gather [hbm4b:s0+s2], $0xA00, $0x38;
	[tilespmem:$0x8C00] =	vst v63  }
0x20: {  	_ =	swait.ge [sflag:s4], $0xA00  }
0x21: {  	[sflag:s4] =	ssyncset.done $0x0  }
0x22: {  	[sflag:s4] =	ssyncadd.s32 $0xFFFFF600  }
0x23: {  	[tilespmem:s9], [sflag:$0x1] =	stream.indirect.gather [hbm4b:s3+s10], $0x80, s2, s10, $0xb8;
	[tilespmem:$0x8C00] =	vst v63  }
0x24: {  	_ = 	snop  }
0x25: {  	[tilespmem:s6], [sflag:$0x2] =	stream.indirect.gather [hbm4b:s3+s10], $0x80, s10, s10, $0xb8;
	[tilespmem:$0x8C00] =	vst v63  }
0x26: {  	_ =	swait.ge [sflag:s11], $0x4000  }
0x27: {  	[sflag:s11] =	ssyncset.done $0x0  }
0x28: {  	[sflag:s11] =	ssyncadd.s32 $0xFFFFC000  }
0x29: {  	[hbm4b:s23+s2] =	stream.linear.scatter [tilespmem:s9], [sflag:$0x3], $0x4000, $0x38;
	[tilespmem:$0x8C00] =	vst v63  }
0x2a: {  	_ =	swait.ge [sflag:s4], $0x4000  }
0x2b: {  	[sflag:s4] =	ssyncset.done $0x0  }
0x2c: {  	[sflag:s4] =	ssyncadd.s32 $0xFFFFC000  }
0x2d: {  	[tilespmem:s9], [sflag:$0x1] =	stream.indirect.gather [hbm4b:s3+s10], $0x80, s31, s10, $0xb8;
	[tilespmem:$0x8C00] =	vst v63  }
0x2e: {  	_ =	swait.ge [sflag:s8], $0x4000  }
0x2f: {  	[sflag:s8] =	ssyncset.done $0x0  }
0x30: {  	s0 =	rddreg [dreg:$0x3];
	[sflag:s8] =	ssyncadd.s32 $0xFFFFC000  }
0x31: {  	[hbm4b:s0+s2] =	stream.linear.scatter [tilespmem:s6], [sflag:$0x3], $0x4000, $0x38;
	[tilespmem:$0x8C00] =	vst v63  }
0x32: {  	_ =	swait.ge [sflag:s4], $0x4000  }
0x33: {  	[sflag:s4] =	ssyncset.done $0x0  }
0x34: {  	[sflag:s4] =	ssyncadd.s32 $0xFFFFC000  }
0x35: {  	[tilespmem:s6], [sflag:$0x2] =	stream.indirect.gather [hbm4b:s3+s10], $0x80, s30, s10, $0xb8;
	[tilespmem:$0x8C00] =	vst v63  }
0x36: {  	_ =	swait.ge [sflag:s11], $0x4000  }
0x37: {  	[sflag:s11] =	ssyncset.done $0x0  }
0x38: {  	s0 =	rddreg [dreg:$0x4];
	[sflag:s11] =	ssyncadd.s32 $0xFFFFC000  }
0x39: {  	[hbm4b:s0+s2] =	stream.linear.scatter [tilespmem:s9], [sflag:$0x3], $0x4000, $0x38;
	[tilespmem:$0x8C00] =	vst v63  }
0x3a: {  	_ =	swait.ge [sflag:s4], $0x4000  }
0x3b: {  	[sflag:s4] =	ssyncset.done $0x0  }
0x3c: {  	[sflag:s4] =	ssyncadd.s32 $0xFFFFC000  }
0x3d: {  	[tilespmem:s9], [sflag:$0x1] =	stream.indirect.gather [hbm4b:s3+s10], $0x80, s29, s10, $0xb8;
	[tilespmem:$0x8C00] =	vst v63  }
0x3e: {  	_ =	swait.ge [sflag:s8], $0x4000  }
0x3f: {  	[sflag:s8] =	ssyncset.done $0x0  }
0x40: {  	s0 =	rddreg [dreg:$0x5];
	[sflag:s8] =	ssyncadd.s32 $0xFFFFC000  }
0x41: {  	[hbm4b:s0+s2] =	stream.linear.scatter [tilespmem:s6], [sflag:$0x3], $0x4000, $0x38;
	[tilespmem:$0x8C00] =	vst v63  }
0x42: {  	_ =	swait.ge [sflag:s4], $0x4000  }
0x43: {  	[sflag:s4] =	ssyncset.done $0x0  }
0x44: {  	[sflag:s4] =	ssyncadd.s32 $0xFFFFC000  }
0x45: {  	[tilespmem:s6], [sflag:$0x2] =	stream.indirect.gather [hbm4b:s3+s10], $0x80, s28, s10, $0xb8;
	[tilespmem:$0x8C00] =	vst v63  }
0x46: {  	_ =	swait.ge [sflag:s11], $0x4000  }
0x47: {  	[sflag:s11] =	ssyncset.done $0x0  }
0x48: {  	s0 =	rddreg [dreg:$0x6];
	[sflag:s11] =	ssyncadd.s32 $0xFFFFC000  }
0x49: {  	[hbm4b:s0+s2] =	stream.linear.scatter [tilespmem:s9], [sflag:$0x3], $0x4000, $0x38;
	[tilespmem:$0x8C00] =	vst v63  }
0x4a: {  	_ =	swait.ge [sflag:s4], $0x4000  }
0x4b: {  	[sflag:s4] =	ssyncset.done $0x0  }
0x4c: {  	[sflag:s4] =	ssyncadd.s32 $0xFFFFC000  }
0x4d: {  	[tilespmem:s9], [sflag:$0x1] =	stream.indirect.gather [hbm4b:s3+s10], $0x80, s26, s10, $0xb8;
	[tilespmem:$0x8C00] =	vst v63  }
0x4e: {  	_ =	swait.ge [sflag:s8], $0x4000  }
0x4f: {  	[sflag:s8] =	ssyncset.done $0x0  }
0x50: {  	s0 =	rddreg [dreg:$0x7];
	[sflag:s8] =	ssyncadd.s32 $0xFFFFC000  }
0x51: {  	[hbm4b:s0+s2] =	stream.linear.scatter [tilespmem:s6], [sflag:$0x3], $0x4000, $0x38;
	[tilespmem:$0x8C00] =	vst v63  }
0x52: {  	_ =	swait.ge [sflag:s4], $0x4000  }
0x53: {  	[sflag:s4] =	ssyncset.done $0x0  }
0x54: {  	[sflag:s4] =	ssyncadd.s32 $0xFFFFC000  }
0x55: {  	[tilespmem:s6], [sflag:$0x2] =	stream.indirect.gather [hbm4b:s3+s10], $0x80, s25, s10, $0xb8;
	[tilespmem:$0x8C00] =	vst v63  }
0x56: {  	_ =	swait.ge [sflag:s11], $0x4000  }
0x57: {  	[sflag:s11] =	ssyncset.done $0x0  }
0x58: {  	s0 =	rddreg [dreg:$0x8];
	[sflag:s11] =	ssyncadd.s32 $0xFFFFC000  }
0x59: {  	[hbm4b:s0+s2] =	stream.linear.scatter [tilespmem:s9], [sflag:$0x3], $0x4000, $0x38;
	[tilespmem:$0x8C00] =	vst v63  }
0x5a: {  	_ =	swait.ge [sflag:s4], $0x4000  }
0x5b: {  	[sflag:s4] =	ssyncset.done $0x0  }
0x5c: {  	[sflag:s4] =	ssyncadd.s32 $0xFFFFC000  }
0x5d: {  	[tilespmem:s9], [sflag:$0x1] =	stream.indirect.gather [hbm4b:s3+s10], $0x80, s24, s10, $0xb8;
	[tilespmem:$0x8C00] =	vst v63  }
0x5e: {  	_ =	swait.ge [sflag:s8], $0x4000  }
0x5f: {  	[sflag:s8] =	ssyncset.done $0x0  }
0x60: {  	s0 =	rddreg [dreg:$0x9];
	[sflag:s8] =	ssyncadd.s32 $0xFFFFC000  }
0x61: {  	[hbm4b:s0+s2] =	stream.linear.scatter [tilespmem:s6], [sflag:$0x3], $0x4000, $0x38;
	[tilespmem:$0x8C00] =	vst v63  }
0x62: {  	_ =	swait.ge [sflag:s4], $0x4000  }
0x63: {  	[sflag:s4] =	ssyncset.done $0x0  }
0x64: {  	[sflag:s4] =	ssyncadd.s32 $0xFFFFC000  }
0x65: {  	[tilespmem:s6], [sflag:$0x2] =	stream.indirect.gather [hbm4b:s3+s10], $0x80, s22, s10, $0xb8;
	[tilespmem:$0x8C00] =	vst v63  }
0x66: {  	_ =	swait.ge [sflag:s11], $0x4000  }
0x67: {  	[sflag:s11] =	ssyncset.done $0x0  }
0x68: {  	s0 =	rddreg [dreg:$0xa];
	[sflag:s11] =	ssyncadd.s32 $0xFFFFC000  }
0x69: {  	[hbm4b:s0+s2] =	stream.linear.scatter [tilespmem:s9], [sflag:$0x3], $0x4000, $0x38;
	[tilespmem:$0x8C00] =	vst v63  }
0x6a: {  	_ =	swait.ge [sflag:s4], $0x4000  }
0x6b: {  	[sflag:s4] =	ssyncset.done $0x0  }
0x6c: {  	[sflag:s4] =	ssyncadd.s32 $0xFFFFC000  }
0x6d: {  	[tilespmem:s9], [sflag:$0x1] =	stream.indirect.gather [hbm4b:s3+s10], $0x80, s21, s10, $0xb8;
	[tilespmem:$0x8C00] =	vst v63  }
0x6e: {  	_ =	swait.ge [sflag:s8], $0x4000  }
0x6f: {  	[sflag:s8] =	ssyncset.done $0x0  }
0x70: {  	s0 =	rddreg [dreg:$0xb];
	[sflag:s8] =	ssyncadd.s32 $0xFFFFC000  }
0x71: {  	[hbm4b:s0+s2] =	stream.linear.scatter [tilespmem:s6], [sflag:$0x3], $0x4000, $0x38;
	[tilespmem:$0x8C00] =	vst v63  }
0x72: {  	_ =	swait.ge [sflag:s4], $0x4000  }
0x73: {  	[sflag:s4] =	ssyncset.done $0x0  }
0x74: {  	[sflag:s4] =	ssyncadd.s32 $0xFFFFC000  }
0x75: {  	[tilespmem:s6], [sflag:$0x2] =	stream.indirect.gather [hbm4b:s3+s10], $0x80, s20, s10, $0xb8;
	[tilespmem:$0x8C00] =	vst v63  }
0x76: {  	_ =	swait.ge [sflag:s11], $0x4000  }
0x77: {  	[sflag:s11] =	ssyncset.done $0x0  }
0x78: {  	s0 =	rddreg [dreg:$0xc];
	[sflag:s11] =	ssyncadd.s32 $0xFFFFC000  }
0x79: {  	[hbm4b:s0+s2] =	stream.linear.scatter [tilespmem:s9], [sflag:$0x3], $0x4000, $0x38;
	[tilespmem:$0x8C00] =	vst v63  }
0x7a: {  	_ =	swait.ge [sflag:s4], $0x4000  }
0x7b: {  	[sflag:s4] =	ssyncset.done $0x0  }
0x7c: {  	[sflag:s4] =	ssyncadd.s32 $0xFFFFC000  }
0x7d: {  	[tilespmem:s9], [sflag:$0x1] =	stream.indirect.gather [hbm4b:s3+s10], $0x80, s19, s10, $0xb8;
	[tilespmem:$0x8C00] =	vst v63  }
0x7e: {  	_ =	swait.ge [sflag:s8], $0x4000  }
0x7f: {  	[sflag:s8] =	ssyncset.done $0x0  }
0x80: {  	s0 =	rddreg [dreg:$0xd];
	[sflag:s8] =	ssyncadd.s32 $0xFFFFC000  }
0x81: {  	[hbm4b:s0+s2] =	stream.linear.scatter [tilespmem:s6], [sflag:$0x3], $0x4000, $0x38;
	[tilespmem:$0x8C00] =	vst v63  }
0x82: {  	_ =	swait.ge [sflag:s4], $0x4000  }
0x83: {  	[sflag:s4] =	ssyncset.done $0x0  }
0x84: {  	[sflag:s4] =	ssyncadd.s32 $0xFFFFC000  }
0x85: {  	[tilespmem:s6], [sflag:$0x2] =	stream.indirect.gather [hbm4b:s3+s10], $0x80, s18, s10, $0xb8;
	[tilespmem:$0x8C00] =	vst v63  }
0x86: {  	_ =	swait.ge [sflag:s11], $0x4000  }
0x87: {  	[sflag:s11] =	ssyncset.done $0x0  }
0x88: {  	s0 =	rddreg [dreg:$0xe];
	[sflag:s11] =	ssyncadd.s32 $0xFFFFC000  }
0x89: {  	[hbm4b:s0+s2] =	stream.linear.scatter [tilespmem:s9], [sflag:$0x3], $0x4000, $0x38;
	[tilespmem:$0x8C00] =	vst v63  }
0x8a: {  	_ =	swait.ge [sflag:s4], $0x4000  }
0x8b: {  	[sflag:s4] =	ssyncset.done $0x0  }
0x8c: {  	[sflag:s4] =	ssyncadd.s32 $0xFFFFC000  }
0x8d: {  	[tilespmem:s9], [sflag:$0x1] =	stream.indirect.gather [hbm4b:s3+s10], $0x80, s17, s10, $0xb8;
	[tilespmem:$0x8C00] =	vst v63  }
0x8e: {  	_ =	swait.ge [sflag:s8], $0x4000  }
0x8f: {  	[sflag:s8] =	ssyncset.done $0x0  }
0x90: {  	s0 =	rddreg [dreg:$0xf];
	[sflag:s8] =	ssyncadd.s32 $0xFFFFC000  }
0x91: {  	[hbm4b:s0+s2] =	stream.linear.scatter [tilespmem:s6], [sflag:$0x3], $0x4000, $0x38;
	[tilespmem:$0x8C00] =	vst v63  }
0x92: {  	_ =	swait.ge [sflag:s4], $0x4000  }
0x93: {  	[sflag:s4] =	ssyncset.done $0x0  }
0x94: {  	[sflag:s4] =	ssyncadd.s32 $0xFFFFC000  }
0x95: {  	[tilespmem:s6], [sflag:$0x2] =	stream.indirect.gather [hbm4b:s3+s10], $0x80, s16, s10, $0xb8;
	[tilespmem:$0x8C00] =	vst v63  }
0x96: {  	_ =	swait.ge [sflag:s11], $0x4000  }
0x97: {  	[sflag:s11] =	ssyncset.done $0x0  }
0x98: {  	s0 =	rddreg [dreg:$0x10];
	[sflag:s11] =	ssyncadd.s32 $0xFFFFC000  }
0x99: {  	[hbm4b:s0+s2] =	stream.linear.scatter [tilespmem:s9], [sflag:$0x3], $0x4000, $0x38;
	[tilespmem:$0x8C00] =	vst v63  }
0x9a: {  	_ =	swait.ge [sflag:s4], $0x4000  }
0x9b: {  	[sflag:s4] =	ssyncset.done $0x0  }
0x9c: {  	[sflag:s4] =	ssyncadd.s32 $0xFFFFC000  }
0x9d: {  	[tilespmem:s9], [sflag:$0x1] =	stream.indirect.gather [hbm4b:s3+s10], $0x80, s15, s10, $0xb8;
	[tilespmem:$0x8C00] =	vst v63  }
0x9e: {  	_ =	swait.ge [sflag:s8], $0x4000  }
0x9f: {  	[sflag:s8] =	ssyncset.done $0x0  }
0xa0: {  	s0 =	rddreg [dreg:$0x11];
	[sflag:s8] =	ssyncadd.s32 $0xFFFFC000  }
0xa1: {  	[hbm4b:s0+s2] =	stream.linear.scatter [tilespmem:s6], [sflag:$0x3], $0x4000, $0x38;
	[tilespmem:$0x8C00] =	vst v63  }
0xa2: {  	_ =	swait.ge [sflag:s4], $0x4000  }
0xa3: {  	[sflag:s4] =	ssyncset.done $0x0  }
0xa4: {  	[sflag:s4] =	ssyncadd.s32 $0xFFFFC000  }
0xa5: {  	[tilespmem:s6], [sflag:$0x2] =	stream.indirect.gather [hbm4b:s3+s10], $0x80, s14, s10, $0xb8;
	[tilespmem:$0x8C00] =	vst v63  }
0xa6: {  	_ =	swait.ge [sflag:s11], $0x4000  }
0xa7: {  	[sflag:s11] =	ssyncset.done $0x0  }
0xa8: {  	s0 =	rddreg [dreg:$0x12];
	[sflag:s11] =	ssyncadd.s32 $0xFFFFC000  }
0xa9: {  	[hbm4b:s0+s2] =	stream.linear.scatter [tilespmem:s9], [sflag:$0x3], $0x4000, $0x38;
	[tilespmem:$0x8C00] =	vst v63  }
0xaa: {  	_ =	swait.ge [sflag:s4], $0x4000  }
0xab: {  	[sflag:s4] =	ssyncset.done $0x0  }
0xac: {  	[sflag:s4] =	ssyncadd.s32 $0xFFFFC000  }
0xad: {  	[tilespmem:s9], [sflag:$0x1] =	stream.indirect.gather [hbm4b:s3+s10], $0x80, s13, s10, $0xb8;
	[tilespmem:$0x8C00] =	vst v63  }
0xae: {  	_ =	swait.ge [sflag:s8], $0x4000  }
0xaf: {  	[sflag:s8] =	ssyncset.done $0x0  }
0xb0: {  	s0 =	rddreg [dreg:$0x13];
	[sflag:s8] =	ssyncadd.s32 $0xFFFFC000  }
0xb1: {  	[hbm4b:s0+s2] =	stream.linear.scatter [tilespmem:s6], [sflag:$0x3], $0x4000, $0x38;
	[tilespmem:$0x8C00] =	vst v63  }
0xb2: {  	_ =	swait.ge [sflag:s4], $0x4000  }
0xb3: {  	[sflag:s4] =	ssyncset.done $0x0  }
0xb4: {  	[sflag:s4] =	ssyncadd.s32 $0xFFFFC000  }
0xb5: {  	[tilespmem:s6], [sflag:$0x2] =	stream.indirect.gather [hbm4b:s3+s10], $0x80, s12, s10, $0xb8;
	[tilespmem:$0x8C00] =	vst v63  }
0xb6: {  	_ =	swait.ge [sflag:s11], $0x4000  }
0xb7: {  	[sflag:s11] =	ssyncset.done $0x0  }
0xb8: {  	[sflag:s11] =	ssyncadd.s32 $0xFFFFC000  }
0xb9: {  	[hbm4b:s7+s2] =	stream.linear.scatter [tilespmem:s9], [sflag:$0x3], $0x4000, $0x38;
	[tilespmem:$0x8C00] =	vst v63  }
0xba: {  	_ =	swait.ge [sflag:s4], $0x4000  }
0xbb: {  	[sflag:s4] =	ssyncset.done $0x0  }
0xbc: {  	[sflag:s4] =	ssyncadd.s32 $0xFFFFC000  }
0xbd: {  	p1 =	sne.s32 s1, $0x1;
	_ =	swait.ge [sflag:s8], $0x4000  }
.Ltmp1:
0xbe: {  	[sflag:s8] =	ssyncset.done $0x0;
	(pc) =	sbr.rel @!p1 .LBB2_3-.Ltmp1, $4  }
0xbf: {  	[sflag:s8] =	ssyncadd.s32 $0xFFFFC000  }
0xc0: {  	[hbm4b:s5+s2] =	stream.linear.scatter [tilespmem:s6], [sflag:$0x3], $0x4000, $0x38;
	[tilespmem:$0x8C00] =	vst v63  }
0xc1: {  	s1 =	sadd.s32 $0xFFFFFFFF, s1;
	_ =	swait.ge [sflag:s4], $0x4000  }
0xc2: {  	p0 =	por $0x1, $0x1;
	s0 =	rddreg [dreg:$0x2];
	[sflag:s4] =	ssyncset.done $0x0  }
.LBB2_2:
0xc3: {  	[sflag:s4] =	ssyncadd.s32 $0xFFFFC000  }
0xc4: {  	[tilespmem:s2], [sflag:$0x3] =	stream.linear.gather [hbm4b:s0+s2], $0xA00, $0x38;
	[tilespmem:$0x8C00] =	vst v63  }
0xc5: {  	_ =	swait.ge [sflag:s4], $0xA00  }
0xc6: {  	[sflag:s4] =	ssyncset.done $0x0  }
0xc7: {  	[sflag:s4] =	ssyncadd.s32 $0xFFFFF600  }
0xc8: {  	[tilespmem:s9], [sflag:$0x1] =	stream.indirect.gather [hbm4b:s3+s10], $0x80, s2, s10, $0xb8;
	[tilespmem:$0x8C00] =	vst v63  }
0xc9: {  	_ = 	snop  }
0xca: {  	[tilespmem:s6], [sflag:$0x2] =	stream.indirect.gather [hbm4b:s3+s10], $0x80, s10, s10, $0xb8;
	[tilespmem:$0x8C00] =	vst v63  }
0xcb: {  	_ =	swait.ge [sflag:s11], $0x4000  }
0xcc: {  	[sflag:s11] =	ssyncset.done $0x0  }
0xcd: {  	[sflag:s11] =	ssyncadd.s32 $0xFFFFC000  }
0xce: {  	[hbm4b:s23+s2] =	stream.linear.scatter [tilespmem:s9], [sflag:$0x3], $0x4000, $0x38;
	[tilespmem:$0x8C00] =	vst v63  }
0xcf: {  	_ =	swait.ge [sflag:s4], $0x4000  }
0xd0: {  	[sflag:s4] =	ssyncset.done $0x0  }
0xd1: {  	[sflag:s4] =	ssyncadd.s32 $0xFFFFC000  }
0xd2: {  	[tilespmem:s9], [sflag:$0x1] =	stream.indirect.gather [hbm4b:s3+s10], $0x80, s31, s10, $0xb8;
	[tilespmem:$0x8C00] =	vst v63  }
0xd3: {  	_ =	swait.ge [sflag:s8], $0x4000  }
0xd4: {  	[sflag:s8] =	ssyncset.done $0x0  }
0xd5: {  	s0 =	rddreg [dreg:$0x3];
	[sflag:s8] =	ssyncadd.s32 $0xFFFFC000  }
0xd6: {  	[hbm4b:s0+s2] =	stream.linear.scatter [tilespmem:s6], [sflag:$0x3], $0x4000, $0x38;
	[tilespmem:$0x8C00] =	vst v63  }
0xd7: {  	_ =	swait.ge [sflag:s4], $0x4000  }
0xd8: {  	[sflag:s4] =	ssyncset.done $0x0  }
0xd9: {  	[sflag:s4] =	ssyncadd.s32 $0xFFFFC000  }
0xda: {  	[tilespmem:s6], [sflag:$0x2] =	stream.indirect.gather [hbm4b:s3+s10], $0x80, s30, s10, $0xb8;
	[tilespmem:$0x8C00] =	vst v63  }
0xdb: {  	_ =	swait.ge [sflag:s11], $0x4000  }
0xdc: {  	[sflag:s11] =	ssyncset.done $0x0  }
0xdd: {  	s0 =	rddreg [dreg:$0x4];
	[sflag:s11] =	ssyncadd.s32 $0xFFFFC000  }
0xde: {  	[hbm4b:s0+s2] =	stream.linear.scatter [tilespmem:s9], [sflag:$0x3], $0x4000, $0x38;
	[tilespmem:$0x8C00] =	vst v63  }
0xdf: {  	_ =	swait.ge [sflag:s4], $0x4000  }
0xe0: {  	[sflag:s4] =	ssyncset.done $0x0  }
0xe1: {  	[sflag:s4] =	ssyncadd.s32 $0xFFFFC000  }
0xe2: {  	[tilespmem:s9], [sflag:$0x1] =	stream.indirect.gather [hbm4b:s3+s10], $0x80, s29, s10, $0xb8;
	[tilespmem:$0x8C00] =	vst v63  }
0xe3: {  	_ =	swait.ge [sflag:s8], $0x4000  }
0xe4: {  	[sflag:s8] =	ssyncset.done $0x0  }
0xe5: {  	s0 =	rddreg [dreg:$0x5];
	[sflag:s8] =	ssyncadd.s32 $0xFFFFC000  }
0xe6: {  	[hbm4b:s0+s2] =	stream.linear.scatter [tilespmem:s6], [sflag:$0x3], $0x4000, $0x38;
	[tilespmem:$0x8C00] =	vst v63  }
0xe7: {  	_ =	swait.ge [sflag:s4], $0x4000  }
0xe8: {  	[sflag:s4] =	ssyncset.done $0x0  }
0xe9: {  	[sflag:s4] =	ssyncadd.s32 $0xFFFFC000  }
0xea: {  	[tilespmem:s6], [sflag:$0x2] =	stream.indirect.gather [hbm4b:s3+s10], $0x80, s28, s10, $0xb8;
	[tilespmem:$0x8C00] =	vst v63  }
0xeb: {  	_ =	swait.ge [sflag:s11], $0x4000  }
0xec: {  	[sflag:s11] =	ssyncset.done $0x0  }
0xed: {  	s0 =	rddreg [dreg:$0x6];
	[sflag:s11] =	ssyncadd.s32 $0xFFFFC000  }
0xee: {  	[hbm4b:s0+s2] =	stream.linear.scatter [tilespmem:s9], [sflag:$0x3], $0x4000, $0x38;
	[tilespmem:$0x8C00] =	vst v63  }
0xef: {  	_ =	swait.ge [sflag:s4], $0x4000  }
0xf0: {  	[sflag:s4] =	ssyncset.done $0x0  }
0xf1: {  	[sflag:s4] =	ssyncadd.s32 $0xFFFFC000  }
0xf2: {  	[tilespmem:s9], [sflag:$0x1] =	stream.indirect.gather [hbm4b:s3+s10], $0x80, s26, s10, $0xb8;
	[tilespmem:$0x8C00] =	vst v63  }
0xf3: {  	_ =	swait.ge [sflag:s8], $0x4000  }
0xf4: {  	[sflag:s8] =	ssyncset.done $0x0  }
0xf5: {  	s0 =	rddreg [dreg:$0x7];
	[sflag:s8] =	ssyncadd.s32 $0xFFFFC000  }
0xf6: {  	[hbm4b:s0+s2] =	stream.linear.scatter [tilespmem:s6], [sflag:$0x3], $0x4000, $0x38;
	[tilespmem:$0x8C00] =	vst v63  }
0xf7: {  	_ =	swait.ge [sflag:s4], $0x4000  }
0xf8: {  	[sflag:s4] =	ssyncset.done $0x0  }
0xf9: {  	[sflag:s4] =	ssyncadd.s32 $0xFFFFC000  }
0xfa: {  	[tilespmem:s6], [sflag:$0x2] =	stream.indirect.gather [hbm4b:s3+s10], $0x80, s25, s10, $0xb8;
	[tilespmem:$0x8C00] =	vst v63  }
0xfb: {  	_ =	swait.ge [sflag:s11], $0x4000  }
0xfc: {  	[sflag:s11] =	ssyncset.done $0x0  }
0xfd: {  	s0 =	rddreg [dreg:$0x8];
	[sflag:s11] =	ssyncadd.s32 $0xFFFFC000  }
0xfe: {  	[hbm4b:s0+s2] =	stream.linear.scatter [tilespmem:s9], [sflag:$0x3], $0x4000, $0x38;
	[tilespmem:$0x8C00] =	vst v63  }
0xff: {  	_ =	swait.ge [sflag:s4], $0x4000  }
0x100: {  	[sflag:s4] =	ssyncset.done $0x0  }
0x101: {  	[sflag:s4] =	ssyncadd.s32 $0xFFFFC000  }
0x102: {  	[tilespmem:s9], [sflag:$0x1] =	stream.indirect.gather [hbm4b:s3+s10], $0x80, s24, s10, $0xb8;
	[tilespmem:$0x8C00] =	vst v63  }
0x103: {  	_ =	swait.ge [sflag:s8], $0x4000  }
0x104: {  	[sflag:s8] =	ssyncset.done $0x0  }
0x105: {  	s0 =	rddreg [dreg:$0x9];
	[sflag:s8] =	ssyncadd.s32 $0xFFFFC000  }
0x106: {  	[hbm4b:s0+s2] =	stream.linear.scatter [tilespmem:s6], [sflag:$0x3], $0x4000, $0x38;
	[tilespmem:$0x8C00] =	vst v63  }
0x107: {  	_ =	swait.ge [sflag:s4], $0x4000  }
0x108: {  	[sflag:s4] =	ssyncset.done $0x0  }
0x109: {  	[sflag:s4] =	ssyncadd.s32 $0xFFFFC000  }
0x10a: {  	[tilespmem:s6], [sflag:$0x2] =	stream.indirect.gather [hbm4b:s3+s10], $0x80, s22, s10, $0xb8;
	[tilespmem:$0x8C00] =	vst v63  }
0x10b: {  	_ =	swait.ge [sflag:s11], $0x4000  }
0x10c: {  	[sflag:s11] =	ssyncset.done $0x0  }
0x10d: {  	s0 =	rddreg [dreg:$0xa];
	[sflag:s11] =	ssyncadd.s32 $0xFFFFC000  }
0x10e: {  	[hbm4b:s0+s2] =	stream.linear.scatter [tilespmem:s9], [sflag:$0x3], $0x4000, $0x38;
	[tilespmem:$0x8C00] =	vst v63  }
0x10f: {  	_ =	swait.ge [sflag:s4], $0x4000  }
0x110: {  	[sflag:s4] =	ssyncset.done $0x0  }
0x111: {  	[sflag:s4] =	ssyncadd.s32 $0xFFFFC000  }
0x112: {  	[tilespmem:s9], [sflag:$0x1] =	stream.indirect.gather [hbm4b:s3+s10], $0x80, s21, s10, $0xb8;
	[tilespmem:$0x8C00] =	vst v63  }
0x113: {  	_ =	swait.ge [sflag:s8], $0x4000  }
0x114: {  	[sflag:s8] =	ssyncset.done $0x0  }
0x115: {  	s0 =	rddreg [dreg:$0xb];
	[sflag:s8] =	ssyncadd.s32 $0xFFFFC000  }
0x116: {  	[hbm4b:s0+s2] =	stream.linear.scatter [tilespmem:s6], [sflag:$0x3], $0x4000, $0x38;
	[tilespmem:$0x8C00] =	vst v63  }
0x117: {  	_ =	swait.ge [sflag:s4], $0x4000  }
0x118: {  	[sflag:s4] =	ssyncset.done $0x0  }
0x119: {  	[sflag:s4] =	ssyncadd.s32 $0xFFFFC000  }
0x11a: {  	[tilespmem:s6], [sflag:$0x2] =	stream.indirect.gather [hbm4b:s3+s10], $0x80, s20, s10, $0xb8;
	[tilespmem:$0x8C00] =	vst v63  }
0x11b: {  	_ =	swait.ge [sflag:s11], $0x4000  }
0x11c: {  	[sflag:s11] =	ssyncset.done $0x0  }
0x11d: {  	s0 =	rddreg [dreg:$0xc];
	[sflag:s11] =	ssyncadd.s32 $0xFFFFC000  }
0x11e: {  	[hbm4b:s0+s2] =	stream.linear.scatter [tilespmem:s9], [sflag:$0x3], $0x4000, $0x38;
	[tilespmem:$0x8C00] =	vst v63  }
0x11f: {  	_ =	swait.ge [sflag:s4], $0x4000  }
0x120: {  	[sflag:s4] =	ssyncset.done $0x0  }
0x121: {  	[sflag:s4] =	ssyncadd.s32 $0xFFFFC000  }
0x122: {  	[tilespmem:s9], [sflag:$0x1] =	stream.indirect.gather [hbm4b:s3+s10], $0x80, s19, s10, $0xb8;
	[tilespmem:$0x8C00] =	vst v63  }
0x123: {  	_ =	swait.ge [sflag:s8], $0x4000  }
0x124: {  	[sflag:s8] =	ssyncset.done $0x0  }
0x125: {  	s0 =	rddreg [dreg:$0xd];
	[sflag:s8] =	ssyncadd.s32 $0xFFFFC000  }
0x126: {  	[hbm4b:s0+s2] =	stream.linear.scatter [tilespmem:s6], [sflag:$0x3], $0x4000, $0x38;
	[tilespmem:$0x8C00] =	vst v63  }
0x127: {  	_ =	swait.ge [sflag:s4], $0x4000  }
0x128: {  	[sflag:s4] =	ssyncset.done $0x0  }
0x129: {  	[sflag:s4] =	ssyncadd.s32 $0xFFFFC000  }
0x12a: {  	[tilespmem:s6], [sflag:$0x2] =	stream.indirect.gather [hbm4b:s3+s10], $0x80, s18, s10, $0xb8;
	[tilespmem:$0x8C00] =	vst v63  }
0x12b: {  	_ =	swait.ge [sflag:s11], $0x4000  }
0x12c: {  	[sflag:s11] =	ssyncset.done $0x0  }
0x12d: {  	s0 =	rddreg [dreg:$0xe];
	[sflag:s11] =	ssyncadd.s32 $0xFFFFC000  }
0x12e: {  	[hbm4b:s0+s2] =	stream.linear.scatter [tilespmem:s9], [sflag:$0x3], $0x4000, $0x38;
	[tilespmem:$0x8C00] =	vst v63  }
0x12f: {  	_ =	swait.ge [sflag:s4], $0x4000  }
0x130: {  	[sflag:s4] =	ssyncset.done $0x0  }
0x131: {  	[sflag:s4] =	ssyncadd.s32 $0xFFFFC000  }
0x132: {  	[tilespmem:s9], [sflag:$0x1] =	stream.indirect.gather [hbm4b:s3+s10], $0x80, s17, s10, $0xb8;
	[tilespmem:$0x8C00] =	vst v63  }
0x133: {  	_ =	swait.ge [sflag:s8], $0x4000  }
0x134: {  	[sflag:s8] =	ssyncset.done $0x0  }
0x135: {  	s0 =	rddreg [dreg:$0xf];
	[sflag:s8] =	ssyncadd.s32 $0xFFFFC000  }
0x136: {  	[hbm4b:s0+s2] =	stream.linear.scatter [tilespmem:s6], [sflag:$0x3], $0x4000, $0x38;
	[tilespmem:$0x8C00] =	vst v63  }
0x137: {  	_ =	swait.ge [sflag:s4], $0x4000  }
0x138: {  	[sflag:s4] =	ssyncset.done $0x0  }
0x139: {  	[sflag:s4] =	ssyncadd.s32 $0xFFFFC000  }
0x13a: {  	[tilespmem:s6], [sflag:$0x2] =	stream.indirect.gather [hbm4b:s3+s10], $0x80, s16, s10, $0xb8;
	[tilespmem:$0x8C00] =	vst v63  }
0x13b: {  	_ =	swait.ge [sflag:s11], $0x4000  }
0x13c: {  	[sflag:s11] =	ssyncset.done $0x0  }
0x13d: {  	s0 =	rddreg [dreg:$0x10];
	[sflag:s11] =	ssyncadd.s32 $0xFFFFC000  }
0x13e: {  	[hbm4b:s0+s2] =	stream.linear.scatter [tilespmem:s9], [sflag:$0x3], $0x4000, $0x38;
	[tilespmem:$0x8C00] =	vst v63  }
0x13f: {  	_ =	swait.ge [sflag:s4], $0x4000  }
0x140: {  	[sflag:s4] =	ssyncset.done $0x0  }
0x141: {  	[sflag:s4] =	ssyncadd.s32 $0xFFFFC000  }
0x142: {  	[tilespmem:s9], [sflag:$0x1] =	stream.indirect.gather [hbm4b:s3+s10], $0x80, s15, s10, $0xb8;
	[tilespmem:$0x8C00] =	vst v63  }
0x143: {  	_ =	swait.ge [sflag:s8], $0x4000  }
0x144: {  	[sflag:s8] =	ssyncset.done $0x0  }
0x145: {  	s0 =	rddreg [dreg:$0x11];
	[sflag:s8] =	ssyncadd.s32 $0xFFFFC000  }
0x146: {  	[hbm4b:s0+s2] =	stream.linear.scatter [tilespmem:s6], [sflag:$0x3], $0x4000, $0x38;
	[tilespmem:$0x8C00] =	vst v63  }
0x147: {  	_ =	swait.ge [sflag:s4], $0x4000  }
0x148: {  	[sflag:s4] =	ssyncset.done $0x0  }
0x149: {  	[sflag:s4] =	ssyncadd.s32 $0xFFFFC000  }
0x14a: {  	[tilespmem:s6], [sflag:$0x2] =	stream.indirect.gather [hbm4b:s3+s10], $0x80, s14, s10, $0xb8;
	[tilespmem:$0x8C00] =	vst v63  }
0x14b: {  	_ =	swait.ge [sflag:s11], $0x4000  }
0x14c: {  	[sflag:s11] =	ssyncset.done $0x0  }
0x14d: {  	s0 =	rddreg [dreg:$0x12];
	[sflag:s11] =	ssyncadd.s32 $0xFFFFC000  }
0x14e: {  	[hbm4b:s0+s2] =	stream.linear.scatter [tilespmem:s9], [sflag:$0x3], $0x4000, $0x38;
	[tilespmem:$0x8C00] =	vst v63  }
0x14f: {  	_ =	swait.ge [sflag:s4], $0x4000  }
0x150: {  	[sflag:s4] =	ssyncset.done $0x0  }
0x151: {  	[sflag:s4] =	ssyncadd.s32 $0xFFFFC000  }
0x152: {  	[tilespmem:s9], [sflag:$0x1] =	stream.indirect.gather [hbm4b:s3+s10], $0x80, s13, s10, $0xb8;
	[tilespmem:$0x8C00] =	vst v63  }
0x153: {  	_ =	swait.ge [sflag:s8], $0x4000  }
0x154: {  	[sflag:s8] =	ssyncset.done $0x0  }
0x155: {  	s0 =	rddreg [dreg:$0x13];
	[sflag:s8] =	ssyncadd.s32 $0xFFFFC000  }
0x156: {  	[hbm4b:s0+s2] =	stream.linear.scatter [tilespmem:s6], [sflag:$0x3], $0x4000, $0x38;
	[tilespmem:$0x8C00] =	vst v63  }
0x157: {  	_ =	swait.ge [sflag:s4], $0x4000  }
0x158: {  	[sflag:s4] =	ssyncset.done $0x0  }
0x159: {  	[sflag:s4] =	ssyncadd.s32 $0xFFFFC000  }
0x15a: {  	[tilespmem:s6], [sflag:$0x2] =	stream.indirect.gather [hbm4b:s3+s10], $0x80, s12, s10, $0xb8;
	[tilespmem:$0x8C00] =	vst v63  }
0x15b: {  	_ =	swait.ge [sflag:s11], $0x4000  }
0x15c: {  	[sflag:s11] =	ssyncset.done $0x0  }
0x15d: {  	[sflag:s11] =	ssyncadd.s32 $0xFFFFC000  }
0x15e: {  	[hbm4b:s7+s2] =	stream.linear.scatter [tilespmem:s9], [sflag:$0x3], $0x4000, $0x38;
	[tilespmem:$0x8C00] =	vst v63  }
0x15f: {  	_ =	swait.ge [sflag:s4], $0x4000  }
0x160: {  	[sflag:s4] =	ssyncset.done $0x0  }
0x161: {  	[sflag:s4] =	ssyncadd.s32 $0xFFFFC000  }
0x162: {  	p1 =	sne.s32 s1, $0x1;
	_ =	swait.ge [sflag:s8], $0x4000  }
.Ltmp2:
0x163: {  	[sflag:s8] =	ssyncset.done $0x0;
	(pc) =	sbr.rel @p1 .LBB2_2-.Ltmp2, $4  }
0x164: {  	[sflag:s8] =	ssyncadd.s32 $0xFFFFC000  }
0x165: {  	[hbm4b:s5+s2] =	stream.linear.scatter [tilespmem:s6], [sflag:$0x3], $0x4000, $0x38;
	[tilespmem:$0x8C00] =	vst v63  }
0x166: {  	_ =	swait.ge [sflag:s4], $0x4000  }
0x167: {  	s1 =	sadd.s32 $0xFFFFFFFF, s1;
	s0 =	rddreg [dreg:$0x2];
	[sflag:s4] =	ssyncset.done $0x0  }
.LBB2_3:
0x168: {  	[sflag:s4] =	ssyncadd.s32 @p0 $0xFFFFC000  }
0x169: {  	[tilespmem:s2], [sflag:$0x3] =	stream.linear.gather [hbm4b:s0+s2], $0xA00, $0x38;
	[tilespmem:$0x8C00] =	vst v63  }
0x16a: {  	_ =	swait.ge [sflag:s4], $0xA00  }
0x16b: {  	[sflag:s4] =	ssyncset.done $0x0  }
0x16c: {  	[sflag:s4] =	ssyncadd.s32 $0xFFFFF600  }
0x16d: {  	[tilespmem:s9], [sflag:$0x1] =	stream.indirect.gather [hbm4b:s3+s10], $0x80, s2, s10, $0xb8;
	[tilespmem:$0x8C00] =	vst v63  }
0x16e: {  	_ = 	snop  }
0x16f: {  	[tilespmem:s6], [sflag:$0x2] =	stream.indirect.gather [hbm4b:s3+s10], $0x80, s10, s10, $0xb8;
	[tilespmem:$0x8C00] =	vst v63  }
0x170: {  	_ =	swait.ge [sflag:s11], $0x4000  }
0x171: {  	[sflag:s11] =	ssyncset.done $0x0  }
0x172: {  	[sflag:s11] =	ssyncadd.s32 $0xFFFFC000  }
0x173: {  	[hbm4b:s23+s2] =	stream.linear.scatter [tilespmem:s9], [sflag:$0x3], $0x4000, $0x38;
	[tilespmem:$0x8C00] =	vst v63  }
0x174: {  	_ =	swait.ge [sflag:s4], $0x4000  }
0x175: {  	[sflag:s4] =	ssyncset.done $0x0  }
0x176: {  	[sflag:s4] =	ssyncadd.s32 $0xFFFFC000  }
0x177: {  	[tilespmem:s9], [sflag:$0x1] =	stream.indirect.gather [hbm4b:s3+s10], $0x80, s31, s10, $0xb8;
	[tilespmem:$0x8C00] =	vst v63  }
0x178: {  	_ =	swait.ge [sflag:s8], $0x4000  }
0x179: {  	[sflag:s8] =	ssyncset.done $0x0  }
0x17a: {  	s31 =	rddreg [dreg:$0x3];
	[sflag:s8] =	ssyncadd.s32 $0xFFFFC000  }
0x17b: {  	[hbm4b:s31+s2] =	stream.linear.scatter [tilespmem:s6], [sflag:$0x3], $0x4000, $0x38;
	[tilespmem:$0x8C00] =	vst v63  }
0x17c: {  	_ =	swait.ge [sflag:s4], $0x4000  }
0x17d: {  	[sflag:s4] =	ssyncset.done $0x0  }
0x17e: {  	[sflag:s4] =	ssyncadd.s32 $0xFFFFC000  }
0x17f: {  	[tilespmem:s6], [sflag:$0x2] =	stream.indirect.gather [hbm4b:s3+s10], $0x80, s30, s10, $0xb8;
	[tilespmem:$0x8C00] =	vst v63  }
0x180: {  	_ =	swait.ge [sflag:s11], $0x4000  }
0x181: {  	[sflag:s11] =	ssyncset.done $0x0  }
0x182: {  	s1 =	rddreg [dreg:$0x4];
	[sflag:s11] =	ssyncadd.s32 $0xFFFFC000  }
0x183: {  	[hbm4b:s1+s2] =	stream.linear.scatter [tilespmem:s9], [sflag:$0x3], $0x4000, $0x38;
	[tilespmem:$0x8C00] =	vst v63  }
0x184: {  	_ =	swait.ge [sflag:s4], $0x4000  }
0x185: {  	[sflag:s4] =	ssyncset.done $0x0  }
0x186: {  	[sflag:s4] =	ssyncadd.s32 $0xFFFFC000  }
0x187: {  	[tilespmem:s9], [sflag:$0x1] =	stream.indirect.gather [hbm4b:s3+s10], $0x80, s29, s10, $0xb8;
	[tilespmem:$0x8C00] =	vst v63  }
0x188: {  	_ =	swait.ge [sflag:s8], $0x4000  }
0x189: {  	[sflag:s8] =	ssyncset.done $0x0  }
0x18a: {  	s23 =	rddreg [dreg:$0x5];
	[sflag:s8] =	ssyncadd.s32 $0xFFFFC000  }
0x18b: {  	[hbm4b:s23+s2] =	stream.linear.scatter [tilespmem:s6], [sflag:$0x3], $0x4000, $0x38;
	[tilespmem:$0x8C00] =	vst v63  }
0x18c: {  	_ =	swait.ge [sflag:s4], $0x4000  }
0x18d: {  	[sflag:s4] =	ssyncset.done $0x0  }
0x18e: {  	[sflag:s4] =	ssyncadd.s32 $0xFFFFC000  }
0x18f: {  	[tilespmem:s6], [sflag:$0x2] =	stream.indirect.gather [hbm4b:s3+s10], $0x80, s28, s10, $0xb8;
	[tilespmem:$0x8C00] =	vst v63  }
0x190: {  	_ =	swait.ge [sflag:s11], $0x4000  }
0x191: {  	[sflag:s11] =	ssyncset.done $0x0  }
0x192: {  	s28 =	rddreg [dreg:$0x6];
	[sflag:s11] =	ssyncadd.s32 $0xFFFFC000  }
0x193: {  	[hbm4b:s28+s2] =	stream.linear.scatter [tilespmem:s9], [sflag:$0x3], $0x4000, $0x38;
	[tilespmem:$0x8C00] =	vst v63  }
0x194: {  	_ =	swait.ge [sflag:s4], $0x4000  }
0x195: {  	[sflag:s4] =	ssyncset.done $0x0  }
0x196: {  	[sflag:s4] =	ssyncadd.s32 $0xFFFFC000  }
0x197: {  	[tilespmem:s9], [sflag:$0x1] =	stream.indirect.gather [hbm4b:s3+s10], $0x80, s26, s10, $0xb8;
	[tilespmem:$0x8C00] =	vst v63  }
0x198: {  	_ =	swait.ge [sflag:s8], $0x4000  }
0x199: {  	[sflag:s8] =	ssyncset.done $0x0  }
0x19a: {  	s29 =	rddreg [dreg:$0x7];
	[sflag:s8] =	ssyncadd.s32 $0xFFFFC000  }
0x19b: {  	[hbm4b:s29+s2] =	stream.linear.scatter [tilespmem:s6], [sflag:$0x3], $0x4000, $0x38;
	[tilespmem:$0x8C00] =	vst v63  }
0x19c: {  	_ =	swait.ge [sflag:s4], $0x4000  }
0x19d: {  	[sflag:s4] =	ssyncset.done $0x0  }
0x19e: {  	[sflag:s4] =	ssyncadd.s32 $0xFFFFC000  }
0x19f: {  	[tilespmem:s6], [sflag:$0x2] =	stream.indirect.gather [hbm4b:s3+s10], $0x80, s25, s10, $0xb8;
	[tilespmem:$0x8C00] =	vst v63  }
0x1a0: {  	_ =	swait.ge [sflag:s11], $0x4000  }
0x1a1: {  	[sflag:s11] =	ssyncset.done $0x0  }
0x1a2: {  	s30 =	rddreg [dreg:$0x8];
	[sflag:s11] =	ssyncadd.s32 $0xFFFFC000  }
0x1a3: {  	[hbm4b:s30+s2] =	stream.linear.scatter [tilespmem:s9], [sflag:$0x3], $0x4000, $0x38;
	[tilespmem:$0x8C00] =	vst v63  }
0x1a4: {  	_ =	swait.ge [sflag:s4], $0x4000  }
0x1a5: {  	[sflag:s4] =	ssyncset.done $0x0  }
0x1a6: {  	[sflag:s4] =	ssyncadd.s32 $0xFFFFC000  }
0x1a7: {  	[tilespmem:s9], [sflag:$0x1] =	stream.indirect.gather [hbm4b:s3+s10], $0x80, s24, s10, $0xb8;
	[tilespmem:$0x8C00] =	vst v63  }
0x1a8: {  	_ =	swait.ge [sflag:s8], $0x4000  }
0x1a9: {  	[sflag:s8] =	ssyncset.done $0x0  }
0x1aa: {  	s31 =	rddreg [dreg:$0x9];
	[sflag:s8] =	ssyncadd.s32 $0xFFFFC000  }
0x1ab: {  	[hbm4b:s31+s2] =	stream.linear.scatter [tilespmem:s6], [sflag:$0x3], $0x4000, $0x38;
	[tilespmem:$0x8C00] =	vst v63  }
0x1ac: {  	_ =	swait.ge [sflag:s4], $0x4000  }
0x1ad: {  	[sflag:s4] =	ssyncset.done $0x0  }
0x1ae: {  	[sflag:s4] =	ssyncadd.s32 $0xFFFFC000  }
0x1af: {  	[tilespmem:s6], [sflag:$0x2] =	stream.indirect.gather [hbm4b:s3+s10], $0x80, s22, s10, $0xb8;
	[tilespmem:$0x8C00] =	vst v63  }
0x1b0: {  	_ =	swait.ge [sflag:s11], $0x4000  }
0x1b1: {  	[sflag:s11] =	ssyncset.done $0x0  }
0x1b2: {  	s1 =	rddreg [dreg:$0xa];
	[sflag:s11] =	ssyncadd.s32 $0xFFFFC000  }
0x1b3: {  	[hbm4b:s1+s2] =	stream.linear.scatter [tilespmem:s9], [sflag:$0x3], $0x4000, $0x38;
	[tilespmem:$0x8C00] =	vst v63  }
0x1b4: {  	_ =	swait.ge [sflag:s4], $0x4000  }
0x1b5: {  	[sflag:s4] =	ssyncset.done $0x0  }
0x1b6: {  	[sflag:s4] =	ssyncadd.s32 $0xFFFFC000  }
0x1b7: {  	[tilespmem:s9], [sflag:$0x1] =	stream.indirect.gather [hbm4b:s3+s10], $0x80, s21, s10, $0xb8;
	[tilespmem:$0x8C00] =	vst v63  }
0x1b8: {  	_ =	swait.ge [sflag:s8], $0x4000  }
0x1b9: {  	[sflag:s8] =	ssyncset.done $0x0  }
0x1ba: {  	s21 =	rddreg [dreg:$0xb];
	[sflag:s8] =	ssyncadd.s32 $0xFFFFC000  }
0x1bb: {  	[hbm4b:s21+s2] =	stream.linear.scatter [tilespmem:s6], [sflag:$0x3], $0x4000, $0x38;
	[tilespmem:$0x8C00] =	vst v63  }
0x1bc: {  	_ =	swait.ge [sflag:s4], $0x4000  }
0x1bd: {  	[sflag:s4] =	ssyncset.done $0x0  }
0x1be: {  	[sflag:s4] =	ssyncadd.s32 $0xFFFFC000  }
0x1bf: {  	[tilespmem:s6], [sflag:$0x2] =	stream.indirect.gather [hbm4b:s3+s10], $0x80, s20, s10, $0xb8;
	[tilespmem:$0x8C00] =	vst v63  }
0x1c0: {  	_ =	swait.ge [sflag:s11], $0x4000  }
0x1c1: {  	[sflag:s11] =	ssyncset.done $0x0  }
0x1c2: {  	s22 =	rddreg [dreg:$0xc];
	[sflag:s11] =	ssyncadd.s32 $0xFFFFC000  }
0x1c3: {  	[hbm4b:s22+s2] =	stream.linear.scatter [tilespmem:s9], [sflag:$0x3], $0x4000, $0x38;
	[tilespmem:$0x8C00] =	vst v63  }
0x1c4: {  	_ =	swait.ge [sflag:s4], $0x4000  }
0x1c5: {  	[sflag:s4] =	ssyncset.done $0x0  }
0x1c6: {  	[sflag:s4] =	ssyncadd.s32 $0xFFFFC000  }
0x1c7: {  	[tilespmem:s9], [sflag:$0x1] =	stream.indirect.gather [hbm4b:s3+s10], $0x80, s19, s10, $0xb8;
	[tilespmem:$0x8C00] =	vst v63  }
0x1c8: {  	_ =	swait.ge [sflag:s8], $0x4000  }
0x1c9: {  	[sflag:s8] =	ssyncset.done $0x0  }
0x1ca: {  	s23 =	rddreg [dreg:$0xd];
	[sflag:s8] =	ssyncadd.s32 $0xFFFFC000  }
0x1cb: {  	[hbm4b:s23+s2] =	stream.linear.scatter [tilespmem:s6], [sflag:$0x3], $0x4000, $0x38;
	[tilespmem:$0x8C00] =	vst v63  }
0x1cc: {  	_ =	swait.ge [sflag:s4], $0x4000  }
0x1cd: {  	[sflag:s4] =	ssyncset.done $0x0  }
0x1ce: {  	[sflag:s4] =	ssyncadd.s32 $0xFFFFC000  }
0x1cf: {  	[tilespmem:s6], [sflag:$0x2] =	stream.indirect.gather [hbm4b:s3+s10], $0x80, s18, s10, $0xb8;
	[tilespmem:$0x8C00] =	vst v63  }
0x1d0: {  	_ =	swait.ge [sflag:s11], $0x4000  }
0x1d1: {  	[sflag:s11] =	ssyncset.done $0x0  }
0x1d2: {  	s24 =	rddreg [dreg:$0xe];
	[sflag:s11] =	ssyncadd.s32 $0xFFFFC000  }
0x1d3: {  	[hbm4b:s24+s2] =	stream.linear.scatter [tilespmem:s9], [sflag:$0x3], $0x4000, $0x38;
	[tilespmem:$0x8C00] =	vst v63  }
0x1d4: {  	_ =	swait.ge [sflag:s4], $0x4000  }
0x1d5: {  	[sflag:s4] =	ssyncset.done $0x0  }
0x1d6: {  	[sflag:s4] =	ssyncadd.s32 $0xFFFFC000  }
0x1d7: {  	[tilespmem:s9], [sflag:$0x1] =	stream.indirect.gather [hbm4b:s3+s10], $0x80, s17, s10, $0xb8;
	[tilespmem:$0x8C00] =	vst v63  }
0x1d8: {  	_ =	swait.ge [sflag:s8], $0x4000  }
0x1d9: {  	[sflag:s8] =	ssyncset.done $0x0  }
0x1da: {  	s25 =	rddreg [dreg:$0xf];
	[sflag:s8] =	ssyncadd.s32 $0xFFFFC000  }
0x1db: {  	[hbm4b:s25+s2] =	stream.linear.scatter [tilespmem:s6], [sflag:$0x3], $0x4000, $0x38;
	[tilespmem:$0x8C00] =	vst v63  }
0x1dc: {  	_ =	swait.ge [sflag:s4], $0x4000  }
0x1dd: {  	[sflag:s4] =	ssyncset.done $0x0  }
0x1de: {  	[sflag:s4] =	ssyncadd.s32 $0xFFFFC000  }
0x1df: {  	[tilespmem:s6], [sflag:$0x2] =	stream.indirect.gather [hbm4b:s3+s10], $0x80, s16, s10, $0xb8;
	[tilespmem:$0x8C00] =	vst v63  }
0x1e0: {  	_ =	swait.ge [sflag:s11], $0x4000  }
0x1e1: {  	[sflag:s11] =	ssyncset.done $0x0  }
0x1e2: {  	s26 =	rddreg [dreg:$0x10];
	[sflag:s11] =	ssyncadd.s32 $0xFFFFC000  }
0x1e3: {  	[hbm4b:s26+s2] =	stream.linear.scatter [tilespmem:s9], [sflag:$0x3], $0x4000, $0x38;
	[tilespmem:$0x8C00] =	vst v63  }
0x1e4: {  	_ =	swait.ge [sflag:s4], $0x4000  }
0x1e5: {  	[sflag:s4] =	ssyncset.done $0x0  }
0x1e6: {  	[sflag:s4] =	ssyncadd.s32 $0xFFFFC000  }
0x1e7: {  	[tilespmem:s9], [sflag:$0x1] =	stream.indirect.gather [hbm4b:s3+s10], $0x80, s15, s10, $0xb8;
	[tilespmem:$0x8C00] =	vst v63  }
0x1e8: {  	_ =	swait.ge [sflag:s8], $0x4000  }
0x1e9: {  	[sflag:s8] =	ssyncset.done $0x0  }
0x1ea: {  	s28 =	rddreg [dreg:$0x11];
	[sflag:s8] =	ssyncadd.s32 $0xFFFFC000  }
0x1eb: {  	[hbm4b:s28+s2] =	stream.linear.scatter [tilespmem:s6], [sflag:$0x3], $0x4000, $0x38;
	[tilespmem:$0x8C00] =	vst v63  }
0x1ec: {  	_ =	swait.ge [sflag:s4], $0x4000  }
0x1ed: {  	[sflag:s4] =	ssyncset.done $0x0  }
0x1ee: {  	[sflag:s4] =	ssyncadd.s32 $0xFFFFC000  }
0x1ef: {  	[tilespmem:s6], [sflag:$0x2] =	stream.indirect.gather [hbm4b:s3+s10], $0x80, s14, s10, $0xb8;
	[tilespmem:$0x8C00] =	vst v63  }
0x1f0: {  	_ =	swait.ge [sflag:s11], $0x4000  }
0x1f1: {  	[sflag:s11] =	ssyncset.done $0x0  }
0x1f2: {  	s29 =	rddreg [dreg:$0x12];
	[sflag:s11] =	ssyncadd.s32 $0xFFFFC000  }
0x1f3: {  	[hbm4b:s29+s2] =	stream.linear.scatter [tilespmem:s9], [sflag:$0x3], $0x4000, $0x38;
	[tilespmem:$0x8C00] =	vst v63  }
0x1f4: {  	_ =	swait.ge [sflag:s4], $0x4000  }
0x1f5: {  	[sflag:s4] =	ssyncset.done $0x0  }
0x1f6: {  	[sflag:s4] =	ssyncadd.s32 $0xFFFFC000  }
0x1f7: {  	[tilespmem:s9], [sflag:$0x1] =	stream.indirect.gather [hbm4b:s3+s10], $0x80, s13, s10, $0xb8;
	[tilespmem:$0x8C00] =	vst v63  }
0x1f8: {  	_ =	swait.ge [sflag:s8], $0x4000  }
0x1f9: {  	[sflag:s8] =	ssyncset.done $0x0  }
0x1fa: {  	s30 =	rddreg [dreg:$0x13];
	[sflag:s8] =	ssyncadd.s32 $0xFFFFC000  }
0x1fb: {  	[hbm4b:s30+s2] =	stream.linear.scatter [tilespmem:s6], [sflag:$0x3], $0x4000, $0x38;
	[tilespmem:$0x8C00] =	vst v63  }
0x1fc: {  	_ =	swait.ge [sflag:s4], $0x4000  }
0x1fd: {  	[sflag:s4] =	ssyncset.done $0x0  }
0x1fe: {  	[sflag:s4] =	ssyncadd.s32 $0xFFFFC000  }
0x1ff: {  	[tilespmem:s6], [sflag:$0x2] =	stream.indirect.gather [hbm4b:s3+s10], $0x80, s12, s10, $0xb8;
	[tilespmem:$0x8C00] =	vst v63  }
0x200: {  	_ =	swait.ge [sflag:s11], $0x4000  }
0x201: {  	[sflag:s11] =	ssyncset.done $0x0  }
0x202: {  	[sflag:s11] =	ssyncadd.s32 $0xFFFFC000  }
0x203: {  	[hbm4b:s7+s2] =	stream.linear.scatter [tilespmem:s9], [sflag:$0x3], $0x4000, $0x38;
	[tilespmem:$0x8C00] =	vst v63  }
0x204: {  	_ =	swait.ge [sflag:s4], $0x4000  }
0x205: {  	[sflag:s4] =	ssyncset.done $0x0  }
0x206: {  	[sflag:s4] =	ssyncadd.s32 $0xFFFFC000  }
0x207: {  	_ =	swait.ge [sflag:s8], $0x4000  }
0x208: {  	[sflag:s8] =	ssyncset.done $0x0  }
0x209: {  	[sflag:s8] =	ssyncadd.s32 $0xFFFFC000  }
0x20a: {  	[hbm4b:s5+s2] =	stream.linear.scatter [tilespmem:s6], [sflag:$0x3], $0x4000, $0x38;
	[tilespmem:$0x8C00] =	vst v63  }
0x20b: {  	_ =	swait.ge [sflag:s4], $0x4000  }
0x20c: {  	[sflag:s4] =	ssyncset.done $0x0  }
0x20d: {  	[sflag:s4] =	ssyncadd.s32 $0xFFFFC000  }
0x20e: {  	_ =	sfence.sel $0x180000  }
0x20f: {  	[bflag:$0x0] =	sbarrier.arrive $0xFFFF  }
0x210: {  	_ =	strace $0x90000047  }
0x211: {  	s31 =	stileid.u32;
	[bflag:$0x2] =	sbarrier.arrive $0xFFFF  }
0x212: {  	p0 =	sne.s32 s31, $0x0;
	s0 =	rddreg [dreg:$0x1]  }
0x213: {  	s0 =	sadd.s32 @!p0 $0x100000, s0  }
0x214: {  	[sflag:s0] =	ssyncadd.tile.s32 @!p0 $0x1;
	_ =	shalt  }
.Lfunc_end2:
_tile_overlayer_lowered:
.L_overlay_start_2:
0x215: {  	(tag) =	ssettag $0x2  }
0x216: {  	s0 =	rddreg [dreg:$0x0];
	s2 =	stileid.u32  }
0x217: {  	s1 =	rddreg [dreg:$0x1];
	p0 =	sne.s32 s2, $0x0  }
0x218: {  	s3 =	rddreg [dreg:$0x2];
	[bflag:$0x3] =	sbarrier.arrive $0xFFFF;
	s2 =	simm.s32 @!p0 $0x1C03  }
0x219: {  	[timem:s3], [sflag:s2] =	dma.local @!p0 [hbm:s0], s1  }
0x21a: {  	s0 =	simm.s32 @!p0 $0x3  }
0x21b: {  	_ =	swait.ge @!p0 [sflag:s0], s1  }
0x21c: {  	s1 =	ssub.s32 @!p0 $0x0, s1;
	[sflag:s0] =	ssyncset.done @!p0 $0x0  }
0x21d: {  	[sflag:s0] =	ssyncadd.s32 @!p0 s1  }
0x21e: {  	[bflag:$0x3] =	sbarrier.arrive $0xFFFF  }
0x21f: {  	_ =	shalt  }

// kernel: sparse-core-data-format-call.cloned.1.call-start
scs
called_computation_lowered:
.L_overlay_start_0:
0x0: {  	s2 =	sld [smem:$0x3FD9]  }
0x1: {  	s3 =	sld [smem:$0x3FFE];
	_ =	sdelay $0x1  }
0x2: {  	s1 =	srdreg.scid  }
0x3: {  	s0 =	sand.u32 $0x1, s1  }
0x4: {  	s18 =	sshll.u32 s0, $0xA;
	s2 =	sadd.s32 s3, s2  }
0x5: {  	s2 =	sadd.s32 s2, s18  }
0x6: {  	[smem:$0x3FC4] =	sst s2  }
0x7: {  	_ = 	snop  }
0x8: {  	s2 =	sld [smem:$0x3FD0];
	(tm) =	ssettm $0x1  }
0x9: {  	s19 =	sld [smem:$0x3FFB];
	_ =	sdelay $0x3  }
0xa: {  	_ =	strace s19  }
0xb: {  	s3 =	sld [smem:$0x3FFC];
	_ =	sdelay $0x3  }
0xc: {  	_ =	strace s3  }
0xd: {  	s3 =	sld [smem:$0x3FFD];
	_ =	sdelay $0x3  }
0xe: {  	_ =	strace s3  }
0xf: {  	_ =	strace $0x8FFFFFFF  }
0x10: {  	s20 =	sld [smem:$0x3FDB];
	_ =	sdelay $0x1  }
0x11: {  	s4 =	simm.s32 $_scs_section_size  }
0x12: {  	s5 =	simm.s32 $_size__tile_overlayer_lowered;
	s6 =	simm.s32 $_tile_overlayer_lowered  }
0x13: {  	s23 =	simm.s32 $0x1BFF;
	s22 =	sshll.u32 s6, $0x1;
	s3 =	sadd.s32 s4, s20  }
0x14: {  	s7 =	simm.s32 $0x0;
	s21 =	sshll.u32 s5, $0x1;
	s5 =	sadd.s32 s22, s3  }
0x15: {  	[timem:s7], [sflag:s23] =	dma.local [hbm:s5], s21  }
0x16: {  	_ =	swait.ge [sflag:s23], s21  }
0x17: {  	s4 =	ssub.s32 $0x0, s21;
	[sflag:s23] =	ssyncset.done $0x0  }
0x18: {  	[sflag:s23] =	ssyncadd.s32 s4;
	_ =	sdelay $0x1  }
0x19: {  	s24 =	simm.s32 $0x1B8B  }
0x1a: {  	_ =	swait.ge [sflag:s24], $0x1  }
0x1b: {  	[sflag:s24] =	ssyncset.done $0x0  }
0x1c: {  	s26 =	simm.s32 $0x1B8E;
	s25 =	sld [smem:$0x3FFE];
	[sflag:s24] =	ssyncadd.s32 $0xFFFFFFFF  }
0x1d: {  	s27 =	simm.s32 $execute0_lowered;
	[smem:$0x3FD2] =	sst s26  }
0x1e: {  	s5 =	sshll.u32 s27, $0x1;
	_ =	strace $0x80000049;
	[dreg:$0x1] =	wrdreg $0xFFFFFFFF  }
0x1f: {  	s28 =	simm.s32 $_size_execute0_lowered;
	s3 =	sadd.s32 s3, s5;
	[dreg:$0x0] =	wrdreg $0x0  }
0x20: {  	s5 =	sshll.u32 s28, $0x1;
	[dreg:$0x2] =	wrdreg s3  }
0x21: {  	[dreg:$0x3] =	wrdreg s5  }
0x22: {  	[dreg:$0x4] =	wrdreg $0xC0  }
0x23: {  	_ =	task [dreg:s7], $0x5FFFF  }
0x24: {  	[dreg:$0x1] =	wrdreg $0xFFFFFFFF  }
0x25: {  	[dreg:$0x0] =	wrdreg $0x60  }
0x26: {  	[dreg:$0x2] =	wrdreg s25  }
0x27: {  	[dreg:$0x3] =	wrdreg s2  }
0x28: {  	[dreg:$0x4] =	wrdreg $0x9  }
0x29: {  	_ =	task.clear_ibuf [dreg:s7], $0x5FFFF;
	_ =	strace $0x90000049  }
0x2a: {  	s29 =	simm.s32 $0x9;
	_ =	strace $0x8000004B  }
0x2b: {  	_ =	swait.ge [sflag:s29], $0x1  }
0x2c: {  	[sflag:s29] =	ssyncadd.s32 $0xFFFFFFFF  }
0x2d: {  	_ =	strace $0x9000004B  }
0x2e: {  	_ =	sfence  }
0x2f: {  	s30 =	sld [smem:$0x0];
	_ =	sdelay $0x2  }
0x30: {  	s31 =	sshll.u32 s1, $0xD;
	s1 =	sshrl.u32 s1, $0x2  }
0x31: {  	s3 =	sand.u32 $0x4000, s31;
	s1 =	sadd.s32 s1, s30  }
0x32: {  	s0 =	sor.u32 s3, s0;
	s1 =	sshll.u32 s1, $0x11  }
0x33: {  	s0 =	sor.u32 s1, s0  }
0x34: {  	s0 =	sadd.s32 $0x8F2B, s0  }
0x35: {  	[sflag:s0] =	ssyncadd.remote.s32 $0x1  }
0x36: {  	_ =	sfence.sel $0xFFFF  }
0x37: {  	[dreg:$0x0] =	wrdreg $0xFFFFFFFF;
	(pc) =	sbr.abs _section_cstart, $3  }
0x38: {  	[dreg:$0x1] =	wrdreg $0xFFFFFFFF  }
0x39: {  	_ =	task.clear_ibuf [dreg:s7], $0x2FFFF;
	_ =	strace $0x9FFFFFFF  }
0x3a: {  	(tm) =	ssettm $0x7FFFFFFF  }
0x3b: {  	_ =	shalt  }
tec
execute0_lowered:
.L_overlay_start_1:
0x0: {  	(tag) =	ssettag $0x1  }
0x1: {  	s0 =	srdreg.scid  }
0x2: {  	s1 =	sshll.u32 s0, $0x4  }
0x3: {  	s6 =	rddreg [dreg:$0x0];
	s0 =	stileid.u32;
	s1 =	sand.u32 $0x10, s1  }
0x4: {  	s3 =	rddreg [dreg:$0x1];
	s1 =	sor.u32 s0, s1  }
0x5: {  	s5 =	simm.s32 $0x1;
	s31 =	simm.s32 $0x2;
	s2 =	sshll.u32 s1, $0x7  }
0x6: {  	s15 =	simm.s32 $0x0;
	s8 =	simm.s32 $0x8000;
	s4 =	ssub.s32 $0x1000, s2  }
0x7: {  	s14 =	simm.s32 $0x0;
	s9 =	simm.s32 $0x0;
	s30 =	sand.u32 $0xF80, s4  }
0x8: {  	s10 =	simm.s32 $0x0;
	s11 =	simm.s32 $0x0;
	p0 =	sne.s32 s30, $0x0  }
.Ltmp0:
0x9: {  	s7 =	sshrl.u32 s4, $0xC;
	s5 =	simm.s32 @!p0 $0x0;
	(pc) =	sbr.rel .LBB1_1-.Ltmp0, $4  }
0xa: {  	s13 =	simm.s32 $0x0;
	s1 =	rddreg [dreg:$0x2];
	s5 =	sadd.s32 s5, s7  }
0xb: {  	_ =	strace $0x8000004A;
	s4 =	simm.s32 $0x1;
	s5 =	smul.u32 $0x30E, s5  }
0xc: {  	s6 =	sadd.s32 $0x346DA00, s6;
	s12 =	smov.u32 s2;
	[sflag:s4] =	ssyncpa.u1 $0x0  }
0xd: {  	[sflag:s31] =	ssyncpa.u1 $0x0;
	p0 =	por $0x0, $0x0;
	s7 =	sor.u32 $0x1, s5  }
.LBB1_4:
0xe: {  	s20 =	sshra.s32 s20, $0x2;
	s27 =	sshll.u32 s9, $0xC  }
0xf: {  	s21 =	sand.u32 $0x78, s10;
	s22 =	sshll.u32 s10, $0x3;
	s24 =	sshll.u32 s9, $0x7  }
0x10: {  	p1 =	sgt.s32 s9, $0x18620;
	s30 =	sshra.s32 s9, $0x1F;
	s25 =	sshra.s32 s10, $0x1F  }
0x11: {  	s19 =	sadd.s32 s20, s19;
	s20 =	sand.u32 $0xFFFF8000, s27;
	s23 =	sand.u32 $0xFFFFFC00, s22  }
0x12: {  	v5 =	vld [tilespmem:s17+$0xFFFFFFD0];
	[tilespmem:s18+$0x2040 ss:$0x81] =	vst.msk $0xffff, v4;
	s22 =	sand.u32 $0xC00, s22;
	s28 =	sand.u32 $0x380, s24;
	s31 =	sand.u32 s30, s9  }
0x13: {  	v58 =	vld [tilespmem:s17+$0xFFFFFFE0];
	[tilespmem:s18+$0x2850 ss:$0x81] =	vst.msk $0xffff, v3;
	s24 =	smov.u32 s10;
	s25 =	sand.u32 s25, s10;
	s21 =	sor.u32 s21, s22  }
0x14: {  	v59 =	vld [tilespmem:s17+$0xFFFFFFF0];
	[tilespmem:s18+$0x3060 ss:$0x81] =	vst.msk $0xffff, v2;
	s20 =	sadd.s32 s23, s20;
	s22 =	smov.u32 s9;
	s21 =	sor.u32 s28, s21  }
0x15: {  	v60 =	vld [tilespmem:s17+$0x0];
	[tilespmem:s18+$0x0 ss:$0x81] =	vst.msk $0xffff, v1;
	s20 =	sshrl.u32 s20, $0xC;
	s22 =	simm.s32 @!p1 $0x18620;
	p1 =	sgt.s32 s10, $0xF80  }
0x16: {  	v61 =	vld [tilespmem:s17+$0x10];
	[tilespmem:s19+$0x3870 ss:$0x81] =	vst.msk $0xffff, v0;
	s29 =	smulhi.u32 $0xA7C5B, s20;
	s18 =	ssub.s32 s22, s31;
	s24 =	simm.s32 @!p1 $0xF80  }
0x17: {  	v62 =	vld [tilespmem:s17+$0x20];
	[tilespmem:s19+$0x810 ss:$0x81] =	vst.msk $0xffff, v5;
	s22 =	ssub.s32 s24, s25;
	s26 =	sadd.s32 $0xFFFE79E0, s18;
	s18 =	ssub.s32 $0x186A0, s18  }
0x18: {  	v63 =	vld [tilespmem:s17+$0xFFFFFFC0];
	[tilespmem:s19+$0x1020 ss:$0x81] =	vst.msk $0xffff, v58;
	s23 =	sshrl.u32 s29, $0x4;
	p1 =	sgt.s32 s26, $0x7F;
	s28 =	sadd.s32 $0xFFFFF080, s22  }
0x19: {  	[tilespmem:s19+$0x1830 ss:$0x81] =	vst.msk $0xffff, v59;
	s22 =	ssub.s32 $0x1000, s22;
	s27 =	smul.u32 $0x186A0, s23;
	p2 =	sgt.s32 s28, $0x7F  }
0x1a: {  	s30 =	sand.u32 $0x7, s10;
	[tilespmem:s19+$0x2040 ss:$0x81] =	vst.msk $0xffff, v60;
	s18 =	simm.s32 @p1 $0x0;
	s22 =	simm.s32 @p2 $0x0  }
0x1b: {  	[tilespmem:s19+$0x2850 ss:$0x81] =	vst.msk $0xffff, v61;
	s29 =	sshrl.u32 s21, $0x3;
	s17 =	ssub.s32 s20, s27;
	s18 =	smul.u32 s22, s18  }
0x1c: {  	[tilespmem:s19+$0x3060 ss:$0x81] =	vst.msk $0xffff, v62;
	s21 =	sshll.u32 s30, $0x12;
	s20 =	sadd.s32 s3, s29;
	s17 =	sshll.u32 s17, $0x9  }
0x1d: {  	[tilespmem:s19+$0x0 ss:$0x81] =	vst.msk $0xffff, v63;
	s31 =	sor.u32 $0x400, s21;
	s18 =	sand.u32 $0x3FFFFFFF, s18;
	s17 =	sadd.s32 s17, s20  }
0x1e: {  	[hbm4b:s17+s31] =	stream.strided.scatter [tilespmem:s16], [sflag:$0x2], s18, s8, s31, $0x20;
	[tilespmem:$0x10100] =	vst v63  }
.LBB1_5:
0x1f: {  	p1 =	slt.u32 s13, $0x2  }
0x20: {  	s17 =	smov.u32 s15;
	p2 =	sgt.s32 @!p1 s15, $0x18620;
	s16 =	sshra.s32 @!p1 s15, $0x1F  }
0x21: {  	p3 =	sgt.s32 @!p1 s14, $0xF80;
	s18 =	sshra.s32 @!p1 s14, $0x1F;
	p2 =	por !p2, p1  }
0x22: {  	s15 =	sand.u32 @!p1 s16, s15;
	p3 =	por !p3, p1;
	s16 =	smov.u32 s14  }
0x23: {  	s14 =	sand.u32 @!p1 s18, s14;
	s17 =	simm.s32 @p2 $0x18620;
	s16 =	simm.s32 @p3 $0xF80  }
0x24: {  	s15 =	ssub.s32 @!p1 s17, s15;
	s14 =	ssub.s32 @!p1 s16, s14  }
0x25: {  	s18 =	smov.u32 s12;
	s16 =	sadd.s32 @!p1 $0xFFFE79E0, s15;
	s17 =	sadd.s32 @!p1 $0xFFFFF080, s14  }
0x26: {  	s15 =	ssub.s32 @!p1 $0x186A0, s15;
	p2 =	sgt.s32 @!p1 s16, $0x7F;
	p3 =	sgt.s32 @!p1 s17, $0x7F  }
0x27: {  	s14 =	ssub.s32 @!p1 $0x1000, s14;
	p2 =	por !p2, p1;
	p3 =	por !p3, p1  }
0x28: {  	s16 =	sadd.s32 $0x80, s11;
	s15 =	simm.s32 @!p2 $0x0;
	s14 =	simm.s32 @!p3 $0x0  }
0x29: {  	p2 =	sgt.s32 s16, $0x1869F;
	s14 =	smul.u32 @!p1 s14, s15;
	s15 =	sadd.s32 $0x1000, s12  }
0x2a: {  	s18 =	smov.u32 @p2 s15  }
0x2b: {  	s16 =	simm.s32 @p2 $0x0;
	p2 =	sgt.s32 s18, $0xFFF  }
0x2c: {  	s18 =	smov.u32 @p2 s2;
	p2 =	sne.s32 s13, s7  }
.Ltmp1:
0x2d: {  	p0 =	por !p0, !p0;
	s17 =	simm.s32 @!p1 $0x2;
	(pc) =	sbr.rel @!p2 .LBB1_6-.Ltmp1, $4  }
0x2e: {  	s15 =	smov.u32 s9;
	s9 =	smov.u32 s11;
	s14 =	sand.u32 @!p1 $0x3FFFFFFF, s14  }
0x2f: {  	s11 =	smov.u32 s16;
	_ =	swait.ge @!p1 [sflag:s17], s14;
	s19 =	ssub.s32 @!p1 $0x0, s14  }
0x30: {  	s14 =	smov.u32 s10;
	s13 =	sadd.s32 $0x1, s13;
	[sflag:s17] =	ssyncset.done @!p1 $0x0  }
0x31: {  	s10 =	smov.u32 s12;
	s12 =	smov.u32 s18;
	[sflag:s17] =	ssyncadd.s32 @!p1 s19  }
.LBB1_1:
0x32: {  	p1 =	sge.u32 s13, s5  }
0x33: {  	s16 =	sshrl.u32 @!p1 s12, $0x3  }
0x34: {  	s17 =	sshll.u32 @!p1 s11, $0x3;
	s16 =	smul.u32 @!p1 $0xC3800, s16  }
0x35: {  	s18 =	sshll.u32 @!p1 s12, $0x7;
	s17 =	sand.u32 @!p1 $0xFFFFFC00, s17  }
0x36: {  	s16 =	sadd.s32 @!p1 s16, s17;
	s17 =	sand.u32 @!p1 $0x380, s18  }
0x37: {  	s18 =	sand.u32 @!p1 $0x7F, s11;
	s16 =	sor.u32 @!p1 s17, s16  }
0x38: {  	s17 =	sor.u32 @!p1 s18, s16  }
0x39: {  	s18 =	smulhi.u32 @!p1 $0xA79C7B17, s17;
	_ =	sdelay $0x1  }
0x3a: {  	s16 =	smulhi.u32 @!p1 $0xA79C7B17, s16;
	s18 =	sshrl.u32 @!p1 s18, $0x10  }
0x3b: {  	s18 =	smul.u32 @!p1 $0x18700, s18  }
0x3c: {  	s31 =	sadd.s32 $0xFFFFFFFF, s13;
	s19 =	sxor.u32 @!p1 $0xFFFFFFFF, s13;
	s16 =	sshrl.u32 @!p1 s16, $0x10  }
0x3d: {  	s19 =	sshll.u32 @!p1 s19, $0xE;
	s16 =	sand.u32 @!p1 $0xFFF, s16;
	s17 =	ssub.s32 @!p1 s17, s18  }
0x3e: {  	s16 =	smul.u32 @!p1 $0x30E0, s16;
	s18 =	sshrl.u32 @!p1 s17, $0x3;
	s17 =	sand.u32 @!p1 $0x7, s17  }
0x3f: {  	s19 =	sand.u32 @!p1 $0x4000, s19;
	s18 =	sadd.s32 @!p1 s6, s18;
	s17 =	sshll.u32 @!p1 s17, $0x12  }
0x40: {  	s16 =	sadd.s32 @!p1 s16, s18;
	s17 =	sor.u32 @!p1 $0x400, s17;
	s18 =	simm.s32 @!p1 $0xC3800  }
0x41: {  	[tilespmem:s19], [sflag:$0x1] =	stream.strided.gather @!p1 [hbm4b:s16+s17], $0x4000, s18, s17, $0x38;
	[tilespmem:$0x10100] =	vst v63  }
0x42: {  	p1 =	sge.u32 s31, s5  }
.Ltmp2:
0x43: {  	_ = 	snop;
	(pc) =	sbr.rel @p1 .LBB1_5-.Ltmp2, $1  }
0x44: {  	_ =	sdelay $0x3  }
0x45: {  	s16 =	simm.s32 $0x1  }
0x46: {  	_ =	swait.ge [sflag:s4], $0x4000;
	s16 =	simm.s32 @!p0 $0x0  }
0x47: {  	[sflag:s4] =	ssyncset.done $0x0;
	s17 =	sshll.u32 s16, $0xE  }
0x48: {  	[sflag:s4] =	ssyncadd.s32 $0xFFFFC000;
	s17 =	sor.u32 $0x40, s17  }
0x49: {  	s16 =	smul.u32 $0x10200, s16;
	v0 =	vld [tilespmem:s17+$0x30]  }
0x4a: {  	v1 =	vld [tilespmem:s17+$0xFFFFFFD0]  }
0x4b: {  	s16 =	sshrl.u32 s16, $0x2;
	v5 =	vld [tilespmem:s17+$0xFFFFFFE0]  }
0x4c: {  	v6 =	vld [tilespmem:s17+$0xFFFFFFF0];
	s19 =	sor.u32 $0x8000, s16  }
0x4d: {  	s31 =	sand.u32 $0x1, s13;
	v4 =	vld [tilespmem:s17+$0x0];
	s18 =	sadd.s32 $0x0, s19  }
0x4e: {  	v3 =	vld [tilespmem:s17+$0x10];
	s16 =	smul.u32 $0x10200, s31;
	[tilespmem:s18+$0x3870 ss:$0x81] =	vst.msk $0xffff, v0  }
0x4f: {  	v2 =	vld [tilespmem:s17+$0x20];
	[tilespmem:s18+$0x810 ss:$0x81] =	vst.msk $0xffff, v1  }
0x50: {  	s16 =	sshrl.u32 s16, $0x2;
	v1 =	vld [tilespmem:s17+$0xFFFFFFC0];
	[tilespmem:s18+$0x1020 ss:$0x81] =	vst.msk $0xffff, v5;
	s17 =	sadd.s32 $0x80, s17  }
0x51: {  	s20 =	simm.s32 $0x4;
	s21 =	simm.s32 $0x8;
	s16 =	sor.u32 $0x8000, s16;
	[tilespmem:s18+$0x1830 ss:$0x81] =	vst.msk $0xffff, v6;
	v0 =	vld [tilespmem:s17+$0x30]  }
.LBB1_3:
0x52: {  	p1 =	sne.s32 s21, $0x1FC;
	v5 =	vld [tilespmem:s17+$0xFFFFFFD0];
	[tilespmem:s18+$0x2040 ss:$0x81] =	vst.msk $0xffff, v4  }
0x53: {  	v6 =	vld [tilespmem:s17+$0xFFFFFFE0];
	[tilespmem:s18+$0x2850 ss:$0x81] =	vst.msk $0xffff, v3  }
0x54: {  	s22 =	sshra.s32 s20, $0x2;
	s20 =	smov.u32 s21;
	v7 =	vld [tilespmem:s17+$0xFFFFFFF0];
	[tilespmem:s18+$0x3060 ss:$0x81] =	vst.msk $0xffff, v2  }
.Ltmp3:
0x55: {  	v4 =	vld [tilespmem:s17+$0x0];
	[tilespmem:s18+$0x0 ss:$0x81] =	vst.msk $0xffff, v1;
	s18 =	sadd.s32 s22, s19;
	(pc) =	sbr.rel @p1 .LBB1_3-.Ltmp3, $4  }
0x56: {  	v3 =	vld [tilespmem:s17+$0x10];
	[tilespmem:s18+$0x3870 ss:$0x81] =	vst.msk $0xffff, v0  }
0x57: {  	[tilespmem:s18+$0x810 ss:$0x81] =	vst.msk $0xffff, v5;
	v2 =	vld [tilespmem:s17+$0x20]  }
0x58: {  	v1 =	vld [tilespmem:s17+$0xFFFFFFC0];
	[tilespmem:s18+$0x1020 ss:$0x81] =	vst.msk $0xffff, v6;
	s17 =	sadd.s32 $0x80, s17  }
0x59: {  	s21 =	sadd.s32 $0x4, s21;
	v0 =	vld [tilespmem:s17+$0x30];
	[tilespmem:s18+$0x1830 ss:$0x81] =	vst.msk $0xffff, v7  }
.Ltmp4:
0x5a: {  	_ = 	snop;
	(pc) =	sbr.rel .LBB1_4-.Ltmp4, $1  }
0x5b: {  	_ =	sdelay $0x3  }
.LBB1_6:
0x5c: {  	_ =	sfence.sel $0x180000  }
0x5d: {  	s2 =	simm.s32 $0x1;
	[bflag:$0x0] =	sbarrier.arrive $0xFFFF  }
0x5e: {  	s31 =	simm.s32 $0x2;
	[sflag:s2] =	ssyncpa.u1 $0x1  }
0x5f: {  	[sflag:s31] =	ssyncpa.u1 $0x1  }
0x60: {  	p0 =	sne.s32 s0, $0x0;
	_ =	strace $0x9000004A  }
0x61: {  	s0 =	sadd.s32 @!p0 $0x100000, s1;
	[bflag:$0x2] =	sbarrier.arrive $0xFFFF  }
0x62: {  	[sflag:s0] =	ssyncadd.tile.s32 @!p0 $0x1;
	_ =	shalt  }
.Lfunc_end1:
_tile_overlayer_lowered:
.L_overlay_start_2:
0x63: {  	(tag) =	ssettag $0x2  }
0x64: {  	s0 =	rddreg [dreg:$0x0];
	s2 =	stileid.u32  }
0x65: {  	s1 =	rddreg [dreg:$0x1];
	p0 =	sne.s32 s2, $0x0  }
0x66: {  	s3 =	rddreg [dreg:$0x2];
	[bflag:$0x3] =	sbarrier.arrive $0xFFFF;
	s2 =	simm.s32 @!p0 $0x1C01  }
0x67: {  	[timem:s3], [sflag:s2] =	dma.local @!p0 [hbm:s0], s1  }
0x68: {  	s0 =	simm.s32 @!p0 $0x1  }
0x69: {  	_ =	swait.ge @!p0 [sflag:s0], s1  }
0x6a: {  	s1 =	ssub.s32 @!p0 $0x0, s1;
	[sflag:s0] =	ssyncset.done @!p0 $0x0  }
0x6b: {  	[sflag:s0] =	ssyncadd.s32 @!p0 s1  }
0x6c: {  	[bflag:$0x3] =	sbarrier.arrive $0xFFFF  }
0x6d: {  	_ =	shalt  }

</sc_bundles>
